<compile_context>
chip_gen: v7x
topology: tpu7x:2x2x1
jax: 0.10.2.dev20260603
libtpu: 0.0.44.dev20260713+nightly
codegen_flags: <defaults>
</compile_context>

<pallas_src>
import functools

import jax
import jax.numpy as jnp
import numpy as np
from jax import lax
from jax.experimental import pallas as pl
from jax.experimental.pallas import tpu as pltpu
from jax.experimental.pallas import tpu_sc as plsc

N = 10000
E = 320000
D = 128
H = 128
C = 16
S = 512
L = 128

NC = 2
NS = 16
NW = NC * NS
KC = 80
TOT_E = NW * KC * 128
NTAB = 10112
KP = S * L // (NW * 128)

_MESH = plsc.VectorSubcoreMesh(core_axis_name="c", subcore_axis_name="s")


NBUF = 2


def _gs_body(k_chunks, n_acc, table, srcix, dstix, zeros, out,
             src_v, dst_v, rows_v, acc_sh, gsem, ssem):
    c = lax.axis_index("c")
    s = lax.axis_index("s")
    wid = s * NC + c
    g = k_chunks // 2

    zpt = n_acc // NS
    pltpu.sync_copy(zeros.at[pl.ds(s * zpt, zpt)],
                    acc_sh.at[pl.ds(s * zpt, zpt)])
    plsc.subcore_barrier()

    def _gather_start(j, b):
        pltpu.async_copy(table.at[src_v.at[j]], rows_v[b], gsem[b])

    def _gather_wait(j, b):
        pltpu.make_async_copy(table.at[src_v.at[j]], rows_v[b],
                              gsem[b]).wait()

    def _scatter_start(j, b):
        pltpu.async_copy(rows_v[b], acc_sh.at[dst_v.at[j]], ssem[b],
                         add=True)

    def _scatter_wait(j, b):
        pltpu.make_async_copy(rows_v[b], acc_sh.at[dst_v.at[j]],
                              ssem[b]).wait()

    for h in range(2):
        pltpu.sync_copy(srcix.at[pl.ds(wid * k_chunks + h * g, g)], src_v)
        pltpu.sync_copy(dstix.at[pl.ds(wid * k_chunks + h * g, g)], dst_v)

        for b in range(NBUF):
            _gather_start(b, b)

        def body(t, carry):
            j0 = t * NBUF
            for b in range(NBUF):
                _gather_wait(j0 + b, b)
                _scatter_start(j0 + b, b)
            for b in range(NBUF):
                _scatter_wait(j0 + b, b)
                _gather_start(j0 + NBUF + b, b)
            return carry

        lax.fori_loop(0, g // NBUF - 1, body, 0)
        j0 = g - NBUF
        for b in range(NBUF):
            _gather_wait(j0 + b, b)
            _scatter_start(j0 + b, b)
        for b in range(NBUF):
            _scatter_wait(j0 + b, b)

    plsc.subcore_barrier()
    rpt = n_acc // NS
    pltpu.sync_copy(acc_sh.at[pl.ds(s * rpt, rpt)],
                    out.at[c, pl.ds(s * rpt, rpt)])


def _gs_pass(table, srcix, dstix, zeros, k_chunks, n_acc):
    f = pl.kernel(
        functools.partial(_gs_body, k_chunks, n_acc),
        out_type=jax.ShapeDtypeStruct((NC, n_acc, H), jnp.float32),
        mesh=_MESH,
        scratch_types=[
            pltpu.VMEM((k_chunks // 2, 128), jnp.int32),
            pltpu.VMEM((k_chunks // 2, 128), jnp.int32),
            [pltpu.VMEM((128, H), jnp.float32) for _ in range(NBUF)],
            pltpu.VMEM_SHARED((n_acc, H), jnp.float32),
            [pltpu.SemaphoreType.DMA for _ in range(NBUF)],
            [pltpu.SemaphoreType.DMA for _ in range(NBUF)],
        ],
    )
    return f(table, srcix, dstix, zeros)


EPT = E // NW


def _deg_body(dst1d, zeros1d, out, dst_v, hist_v):
    c = lax.axis_index("c")
    s = lax.axis_index("s")
    wid = s * NC + c

    pltpu.sync_copy(zeros1d, hist_v)
    pltpu.sync_copy(dst1d.at[pl.ds(wid * EPT, EPT)], dst_v)

    def body(j, carry):
        for i in range(8):
            idx = dst_v[pl.ds(j * 128 + i * 16, 16)]
            counts, last = plsc.scan_count(idx)
            plsc.addupdate_scatter(
                hist_v, [idx], counts.astype(jnp.float32), mask=last)
        return carry

    lax.fori_loop(0, EPT // 128, body, 0)
    for i in range((EPT % 128) // 16):
        idx = dst_v[pl.ds((EPT // 128) * 128 + i * 16, 16)]
        counts, last = plsc.scan_count(idx)
        plsc.addupdate_scatter(
            hist_v, [idx], counts.astype(jnp.float32), mask=last)
    pltpu.sync_copy(hist_v, out.at[wid])


def _deg_pass(dst1d, zeros1d):
    f = pl.kernel(
        _deg_body,
        out_type=jax.ShapeDtypeStruct((NW, NTAB), jnp.float32),
        mesh=_MESH,
        scratch_types=[
            pltpu.VMEM((EPT,), jnp.int32),
            pltpu.VMEM((NTAB,), jnp.float32),
        ],
        compiler_params=pltpu.CompilerParams(needs_layout_passes=False),
    )
    return f(dst1d, zeros1d)


_PAD = TOT_E - E
_PAD_SRC = np.arange(_PAD, dtype=np.int32) % N
_PAD_DST = N + np.arange(_PAD, dtype=np.int32) % (NTAB - N)


def _dis_from(degp_ref):
    deg = jnp.sum(degp_ref[...], axis=0)[:, None] + 1.0
    rows = lax.broadcasted_iota(jnp.int32, (NTAB, 1), 0)
    return jnp.where(rows < N, lax.rsqrt(deg), 0.0)


def _tc1_body(xp_ref, w1_ref, degp_ref, ht1_ref):
    dis = _dis_from(degp_ref)
    hw = jnp.dot(xp_ref[...], w1_ref[...], preferred_element_type=jnp.float32)
    ht1_ref[...] = dis * hw


def _tc2_body(p_ref, ht1_ref, degp_ref, b1_ref, w2_ref, ht2_ref):
    dis = _dis_from(degp_ref)
    h1 = dis * (p_ref[0] + p_ref[1] + ht1_ref[...]) + b1_ref[...]
    h1 = jnp.maximum(h1, 0.0)
    ht2_ref[...] = dis * jnp.dot(h1, w2_ref[...],
                                 preferred_element_type=jnp.float32)


def _tc3_body(q_ref, ht2_ref, degp_ref, b2_ref, h2_ref):
    dis = _dis_from(degp_ref)
    h2_ref[...] = dis * (q_ref[0] + q_ref[1] + ht2_ref[...]) + b2_ref[...]


def _tc4_body(pp_ref, wc_ref, bc_ref, out_ref):
    emb = (pp_ref[0] + pp_ref[1]) * (1.0 / L)
    out_ref[...] = jnp.dot(emb, wc_ref[...],
                           preferred_element_type=jnp.float32) + bc_ref[...]


def _tc_call(body, out_shape, *args):
    return pl.pallas_call(
        body, out_shape=jax.ShapeDtypeStruct(out_shape, jnp.float32))(*args)


@jax.jit
def kernel(x, edge_index, subgraphs, W1, b1, W2, b2, Wc, bc):
    x2 = jnp.squeeze(x, axis=1)
    xp = jnp.zeros((NTAB, D), jnp.float32).at[:N].set(x2)

    src = edge_index[0].astype(jnp.int32)
    dst = edge_index[1].astype(jnp.int32)
    srcp = jnp.concatenate([src, jnp.asarray(_PAD_SRC)]).reshape(NW * KC, 128)
    dstp = jnp.concatenate([dst, jnp.asarray(_PAD_DST)]).reshape(NW * KC, 128)

    sub_ix = subgraphs.astype(jnp.int32)
    pool_dst = jnp.broadcast_to(
        jnp.arange(S, dtype=jnp.int32)[:, None], (S, L))

    zeros_big = jnp.zeros((NTAB, H), jnp.float32)
    zeros1d = jnp.zeros((NTAB,), jnp.float32)

    degp = _deg_pass(dst, zeros1d)
    ht1 = _tc_call(_tc1_body, (NTAB, H), xp, W1, degp)
    p1 = _gs_pass(ht1, srcp, dstp, zeros_big, KC, NTAB)
    ht2 = _tc_call(_tc2_body, (NTAB, H), p1, ht1, degp, b1, W2)
    p2 = _gs_pass(ht2, srcp, dstp, zeros_big, KC, NTAB)
    h2 = _tc_call(_tc3_body, (NTAB, H), p2, ht2, degp, b2)
    pp = _gs_pass(h2, sub_ix, pool_dst, zeros_big, KP, S)
    out = _tc_call(_tc4_body, (S, C), pp, Wc, bc)
    return out

# --- scband reference (transcript-rebuilt; emitter-appended) ---
"""Pipeline reference for scband-gnnsubgraph-classifier-59176059404815 (READ-ONLY COPY).

The authoritative reference and input builder live on the scoring server;
editing this copy changes nothing except your own understanding.
"""

import jax, jax.numpy as jnp
import numpy as np

N = 10000
E = 320000
D = 128
H = 128
C = 16
S = 512
L = 128


def setup_inputs(seed: int = 0):
    key = jax.random.key(seed)
    ks = jax.random.split(key, 9)
    x = jax.random.normal(ks[0], (N, 1, D), dtype=jnp.float32)
    edge_index = jax.random.randint(ks[1], (2, E), 0, N)
    subgraphs = jax.random.randint(ks[2], (S, L), 0, N)
    W1 = jax.random.normal(ks[3], (D, H), dtype=jnp.float32) * (1.0 / np.sqrt(D))
    b1 = jnp.zeros((H,), dtype=jnp.float32)
    W2 = jax.random.normal(ks[4], (H, H), dtype=jnp.float32) * (1.0 / np.sqrt(H))
    b2 = jnp.zeros((H,), dtype=jnp.float32)
    Wc = jax.random.normal(ks[5], (H, C), dtype=jnp.float32) * (1.0 / np.sqrt(H))
    bc = jnp.zeros((C,), dtype=jnp.float32)
    return {"x": x, "edge_index": edge_index, "subgraphs": subgraphs,
            "W1": W1, "b1": b1, "W2": W2, "b2": b2, "Wc": Wc, "bc": bc}


def _gcn_conv(h, src, dst, norm, W, b):
    # GCNConv: x' = D^{-1/2} (A + I) D^{-1/2} X W + b
    h = h @ W
    msg = h[src] * norm[:, None]
    out = jnp.zeros((N, h.shape[1]), dtype=h.dtype).at[dst].add(msg)
    return out + b


def reference(x, edge_index, subgraphs, W1, b1, W2, b2, Wc, bc):
    loops = jnp.arange(N, dtype=edge_index.dtype)
    src = jnp.concatenate([edge_index[0], loops])
    dst = jnp.concatenate([edge_index[1], loops])
    deg = jnp.zeros((N,), dtype=jnp.float32).at[dst].add(1.0)
    dis = jnp.where(deg > 0, 1.0 / jnp.sqrt(deg), 0.0)
    norm = dis[src] * dis[dst]

    h = jnp.squeeze(x, axis=1)
    h = _gcn_conv(h, src, dst, norm, W1, b1)
    h = jax.nn.relu(h)
    # dropout is identity in eval mode
    h = _gcn_conv(h, src, dst, norm, W2, b2)

    # subgraph mean pooling over valid (>= 0) node ids, vectorized
    mask = subgraphs >= 0
    idx = jnp.where(mask, subgraphs, 0)
    gathered = h[idx]  # [S, L, H]
    maskf = mask.astype(h.dtype)
    summed = jnp.sum(gathered * maskf[:, :, None], axis=1)
    cnt = jnp.maximum(jnp.sum(maskf, axis=1, keepdims=True), 1.0)
    emb = summed / cnt
    out = emb @ Wc + bc
    return out

if __name__ == "__main__":
    import jax
    _d = setup_inputs()
    print(jax.jit(kernel)(*tuple(_d.values())))

</pallas_src>

<mosaic_0001>
#map = affine_map<(d0, d1) -> (0)>
#map1 = affine_map<(d0, d1) -> (0, 0)>
module attributes {stable_mosaic.version = 14 : i64} {
  func.func @_deg_body(%arg0: i32, %arg1: i32, %arg2: memref<320000xi32, #tpu.memory_space<hbm>>, %arg3: memref<10112xf32, #tpu.memory_space<hbm>>, %arg4: memref<32x10112xf32, #tpu.memory_space<hbm>>, %arg5: memref<10000xi32, #tpu.memory_space<vmem>>, %arg6: memref<10112xf32, #tpu.memory_space<vmem>>) attributes {dimension_semantics = [#tpu.dimension_semantics<core_parallel>, #tpu.dimension_semantics<subcore_parallel>], iteration_bounds = array<i64: 2, 16>, scalar_prefetch = 0 : i64, scratch_operands = 2 : i64, tpu.core_type = #tpu.core_type<sc_vector_subcore>, window_params = [{transform_indices = #map}, {transform_indices = #map}, {transform_indices = #map1}]} {
    %mul3A = arith.constant 2 : i32
    %mul3A_0 = arith.muli %arg1, %mul3A : i32
    %add3A = arith.addi %mul3A_0, %arg0 : i32
    "tpu.region"() ({
      %run_scoped3A = tpu.sem_alloc : memref<!tpu.dma_semaphore, #tpu.memory_space<semaphore_mem>>
      tpu.enqueue_dma source(%arg3 : memref<10112xf32, #tpu.memory_space<hbm>>) target(%arg6 : memref<10112xf32, #tpu.memory_space<vmem>>) target_semaphore(%run_scoped3A : memref<!tpu.dma_semaphore, #tpu.memory_space<semaphore_mem>>)
      tpu.wait_dma2 semaphore(%run_scoped3A : memref<!tpu.dma_semaphore, #tpu.memory_space<semaphore_mem>>) src(%arg3 : memref<10112xf32, #tpu.memory_space<hbm>>) dst(%arg6 : memref<10112xf32, #tpu.memory_space<vmem>>)
      tpu.yield
    }) : () -> ()
    %mul3A_1 = arith.constant 10000 : i32
    %mul3A_2 = arith.muli %add3A, %mul3A_1 : i32
    "tpu.region"() ({
      %run_scoped3A = tpu.sem_alloc : memref<!tpu.dma_semaphore, #tpu.memory_space<semaphore_mem>>
      %dma_start3A = tpu.memref_slice %arg2[%mul3A_2] : memref<320000xi32, #tpu.memory_space<hbm>> -> memref<10000xi32, #tpu.memory_space<hbm>>
      %dma_start3A_11 = tpu.memref_slice %arg2[%mul3A_2] : memref<320000xi32, #tpu.memory_space<hbm>> -> memref<10000xi32, #tpu.memory_space<hbm>>
      tpu.enqueue_dma source(%dma_start3A_11 : memref<10000xi32, #tpu.memory_space<hbm>>) target(%arg5 : memref<10000xi32, #tpu.memory_space<vmem>>) target_semaphore(%run_scoped3A : memref<!tpu.dma_semaphore, #tpu.memory_space<semaphore_mem>>)
      %dma_wait3A = tpu.memref_slice %arg2[%mul3A_2] : memref<320000xi32, #tpu.memory_space<hbm>> -> memref<10000xi32, #tpu.memory_space<hbm>>
      %dma_wait3A_12 = tpu.memref_slice %arg2[%mul3A_2] : memref<320000xi32, #tpu.memory_space<hbm>> -> memref<10000xi32, #tpu.memory_space<hbm>>
      tpu.wait_dma2 semaphore(%run_scoped3A : memref<!tpu.dma_semaphore, #tpu.memory_space<semaphore_mem>>) src(%dma_wait3A_12 : memref<10000xi32, #tpu.memory_space<hbm>>) dst(%arg5 : memref<10000xi32, #tpu.memory_space<vmem>>)
      tpu.yield
    }) : () -> ()
    %scan3A = arith.constant 0 : i32
    %scan3A_3 = arith.constant 0 : i32
    %scan3A_4 = arith.constant 78 : i32
    %scan3A_5 = arith.addi %scan3A_3, %scan3A_4 : i32
    %scan3A_6 = arith.constant 1 : i32
    scf.for %scan3A_11 = %scan3A_3 to %scan3A_5 step %scan3A_6  : i32 {
      %mul3A_12 = arith.constant 128 : i32
      %mul3A_13 = arith.muli %scan3A_11, %mul3A_12 : i32
      %add3A_14 = arith.constant 0 : i32
      %add3A_15 = arith.addi %mul3A_13, %add3A_14 : i32
      %get3A_16 = arith.index_cast %add3A_15 : i32 to index
      %get3A_17 = tpu.vector_load %arg5[%get3A_16] {strides = array<i32>} : memref<10000xi32, #tpu.memory_space<vmem>>, vector<16xi32>,
      %broadcast_in_dim3A_18 = arith.constant true
      %broadcast_in_dim3A_19 = vector.broadcast %broadcast_in_dim3A_18 : i1 to vector<16xi1>
      %unique3A_20, %unique3A_21 = tpu.scan_count mask(%broadcast_in_dim3A_19 : vector<16xi1>) value(%get3A_17 : vector<16xi32>) : vector<16xi1>, vector<16xi32>
      %convert_element_type3A_22 = arith.sitofp %unique3A_21 : vector<16xi32> to vector<16xf32>
      tpu.vector_store_idx %arg6[%get3A_17], %convert_element_type3A_22 masked %unique3A_20 {add = true} : memref<10112xf32, #tpu.memory_space<vmem>>[vector<16xi32>], vector<16xf32>, vector<16xi1>
      %mul3A_23 = arith.constant 128 : i32
      %mul3A_24 = arith.muli %scan3A_11, %mul3A_23 : i32
      %add3A_25 = arith.constant 16 : i32
      %add3A_26 = arith.addi %mul3A_24, %add3A_25 : i32
      %get3A_27 = arith.index_cast %add3A_26 : i32 to index
      %get3A_28 = tpu.vector_load %arg5[%get3A_27] {strides = array<i32>} : memref<10000xi32, #tpu.memory_space<vmem>>, vector<16xi32>,
      %broadcast_in_dim3A_29 = arith.constant true
      %broadcast_in_dim3A_30 = vector.broadcast %broadcast_in_dim3A_29 : i1 to vector<16xi1>
      %unique3A_31, %unique3A_32 = tpu.scan_count mask(%broadcast_in_dim3A_30 : vector<16xi1>) value(%get3A_28 : vector<16xi32>) : vector<16xi1>, vector<16xi32>
      %convert_element_type3A_33 = arith.sitofp %unique3A_32 : vector<16xi32> to vector<16xf32>
      tpu.vector_store_idx %arg6[%get3A_28], %convert_element_type3A_33 masked %unique3A_31 {add = true} : memref<10112xf32, #tpu.memory_space<vmem>>[vector<16xi32>], vector<16xf32>, vector<16xi1>
      %mul3A_34 = arith.constant 128 : i32
      %mul3A_35 = arith.muli %scan3A_11, %mul3A_34 : i32
      %add3A_36 = arith.constant 32 : i32
      %add3A_37 = arith.addi %mul3A_35, %add3A_36 : i32
      %get3A_38 = arith.index_cast %add3A_37 : i32 to index
      %get3A_39 = tpu.vector_load %arg5[%get3A_38] {strides = array<i32>} : memref<10000xi32, #tpu.memory_space<vmem>>, vector<16xi32>,
      %broadcast_in_dim3A_40 = arith.constant true
      %broadcast_in_dim3A_41 = vector.broadcast %broadcast_in_dim3A_40 : i1 to vector<16xi1>
      %unique3A_42, %unique3A_43 = tpu.scan_count mask(%broadcast_in_dim3A_41 : vector<16xi1>) value(%get3A_39 : vector<16xi32>) : vector<16xi1>, vector<16xi32>
      %convert_element_type3A_44 = arith.sitofp %unique3A_43 : vector<16xi32> to vector<16xf32>
      tpu.vector_store_idx %arg6[%get3A_39], %convert_element_type3A_44 masked %unique3A_42 {add = true} : memref<10112xf32, #tpu.memory_space<vmem>>[vector<16xi32>], vector<16xf32>, vector<16xi1>
      %mul3A_45 = arith.constant 128 : i32
      %mul3A_46 = arith.muli %scan3A_11, %mul3A_45 : i32
      %add3A_47 = arith.constant 48 : i32
      %add3A_48 = arith.addi %mul3A_46, %add3A_47 : i32
      %get3A_49 = arith.index_cast %add3A_48 : i32 to index
      %get3A_50 = tpu.vector_load %arg5[%get3A_49] {strides = array<i32>} : memref<10000xi32, #tpu.memory_space<vmem>>, vector<16xi32>,
      %broadcast_in_dim3A_51 = arith.constant true
      %broadcast_in_dim3A_52 = vector.broadcast %broadcast_in_dim3A_51 : i1 to vector<16xi1>
      %unique3A_53, %unique3A_54 = tpu.scan_count mask(%broadcast_in_dim3A_52 : vector<16xi1>) value(%get3A_50 : vector<16xi32>) : vector<16xi1>, vector<16xi32>
      %convert_element_type3A_55 = arith.sitofp %unique3A_54 : vector<16xi32> to vector<16xf32>
      tpu.vector_store_idx %arg6[%get3A_50], %convert_element_type3A_55 masked %unique3A_53 {add = true} : memref<10112xf32, #tpu.memory_space<vmem>>[vector<16xi32>], vector<16xf32>, vector<16xi1>
      %mul3A_56 = arith.constant 128 : i32
      %mul3A_57 = arith.muli %scan3A_11, %mul3A_56 : i32
      %add3A_58 = arith.constant 64 : i32
      %add3A_59 = arith.addi %mul3A_57, %add3A_58 : i32
      %get3A_60 = arith.index_cast %add3A_59 : i32 to index
      %get3A_61 = tpu.vector_load %arg5[%get3A_60] {strides = array<i32>} : memref<10000xi32, #tpu.memory_space<vmem>>, vector<16xi32>,
      %broadcast_in_dim3A_62 = arith.constant true
      %broadcast_in_dim3A_63 = vector.broadcast %broadcast_in_dim3A_62 : i1 to vector<16xi1>
      %unique3A_64, %unique3A_65 = tpu.scan_count mask(%broadcast_in_dim3A_63 : vector<16xi1>) value(%get3A_61 : vector<16xi32>) : vector<16xi1>, vector<16xi32>
      %convert_element_type3A_66 = arith.sitofp %unique3A_65 : vector<16xi32> to vector<16xf32>
      tpu.vector_store_idx %arg6[%get3A_61], %convert_element_type3A_66 masked %unique3A_64 {add = true} : memref<10112xf32, #tpu.memory_space<vmem>>[vector<16xi32>], vector<16xf32>, vector<16xi1>
      %mul3A_67 = arith.constant 128 : i32
      %mul3A_68 = arith.muli %scan3A_11, %mul3A_67 : i32
      %add3A_69 = arith.constant 80 : i32
      %add3A_70 = arith.addi %mul3A_68, %add3A_69 : i32
      %get3A_71 = arith.index_cast %add3A_70 : i32 to index
      %get3A_72 = tpu.vector_load %arg5[%get3A_71] {strides = array<i32>} : memref<10000xi32, #tpu.memory_space<vmem>>, vector<16xi32>,
      %broadcast_in_dim3A_73 = arith.constant true
      %broadcast_in_dim3A_74 = vector.broadcast %broadcast_in_dim3A_73 : i1 to vector<16xi1>
      %unique3A_75, %unique3A_76 = tpu.scan_count mask(%broadcast_in_dim3A_74 : vector<16xi1>) value(%get3A_72 : vector<16xi32>) : vector<16xi1>, vector<16xi32>
      %convert_element_type3A_77 = arith.sitofp %unique3A_76 : vector<16xi32> to vector<16xf32>
      tpu.vector_store_idx %arg6[%get3A_72], %convert_element_type3A_77 masked %unique3A_75 {add = true} : memref<10112xf32, #tpu.memory_space<vmem>>[vector<16xi32>], vector<16xf32>, vector<16xi1>
      %mul3A_78 = arith.constant 128 : i32
      %mul3A_79 = arith.muli %scan3A_11, %mul3A_78 : i32
      %add3A_80 = arith.constant 96 : i32
      %add3A_81 = arith.addi %mul3A_79, %add3A_80 : i32
      %get3A_82 = arith.index_cast %add3A_81 : i32 to index
      %get3A_83 = tpu.vector_load %arg5[%get3A_82] {strides = array<i32>} : memref<10000xi32, #tpu.memory_space<vmem>>, vector<16xi32>,
      %broadcast_in_dim3A_84 = arith.constant true
      %broadcast_in_dim3A_85 = vector.broadcast %broadcast_in_dim3A_84 : i1 to vector<16xi1>
      %unique3A_86, %unique3A_87 = tpu.scan_count mask(%broadcast_in_dim3A_85 : vector<16xi1>) value(%get3A_83 : vector<16xi32>) : vector<16xi1>, vector<16xi32>
      %convert_element_type3A_88 = arith.sitofp %unique3A_87 : vector<16xi32> to vector<16xf32>
      tpu.vector_store_idx %arg6[%get3A_83], %convert_element_type3A_88 masked %unique3A_86 {add = true} : memref<10112xf32, #tpu.memory_space<vmem>>[vector<16xi32>], vector<16xf32>, vector<16xi1>
      %mul3A_89 = arith.constant 128 : i32
      %mul3A_90 = arith.muli %scan3A_11, %mul3A_89 : i32
      %add3A_91 = arith.constant 112 : i32
      %add3A_92 = arith.addi %mul3A_90, %add3A_91 : i32
      %get3A_93 = arith.index_cast %add3A_92 : i32 to index
      %get3A_94 = tpu.vector_load %arg5[%get3A_93] {strides = array<i32>} : memref<10000xi32, #tpu.memory_space<vmem>>, vector<16xi32>,
      %broadcast_in_dim3A_95 = arith.constant true
      %broadcast_in_dim3A_96 = vector.broadcast %broadcast_in_dim3A_95 : i1 to vector<16xi1>
      %unique3A_97, %unique3A_98 = tpu.scan_count mask(%broadcast_in_dim3A_96 : vector<16xi1>) value(%get3A_94 : vector<16xi32>) : vector<16xi1>, vector<16xi32>
      %convert_element_type3A_99 = arith.sitofp %unique3A_98 : vector<16xi32> to vector<16xf32>
      tpu.vector_store_idx %arg6[%get3A_94], %convert_element_type3A_99 masked %unique3A_97 {add = true} : memref<10112xf32, #tpu.memory_space<vmem>>[vector<16xi32>], vector<16xf32>, vector<16xi1>
    }
    %scan3A_7 = arith.constant 78 : i32
    %get3A = arith.constant 9984 : index
    %get3A_8 = tpu.vector_load %arg5[%get3A] {strides = array<i32>} : memref<10000xi32, #tpu.memory_space<vmem>>, vector<16xi32>,
    %broadcast_in_dim3A = arith.constant true
    %broadcast_in_dim3A_9 = vector.broadcast %broadcast_in_dim3A : i1 to vector<16xi1>
    %unique3A, %unique3A_10 = tpu.scan_count mask(%broadcast_in_dim3A_9 : vector<16xi1>) value(%get3A_8 : vector<16xi32>) : vector<16xi1>, vector<16xi32>
    %convert_element_type3A = arith.sitofp %unique3A_10 : vector<16xi32> to vector<16xf32>
    tpu.vector_store_idx %arg6[%get3A_8], %convert_element_type3A masked %unique3A {add = true} : memref<10112xf32, #tpu.memory_space<vmem>>[vector<16xi32>], vector<16xf32>, vector<16xi1>
    "tpu.region"() ({
      %run_scoped3A = tpu.sem_alloc : memref<!tpu.dma_semaphore, #tpu.memory_space<semaphore_mem>>
      %dma_start3A = arith.constant 0 : i32
      %dma_start3A_11 = tpu.memref_slice %arg4[%add3A, %dma_start3A] : memref<32x10112xf32, #tpu.memory_space<hbm>> -> memref<1x10112xf32, #tpu.memory_space<hbm>>
      %dma_start3A_12 = tpu.memref_squeeze %dma_start3A_11 : memref<1x10112xf32, #tpu.memory_space<hbm>> -> memref<10112xf32, #tpu.memory_space<hbm>>
      %dma_start3A_13 = arith.constant 0 : i32
      %dma_start3A_14 = tpu.memref_slice %arg4[%add3A, %dma_start3A_13] : memref<32x10112xf32, #tpu.memory_space<hbm>> -> memref<1x10112xf32, #tpu.memory_space<hbm>>
      %dma_start3A_15 = tpu.memref_squeeze %dma_start3A_14 : memref<1x10112xf32, #tpu.memory_space<hbm>> -> memref<10112xf32, #tpu.memory_space<hbm>>
      tpu.enqueue_dma source(%arg6 : memref<10112xf32, #tpu.memory_space<vmem>>) target(%dma_start3A_15 : memref<10112xf32, #tpu.memory_space<hbm>>) target_semaphore(%run_scoped3A : memref<!tpu.dma_semaphore, #tpu.memory_space<semaphore_mem>>)
      %dma_wait3A = arith.constant 0 : i32
      %dma_wait3A_16 = tpu.memref_slice %arg4[%add3A, %dma_wait3A] : memref<32x10112xf32, #tpu.memory_space<hbm>> -> memref<1x10112xf32, #tpu.memory_space<hbm>>
      %dma_wait3A_17 = tpu.memref_squeeze %dma_wait3A_16 : memref<1x10112xf32, #tpu.memory_space<hbm>> -> memref<10112xf32, #tpu.memory_space<hbm>>
      %dma_wait3A_18 = arith.constant 0 : i32
      %dma_wait3A_19 = tpu.memref_slice %arg4[%add3A, %dma_wait3A_18] : memref<32x10112xf32, #tpu.memory_space<hbm>> -> memref<1x10112xf32, #tpu.memory_space<hbm>>
      %dma_wait3A_20 = tpu.memref_squeeze %dma_wait3A_19 : memref<1x10112xf32, #tpu.memory_space<hbm>> -> memref<10112xf32, #tpu.memory_space<hbm>>
      tpu.wait_dma2 semaphore(%run_scoped3A : memref<!tpu.dma_semaphore, #tpu.memory_space<semaphore_mem>>) src(%arg6 : memref<10112xf32, #tpu.memory_space<vmem>>) dst(%dma_wait3A_20 : memref<10112xf32, #tpu.memory_space<hbm>>)
      tpu.yield
    }) : () -> ()
    return
  }
}

#map = affine_map<(d0, d1) -> (0, 0)>
#map1 = affine_map<(d0, d1) -> (0, 0, 0)>
module attributes {stable_mosaic.version = 14 : i64} {
  func.func @_gs_body(%arg0: i32, %arg1: i32, %arg2: memref<10112x128xf32, #tpu.memory_space<hbm>>, %arg3: memref<512x128xi32, #tpu.memory_space<hbm>>, %arg4: memref<512x128xi32, #tpu.memory_space<hbm>>, %arg5: memref<10112x128xf32, #tpu.memory_space<hbm>>, %arg6: memref<2x512x128xf32, #tpu.memory_space<hbm>>, %arg7: memref<8x128xi32, #tpu.memory_space<vmem>>, %arg8: memref<8x128xi32, #tpu.memory_space<vmem>>, %arg9: memref<128x128xf32, #tpu.memory_space<vmem>>, %arg10: memref<128x128xf32, #tpu.memory_space<vmem>>, %arg11: memref<512x128xf32, #tpu.memory_space<vmem_shared>>, %arg12: memref<!tpu.dma_semaphore, #tpu.memory_space<semaphore_mem>>, %arg13: memref<!tpu.dma_semaphore, #tpu.memory_space<semaphore_mem>>, %arg14: memref<!tpu.dma_semaphore, #tpu.memory_space<semaphore_mem>>, %arg15: memref<!tpu.dma_semaphore, #tpu.memory_space<semaphore_mem>>) attributes {dimension_semantics = [#tpu.dimension_semantics<core_parallel>, #tpu.dimension_semantics<subcore_parallel>], iteration_bounds = array<i64: 2, 16>, scalar_prefetch = 0 : i64, scratch_operands = 9 : i64, tpu.core_type = #tpu.core_type<sc_vector_subcore>, window_params = [{transform_indices = #map}, {transform_indices = #map}, {transform_indices = #map}, {transform_indices = #map}, {transform_indices = #map1}]} {
    %mul3A = arith.constant 2 : i32
    %mul3A_0 = arith.muli %arg1, %mul3A : i32
    %add3A = arith.addi %mul3A_0, %arg0 : i32
    %mul3A_1 = arith.constant 32 : i32
    %mul3A_2 = arith.muli %arg1, %mul3A_1 : i32
    %mul3A_3 = arith.constant 32 : i32
    %mul3A_4 = arith.muli %arg1, %mul3A_3 : i32
    "tpu.region"() ({
      %run_scoped3A = tpu.sem_alloc : memref<!tpu.dma_semaphore, #tpu.memory_space<semaphore_mem>>
      %dma_start3A_147 = arith.constant 0 : i32
      %dma_start3A_148 = tpu.memref_slice %arg11[%mul3A_4, %dma_start3A_147] : memref<512x128xf32, #tpu.memory_space<vmem_shared>> -> memref<32x128xf32, #tpu.memory_space<vmem_shared>>
      %dma_start3A_149 = arith.constant 0 : i32
      %dma_start3A_150 = tpu.memref_slice %arg5[%mul3A_2, %dma_start3A_149] : memref<10112x128xf32, #tpu.memory_space<hbm>> -> memref<32x128xf32, #tpu.memory_space<hbm>>
      tpu.enqueue_dma source(%dma_start3A_150 : memref<32x128xf32, #tpu.memory_space<hbm>>) target(%dma_start3A_148 : memref<32x128xf32, #tpu.memory_space<vmem_shared>>) target_semaphore(%run_scoped3A : memref<!tpu.dma_semaphore, #tpu.memory_space<semaphore_mem>>)
      %dma_wait3A_151 = arith.constant 0 : i32
      %dma_wait3A_152 = tpu.memref_slice %arg11[%mul3A_4, %dma_wait3A_151] : memref<512x128xf32, #tpu.memory_space<vmem_shared>> -> memref<32x128xf32, #tpu.memory_space<vmem_shared>>
      %dma_wait3A_153 = arith.constant 0 : i32
      %dma_wait3A_154 = tpu.memref_slice %arg5[%mul3A_2, %dma_wait3A_153] : memref<10112x128xf32, #tpu.memory_space<hbm>> -> memref<32x128xf32, #tpu.memory_space<hbm>>
      tpu.wait_dma2 semaphore(%run_scoped3A : memref<!tpu.dma_semaphore, #tpu.memory_space<semaphore_mem>>) src(%dma_wait3A_154 : memref<32x128xf32, #tpu.memory_space<hbm>>) dst(%dma_wait3A_152 : memref<32x128xf32, #tpu.memory_space<vmem_shared>>)
      tpu.yield
    }) : () -> ()
    %barrier3A = arith.constant 0 : index
    tpu.barrier barrier_id(%barrier3A)
    %mul3A_5 = arith.constant 16 : i32
    %mul3A_6 = arith.muli %add3A, %mul3A_5 : i32
    %add3A_7 = arith.constant 0 : i32
    %add3A_8 = arith.addi %mul3A_6, %add3A_7 : i32
    "tpu.region"() ({
      %run_scoped3A = tpu.sem_alloc : memref<!tpu.dma_semaphore, #tpu.memory_space<semaphore_mem>>
      %dma_start3A_147 = arith.constant 0 : i32
      %dma_start3A_148 = tpu.memref_slice %arg3[%add3A_8, %dma_start3A_147] : memref<512x128xi32, #tpu.memory_space<hbm>> -> memref<8x128xi32, #tpu.memory_space<hbm>>
      %dma_start3A_149 = arith.constant 0 : i32
      %dma_start3A_150 = tpu.memref_slice %arg3[%add3A_8, %dma_start3A_149] : memref<512x128xi32, #tpu.memory_space<hbm>> -> memref<8x128xi32, #tpu.memory_space<hbm>>
      tpu.enqueue_dma source(%dma_start3A_150 : memref<8x128xi32, #tpu.memory_space<hbm>>) target(%arg7 : memref<8x128xi32, #tpu.memory_space<vmem>>) target_semaphore(%run_scoped3A : memref<!tpu.dma_semaphore, #tpu.memory_space<semaphore_mem>>)
      %dma_wait3A_151 = arith.constant 0 : i32
      %dma_wait3A_152 = tpu.memref_slice %arg3[%add3A_8, %dma_wait3A_151] : memref<512x128xi32, #tpu.memory_space<hbm>> -> memref<8x128xi32, #tpu.memory_space<hbm>>
      %dma_wait3A_153 = arith.constant 0 : i32
      %dma_wait3A_154 = tpu.memref_slice %arg3[%add3A_8, %dma_wait3A_153] : memref<512x128xi32, #tpu.memory_space<hbm>> -> memref<8x128xi32, #tpu.memory_space<hbm>>
      tpu.wait_dma2 semaphore(%run_scoped3A : memref<!tpu.dma_semaphore, #tpu.memory_space<semaphore_mem>>) src(%dma_wait3A_154 : memref<8x128xi32, #tpu.memory_space<hbm>>) dst(%arg7 : memref<8x128xi32, #tpu.memory_space<vmem>>)
      tpu.yield
    }) : () -> ()
    %mul3A_9 = arith.constant 16 : i32
    %mul3A_10 = arith.muli %add3A, %mul3A_9 : i32
    %add3A_11 = arith.constant 0 : i32
    %add3A_12 = arith.addi %mul3A_10, %add3A_11 : i32
    "tpu.region"() ({
      %run_scoped3A = tpu.sem_alloc : memref<!tpu.dma_semaphore, #tpu.memory_space<semaphore_mem>>
      %dma_start3A_147 = arith.constant 0 : i32
      %dma_start3A_148 = tpu.memref_slice %arg4[%add3A_12, %dma_start3A_147] : memref<512x128xi32, #tpu.memory_space<hbm>> -> memref<8x128xi32, #tpu.memory_space<hbm>>
      %dma_start3A_149 = arith.constant 0 : i32
      %dma_start3A_150 = tpu.memref_slice %arg4[%add3A_12, %dma_start3A_149] : memref<512x128xi32, #tpu.memory_space<hbm>> -> memref<8x128xi32, #tpu.memory_space<hbm>>
      tpu.enqueue_dma source(%dma_start3A_150 : memref<8x128xi32, #tpu.memory_space<hbm>>) target(%arg8 : memref<8x128xi32, #tpu.memory_space<vmem>>) target_semaphore(%run_scoped3A : memref<!tpu.dma_semaphore, #tpu.memory_space<semaphore_mem>>)
      %dma_wait3A_151 = arith.constant 0 : i32
      %dma_wait3A_152 = tpu.memref_slice %arg4[%add3A_12, %dma_wait3A_151] : memref<512x128xi32, #tpu.memory_space<hbm>> -> memref<8x128xi32, #tpu.memory_space<hbm>>
      %dma_wait3A_153 = arith.constant 0 : i32
      %dma_wait3A_154 = tpu.memref_slice %arg4[%add3A_12, %dma_wait3A_153] : memref<512x128xi32, #tpu.memory_space<hbm>> -> memref<8x128xi32, #tpu.memory_space<hbm>>
      tpu.wait_dma2 semaphore(%run_scoped3A : memref<!tpu.dma_semaphore, #tpu.memory_space<semaphore_mem>>) src(%dma_wait3A_154 : memref<8x128xi32, #tpu.memory_space<hbm>>) dst(%arg8 : memref<8x128xi32, #tpu.memory_space<vmem>>)
      tpu.yield
    }) : () -> ()
    %dma_start3A = arith.constant 0 : i32
    %dma_start3A_13 = arith.constant 0 : i32
    %dma_start3A_14 = tpu.memref_slice %arg7[%dma_start3A, %dma_start3A_13] : memref<8x128xi32, #tpu.memory_space<vmem>> -> memref<1x128xi32, #tpu.memory_space<vmem>>
    %dma_start3A_15 = tpu.memref_squeeze %dma_start3A_14 : memref<1x128xi32, #tpu.memory_space<vmem>> -> memref<128xi32, #tpu.memory_space<vmem>>
    %dma_start3A_16 = arith.constant 0 : i32
    %dma_start3A_17 = arith.constant 0 : i32
    %dma_start3A_18 = tpu.memref_slice %arg2[%dma_start3A_16, %dma_start3A_17] : memref<10112x128xf32, #tpu.memory_space<hbm>> -> memref<10112x128xf32, #tpu.memory_space<hbm>>
    tpu.enqueue_indirect_dma source(%dma_start3A_18 : memref<10112x128xf32, #tpu.memory_space<hbm>>) target(%arg9 : memref<128x128xf32, #tpu.memory_space<vmem>>) offsets(%dma_start3A_15 : memref<128xi32, #tpu.memory_space<vmem>>) semaphore(%arg12 : memref<!tpu.dma_semaphore, #tpu.memory_space<semaphore_mem>>)
    %dma_start3A_19 = arith.constant 1 : i32
    %dma_start3A_20 = arith.constant 0 : i32
    %dma_start3A_21 = tpu.memref_slice %arg7[%dma_start3A_19, %dma_start3A_20] : memref<8x128xi32, #tpu.memory_space<vmem>> -> memref<1x128xi32, #tpu.memory_space<vmem>>
    %dma_start3A_22 = tpu.memref_squeeze %dma_start3A_21 : memref<1x128xi32, #tpu.memory_space<vmem>> -> memref<128xi32, #tpu.memory_space<vmem>>
    %dma_start3A_23 = arith.constant 0 : i32
    %dma_start3A_24 = arith.constant 0 : i32
    %dma_start3A_25 = tpu.memref_slice %arg2[%dma_start3A_23, %dma_start3A_24] : memref<10112x128xf32, #tpu.memory_space<hbm>> -> memref<10112x128xf32, #tpu.memory_space<hbm>>
    tpu.enqueue_indirect_dma source(%dma_start3A_25 : memref<10112x128xf32, #tpu.memory_space<hbm>>) target(%arg10 : memref<128x128xf32, #tpu.memory_space<vmem>>) offsets(%dma_start3A_22 : memref<128xi32, #tpu.memory_space<vmem>>) semaphore(%arg13 : memref<!tpu.dma_semaphore, #tpu.memory_space<semaphore_mem>>)
    %scan3A = arith.constant 0 : i32
    %scan3A_26 = arith.constant 0 : i32
    %scan3A_27 = arith.constant 3 : i32
    %scan3A_28 = arith.addi %scan3A_26, %scan3A_27 : i32
    %scan3A_29 = arith.constant 1 : i32
    scf.for %scan3A_147 = %scan3A_26 to %scan3A_28 step %scan3A_29  : i32 {
      %mul3A_148 = arith.constant 2 : i32
      %mul3A_149 = arith.muli %scan3A_147, %mul3A_148 : i32
      %add3A_150 = arith.constant 0 : i32
      %add3A_151 = arith.addi %mul3A_149, %add3A_150 : i32
      %dma_wait3A_152 = arith.constant 0 : i32
      %dma_wait3A_153 = tpu.memref_slice %arg7[%add3A_151, %dma_wait3A_152] : memref<8x128xi32, #tpu.memory_space<vmem>> -> memref<1x128xi32, #tpu.memory_space<vmem>>
      %dma_wait3A_154 = tpu.memref_squeeze %dma_wait3A_153 : memref<1x128xi32, #tpu.memory_space<vmem>> -> memref<128xi32, #tpu.memory_space<vmem>>
      %dma_wait3A_155 = arith.constant 0 : i32
      %dma_wait3A_156 = arith.constant 0 : i32
      %dma_wait3A_157 = tpu.memref_slice %arg2[%dma_wait3A_155, %dma_wait3A_156] : memref<10112x128xf32, #tpu.memory_space<hbm>> -> memref<10112x128xf32, #tpu.memory_space<hbm>>
      tpu.wait_indirect_dma semaphore(%arg12 : memref<!tpu.dma_semaphore, #tpu.memory_space<semaphore_mem>>) src(%dma_wait3A_157 : memref<10112x128xf32, #tpu.memory_space<hbm>>) dst(%arg9 : memref<128x128xf32, #tpu.memory_space<vmem>>)
      %add3A_158 = arith.constant 0 : i32
      %add3A_159 = arith.addi %mul3A_149, %add3A_158 : i32
      %dma_start3A_160 = arith.constant 0 : i32
      %dma_start3A_161 = tpu.memref_slice %arg8[%add3A_159, %dma_start3A_160] : memref<8x128xi32, #tpu.memory_space<vmem>> -> memref<1x128xi32, #tpu.memory_space<vmem>>
      %dma_start3A_162 = tpu.memref_squeeze %dma_start3A_161 : memref<1x128xi32, #tpu.memory_space<vmem>> -> memref<128xi32, #tpu.memory_space<vmem>>
      %dma_start3A_163 = arith.constant 0 : i32
      %dma_start3A_164 = arith.constant 0 : i32
      %dma_start3A_165 = tpu.memref_slice %arg11[%dma_start3A_163, %dma_start3A_164] : memref<512x128xf32, #tpu.memory_space<vmem_shared>> -> memref<512x128xf32, #tpu.memory_space<vmem_shared>>
      tpu.enqueue_indirect_dma source(%arg9 : memref<128x128xf32, #tpu.memory_space<vmem>>) target(%dma_start3A_165 : memref<512x128xf32, #tpu.memory_space<vmem_shared>>) offsets(%dma_start3A_162 : memref<128xi32, #tpu.memory_space<vmem>>) semaphore(%arg14 : memref<!tpu.dma_semaphore, #tpu.memory_space<semaphore_mem>>) {add = true}
      %add3A_166 = arith.constant 1 : i32
      %add3A_167 = arith.addi %mul3A_149, %add3A_166 : i32
      %dma_wait3A_168 = arith.constant 0 : i32
      %dma_wait3A_169 = tpu.memref_slice %arg7[%add3A_167, %dma_wait3A_168] : memref<8x128xi32, #tpu.memory_space<vmem>> -> memref<1x128xi32, #tpu.memory_space<vmem>>
      %dma_wait3A_170 = tpu.memref_squeeze %dma_wait3A_169 : memref<1x128xi32, #tpu.memory_space<vmem>> -> memref<128xi32, #tpu.memory_space<vmem>>
      %dma_wait3A_171 = arith.constant 0 : i32
      %dma_wait3A_172 = arith.constant 0 : i32
      %dma_wait3A_173 = tpu.memref_slice %arg2[%dma_wait3A_171, %dma_wait3A_172] : memref<10112x128xf32, #tpu.memory_space<hbm>> -> memref<10112x128xf32, #tpu.memory_space<hbm>>
      tpu.wait_indirect_dma semaphore(%arg13 : memref<!tpu.dma_semaphore, #tpu.memory_space<semaphore_mem>>) src(%dma_wait3A_173 : memref<10112x128xf32, #tpu.memory_space<hbm>>) dst(%arg10 : memref<128x128xf32, #tpu.memory_space<vmem>>)
      %add3A_174 = arith.constant 1 : i32
      %add3A_175 = arith.addi %mul3A_149, %add3A_174 : i32
      %dma_start3A_176 = arith.constant 0 : i32
      %dma_start3A_177 = tpu.memref_slice %arg8[%add3A_175, %dma_start3A_176] : memref<8x128xi32, #tpu.memory_space<vmem>> -> memref<1x128xi32, #tpu.memory_space<vmem>>
      %dma_start3A_178 = tpu.memref_squeeze %dma_start3A_177 : memref<1x128xi32, #tpu.memory_space<vmem>> -> memref<128xi32, #tpu.memory_space<vmem>>
      %dma_start3A_179 = arith.constant 0 : i32
      %dma_start3A_180 = arith.constant 0 : i32
      %dma_start3A_181 = tpu.memref_slice %arg11[%dma_start3A_179, %dma_start3A_180] : memref<512x128xf32, #tpu.memory_space<vmem_shared>> -> memref<512x128xf32, #tpu.memory_space<vmem_shared>>
      tpu.enqueue_indirect_dma source(%arg10 : memref<128x128xf32, #tpu.memory_space<vmem>>) target(%dma_start3A_181 : memref<512x128xf32, #tpu.memory_space<vmem_shared>>) offsets(%dma_start3A_178 : memref<128xi32, #tpu.memory_space<vmem>>) semaphore(%arg15 : memref<!tpu.dma_semaphore, #tpu.memory_space<semaphore_mem>>) {add = true}
      %add3A_182 = arith.constant 0 : i32
      %add3A_183 = arith.addi %mul3A_149, %add3A_182 : i32
      %dma_wait3A_184 = arith.constant 0 : i32
      %dma_wait3A_185 = tpu.memref_slice %arg8[%add3A_183, %dma_wait3A_184] : memref<8x128xi32, #tpu.memory_space<vmem>> -> memref<1x128xi32, #tpu.memory_space<vmem>>
      %dma_wait3A_186 = tpu.memref_squeeze %dma_wait3A_185 : memref<1x128xi32, #tpu.memory_space<vmem>> -> memref<128xi32, #tpu.memory_space<vmem>>
      %dma_wait3A_187 = arith.constant 0 : i32
      %dma_wait3A_188 = arith.constant 0 : i32
      %dma_wait3A_189 = tpu.memref_slice %arg11[%dma_wait3A_187, %dma_wait3A_188] : memref<512x128xf32, #tpu.memory_space<vmem_shared>> -> memref<512x128xf32, #tpu.memory_space<vmem_shared>>
      tpu.wait_indirect_dma semaphore(%arg14 : memref<!tpu.dma_semaphore, #tpu.memory_space<semaphore_mem>>) src(%arg9 : memref<128x128xf32, #tpu.memory_space<vmem>>) dst(%dma_wait3A_189 : memref<512x128xf32, #tpu.memory_space<vmem_shared>>)
      %add3A_190 = arith.constant 2 : i32
      %add3A_191 = arith.addi %mul3A_149, %add3A_190 : i32
      %add3A_192 = arith.constant 0 : i32
      %add3A_193 = arith.addi %add3A_191, %add3A_192 : i32
      %dma_start3A_194 = arith.constant 0 : i32
      %dma_start3A_195 = tpu.memref_slice %arg7[%add3A_193, %dma_start3A_194] : memref<8x128xi32, #tpu.memory_space<vmem>> -> memref<1x128xi32, #tpu.memory_space<vmem>>
      %dma_start3A_196 = tpu.memref_squeeze %dma_start3A_195 : memref<1x128xi32, #tpu.memory_space<vmem>> -> memref<128xi32, #tpu.memory_space<vmem>>
      %dma_start3A_197 = arith.constant 0 : i32
      %dma_start3A_198 = arith.constant 0 : i32
      %dma_start3A_199 = tpu.memref_slice %arg2[%dma_start3A_197, %dma_start3A_198] : memref<10112x128xf32, #tpu.memory_space<hbm>> -> memref<10112x128xf32, #tpu.memory_space<hbm>>
      tpu.enqueue_indirect_dma source(%dma_start3A_199 : memref<10112x128xf32, #tpu.memory_space<hbm>>) target(%arg9 : memref<128x128xf32, #tpu.memory_space<vmem>>) offsets(%dma_start3A_196 : memref<128xi32, #tpu.memory_space<vmem>>) semaphore(%arg12 : memref<!tpu.dma_semaphore, #tpu.memory_space<semaphore_mem>>)
      %add3A_200 = arith.constant 1 : i32
      %add3A_201 = arith.addi %mul3A_149, %add3A_200 : i32
      %dma_wait3A_202 = arith.constant 0 : i32
      %dma_wait3A_203 = tpu.memref_slice %arg8[%add3A_201, %dma_wait3A_202] : memref<8x128xi32, #tpu.memory_space<vmem>> -> memref<1x128xi32, #tpu.memory_space<vmem>>
      %dma_wait3A_204 = tpu.memref_squeeze %dma_wait3A_203 : memref<1x128xi32, #tpu.memory_space<vmem>> -> memref<128xi32, #tpu.memory_space<vmem>>
      %dma_wait3A_205 = arith.constant 0 : i32
      %dma_wait3A_206 = arith.constant 0 : i32
      %dma_wait3A_207 = tpu.memref_slice %arg11[%dma_wait3A_205, %dma_wait3A_206] : memref<512x128xf32, #tpu.memory_space<vmem_shared>> -> memref<512x128xf32, #tpu.memory_space<vmem_shared>>
      tpu.wait_indirect_dma semaphore(%arg15 : memref<!tpu.dma_semaphore, #tpu.memory_space<semaphore_mem>>) src(%arg10 : memref<128x128xf32, #tpu.memory_space<vmem>>) dst(%dma_wait3A_207 : memref<512x128xf32, #tpu.memory_space<vmem_shared>>)
      %add3A_208 = arith.constant 2 : i32
      %add3A_209 = arith.addi %mul3A_149, %add3A_208 : i32
      %add3A_210 = arith.constant 1 : i32
      %add3A_211 = arith.addi %add3A_209, %add3A_210 : i32
      %dma_start3A_212 = arith.constant 0 : i32
      %dma_start3A_213 = tpu.memref_slice %arg7[%add3A_211, %dma_start3A_212] : memref<8x128xi32, #tpu.memory_space<vmem>> -> memref<1x128xi32, #tpu.memory_space<vmem>>
      %dma_start3A_214 = tpu.memref_squeeze %dma_start3A_213 : memref<1x128xi32, #tpu.memory_space<vmem>> -> memref<128xi32, #tpu.memory_space<vmem>>
      %dma_start3A_215 = arith.constant 0 : i32
      %dma_start3A_216 = arith.constant 0 : i32
      %dma_start3A_217 = tpu.memref_slice %arg2[%dma_start3A_215, %dma_start3A_216] : memref<10112x128xf32, #tpu.memory_space<hbm>> -> memref<10112x128xf32, #tpu.memory_space<hbm>>
      tpu.enqueue_indirect_dma source(%dma_start3A_217 : memref<10112x128xf32, #tpu.memory_space<hbm>>) target(%arg10 : memref<128x128xf32, #tpu.memory_space<vmem>>) offsets(%dma_start3A_214 : memref<128xi32, #tpu.memory_space<vmem>>) semaphore(%arg13 : memref<!tpu.dma_semaphore, #tpu.memory_space<semaphore_mem>>)
    }
    %scan3A_30 = arith.constant 3 : i32
    %dma_wait3A = arith.constant 6 : i32
    %dma_wait3A_31 = arith.constant 0 : i32
    %dma_wait3A_32 = tpu.memref_slice %arg7[%dma_wait3A, %dma_wait3A_31] : memref<8x128xi32, #tpu.memory_space<vmem>> -> memref<1x128xi32, #tpu.memory_space<vmem>>
    %dma_wait3A_33 = tpu.memref_squeeze %dma_wait3A_32 : memref<1x128xi32, #tpu.memory_space<vmem>> -> memref<128xi32, #tpu.memory_space<vmem>>
    %dma_wait3A_34 = arith.constant 0 : i32
    %dma_wait3A_35 = arith.constant 0 : i32
    %dma_wait3A_36 = tpu.memref_slice %arg2[%dma_wait3A_34, %dma_wait3A_35] : memref<10112x128xf32, #tpu.memory_space<hbm>> -> memref<10112x128xf32, #tpu.memory_space<hbm>>
    tpu.wait_indirect_dma semaphore(%arg12 : memref<!tpu.dma_semaphore, #tpu.memory_space<semaphore_mem>>) src(%dma_wait3A_36 : memref<10112x128xf32, #tpu.memory_space<hbm>>) dst(%arg9 : memref<128x128xf32, #tpu.memory_space<vmem>>)
    %dma_start3A_37 = arith.constant 6 : i32
    %dma_start3A_38 = arith.constant 0 : i32
    %dma_start3A_39 = tpu.memref_slice %arg8[%dma_start3A_37, %dma_start3A_38] : memref<8x128xi32, #tpu.memory_space<vmem>> -> memref<1x128xi32, #tpu.memory_space<vmem>>
    %dma_start3A_40 = tpu.memref_squeeze %dma_start3A_39 : memref<1x128xi32, #tpu.memory_space<vmem>> -> memref<128xi32, #tpu.memory_space<vmem>>
    %dma_start3A_41 = arith.constant 0 : i32
    %dma_start3A_42 = arith.constant 0 : i32
    %dma_start3A_43 = tpu.memref_slice %arg11[%dma_start3A_41, %dma_start3A_42] : memref<512x128xf32, #tpu.memory_space<vmem_shared>> -> memref<512x128xf32, #tpu.memory_space<vmem_shared>>
    tpu.enqueue_indirect_dma source(%arg9 : memref<128x128xf32, #tpu.memory_space<vmem>>) target(%dma_start3A_43 : memref<512x128xf32, #tpu.memory_space<vmem_shared>>) offsets(%dma_start3A_40 : memref<128xi32, #tpu.memory_space<vmem>>) semaphore(%arg14 : memref<!tpu.dma_semaphore, #tpu.memory_space<semaphore_mem>>) {add = true}
    %dma_wait3A_44 = arith.constant 7 : i32
    %dma_wait3A_45 = arith.constant 0 : i32
    %dma_wait3A_46 = tpu.memref_slice %arg7[%dma_wait3A_44, %dma_wait3A_45] : memref<8x128xi32, #tpu.memory_space<vmem>> -> memref<1x128xi32, #tpu.memory_space<vmem>>
    %dma_wait3A_47 = tpu.memref_squeeze %dma_wait3A_46 : memref<1x128xi32, #tpu.memory_space<vmem>> -> memref<128xi32, #tpu.memory_space<vmem>>
    %dma_wait3A_48 = arith.constant 0 : i32
    %dma_wait3A_49 = arith.constant 0 : i32
    %dma_wait3A_50 = tpu.memref_slice %arg2[%dma_wait3A_48, %dma_wait3A_49] : memref<10112x128xf32, #tpu.memory_space<hbm>> -> memref<10112x128xf32, #tpu.memory_space<hbm>>
    tpu.wait_indirect_dma semaphore(%arg13 : memref<!tpu.dma_semaphore, #tpu.memory_space<semaphore_mem>>) src(%dma_wait3A_50 : memref<10112x128xf32, #tpu.memory_space<hbm>>) dst(%arg10 : memref<128x128xf32, #tpu.memory_space<vmem>>)
    %dma_start3A_51 = arith.constant 7 : i32
    %dma_start3A_52 = arith.constant 0 : i32
    %dma_start3A_53 = tpu.memref_slice %arg8[%dma_start3A_51, %dma_start3A_52] : memref<8x128xi32, #tpu.memory_space<vmem>> -> memref<1x128xi32, #tpu.memory_space<vmem>>
    %dma_start3A_54 = tpu.memref_squeeze %dma_start3A_53 : memref<1x128xi32, #tpu.memory_space<vmem>> -> memref<128xi32, #tpu.memory_space<vmem>>
    %dma_start3A_55 = arith.constant 0 : i32
    %dma_start3A_56 = arith.constant 0 : i32
    %dma_start3A_57 = tpu.memref_slice %arg11[%dma_start3A_55, %dma_start3A_56] : memref<512x128xf32, #tpu.memory_space<vmem_shared>> -> memref<512x128xf32, #tpu.memory_space<vmem_shared>>
    tpu.enqueue_indirect_dma source(%arg10 : memref<128x128xf32, #tpu.memory_space<vmem>>) target(%dma_start3A_57 : memref<512x128xf32, #tpu.memory_space<vmem_shared>>) offsets(%dma_start3A_54 : memref<128xi32, #tpu.memory_space<vmem>>) semaphore(%arg15 : memref<!tpu.dma_semaphore, #tpu.memory_space<semaphore_mem>>) {add = true}
    %dma_wait3A_58 = arith.constant 6 : i32
    %dma_wait3A_59 = arith.constant 0 : i32
    %dma_wait3A_60 = tpu.memref_slice %arg8[%dma_wait3A_58, %dma_wait3A_59] : memref<8x128xi32, #tpu.memory_space<vmem>> -> memref<1x128xi32, #tpu.memory_space<vmem>>
    %dma_wait3A_61 = tpu.memref_squeeze %dma_wait3A_60 : memref<1x128xi32, #tpu.memory_space<vmem>> -> memref<128xi32, #tpu.memory_space<vmem>>
    %dma_wait3A_62 = arith.constant 0 : i32
    %dma_wait3A_63 = arith.constant 0 : i32
    %dma_wait3A_64 = tpu.memref_slice %arg11[%dma_wait3A_62, %dma_wait3A_63] : memref<512x128xf32, #tpu.memory_space<vmem_shared>> -> memref<512x128xf32, #tpu.memory_space<vmem_shared>>
    tpu.wait_indirect_dma semaphore(%arg14 : memref<!tpu.dma_semaphore, #tpu.memory_space<semaphore_mem>>) src(%arg9 : memref<128x128xf32, #tpu.memory_space<vmem>>) dst(%dma_wait3A_64 : memref<512x128xf32, #tpu.memory_space<vmem_shared>>)
    %dma_wait3A_65 = arith.constant 7 : i32
    %dma_wait3A_66 = arith.constant 0 : i32
    %dma_wait3A_67 = tpu.memref_slice %arg8[%dma_wait3A_65, %dma_wait3A_66] : memref<8x128xi32, #tpu.memory_space<vmem>> -> memref<1x128xi32, #tpu.memory_space<vmem>>
    %dma_wait3A_68 = tpu.memref_squeeze %dma_wait3A_67 : memref<1x128xi32, #tpu.memory_space<vmem>> -> memref<128xi32, #tpu.memory_space<vmem>>
    %dma_wait3A_69 = arith.constant 0 : i32
    %dma_wait3A_70 = arith.constant 0 : i32
    %dma_wait3A_71 = tpu.memref_slice %arg11[%dma_wait3A_69, %dma_wait3A_70] : memref<512x128xf32, #tpu.memory_space<vmem_shared>> -> memref<512x128xf32, #tpu.memory_space<vmem_shared>>
    tpu.wait_indirect_dma semaphore(%arg15 : memref<!tpu.dma_semaphore, #tpu.memory_space<semaphore_mem>>) src(%arg10 : memref<128x128xf32, #tpu.memory_space<vmem>>) dst(%dma_wait3A_71 : memref<512x128xf32, #tpu.memory_space<vmem_shared>>)
    %mul3A_72 = arith.constant 16 : i32
    %mul3A_73 = arith.muli %add3A, %mul3A_72 : i32
    %add3A_74 = arith.constant 8 : i32
    %add3A_75 = arith.addi %mul3A_73, %add3A_74 : i32
    "tpu.region"() ({
      %run_scoped3A = tpu.sem_alloc : memref<!tpu.dma_semaphore, #tpu.memory_space<semaphore_mem>>
      %dma_start3A_147 = arith.constant 0 : i32
      %dma_start3A_148 = tpu.memref_slice %arg3[%add3A_75, %dma_start3A_147] : memref<512x128xi32, #tpu.memory_space<hbm>> -> memref<8x128xi32, #tpu.memory_space<hbm>>
      %dma_start3A_149 = arith.constant 0 : i32
      %dma_start3A_150 = tpu.memref_slice %arg3[%add3A_75, %dma_start3A_149] : memref<512x128xi32, #tpu.memory_space<hbm>> -> memref<8x128xi32, #tpu.memory_space<hbm>>
      tpu.enqueue_dma source(%dma_start3A_150 : memref<8x128xi32, #tpu.memory_space<hbm>>) target(%arg7 : memref<8x128xi32, #tpu.memory_space<vmem>>) target_semaphore(%run_scoped3A : memref<!tpu.dma_semaphore, #tpu.memory_space<semaphore_mem>>)
      %dma_wait3A_151 = arith.constant 0 : i32
      %dma_wait3A_152 = tpu.memref_slice %arg3[%add3A_75, %dma_wait3A_151] : memref<512x128xi32, #tpu.memory_space<hbm>> -> memref<8x128xi32, #tpu.memory_space<hbm>>
      %dma_wait3A_153 = arith.constant 0 : i32
      %dma_wait3A_154 = tpu.memref_slice %arg3[%add3A_75, %dma_wait3A_153] : memref<512x128xi32, #tpu.memory_space<hbm>> -> memref<8x128xi32, #tpu.memory_space<hbm>>
      tpu.wait_dma2 semaphore(%run_scoped3A : memref<!tpu.dma_semaphore, #tpu.memory_space<semaphore_mem>>) src(%dma_wait3A_154 : memref<8x128xi32, #tpu.memory_space<hbm>>) dst(%arg7 : memref<8x128xi32, #tpu.memory_space<vmem>>)
      tpu.yield
    }) : () -> ()
    %mul3A_76 = arith.constant 16 : i32
    %mul3A_77 = arith.muli %add3A, %mul3A_76 : i32
    %add3A_78 = arith.constant 8 : i32
    %add3A_79 = arith.addi %mul3A_77, %add3A_78 : i32
    "tpu.region"() ({
      %run_scoped3A = tpu.sem_alloc : memref<!tpu.dma_semaphore, #tpu.memory_space<semaphore_mem>>
      %dma_start3A_147 = arith.constant 0 : i32
      %dma_start3A_148 = tpu.memref_slice %arg4[%add3A_79, %dma_start3A_147] : memref<512x128xi32, #tpu.memory_space<hbm>> -> memref<8x128xi32, #tpu.memory_space<hbm>>
      %dma_start3A_149 = arith.constant 0 : i32
      %dma_start3A_150 = tpu.memref_slice %arg4[%add3A_79, %dma_start3A_149] : memref<512x128xi32, #tpu.memory_space<hbm>> -> memref<8x128xi32, #tpu.memory_space<hbm>>
      tpu.enqueue_dma source(%dma_start3A_150 : memref<8x128xi32, #tpu.memory_space<hbm>>) target(%arg8 : memref<8x128xi32, #tpu.memory_space<vmem>>) target_semaphore(%run_scoped3A : memref<!tpu.dma_semaphore, #tpu.memory_space<semaphore_mem>>)
      %dma_wait3A_151 = arith.constant 0 : i32
      %dma_wait3A_152 = tpu.memref_slice %arg4[%add3A_79, %dma_wait3A_151] : memref<512x128xi32, #tpu.memory_space<hbm>> -> memref<8x128xi32, #tpu.memory_space<hbm>>
      %dma_wait3A_153 = arith.constant 0 : i32
      %dma_wait3A_154 = tpu.memref_slice %arg4[%add3A_79, %dma_wait3A_153] : memref<512x128xi32, #tpu.memory_space<hbm>> -> memref<8x128xi32, #tpu.memory_space<hbm>>
      tpu.wait_dma2 semaphore(%run_scoped3A : memref<!tpu.dma_semaphore, #tpu.memory_space<semaphore_mem>>) src(%dma_wait3A_154 : memref<8x128xi32, #tpu.memory_space<hbm>>) dst(%arg8 : memref<8x128xi32, #tpu.memory_space<vmem>>)
      tpu.yield
    }) : () -> ()
    %dma_start3A_80 = arith.constant 0 : i32
    %dma_start3A_81 = arith.constant 0 : i32
    %dma_start3A_82 = tpu.memref_slice %arg7[%dma_start3A_80, %dma_start3A_81] : memref<8x128xi32, #tpu.memory_space<vmem>> -> memref<1x128xi32, #tpu.memory_space<vmem>>
    %dma_start3A_83 = tpu.memref_squeeze %dma_start3A_82 : memref<1x128xi32, #tpu.memory_space<vmem>> -> memref<128xi32, #tpu.memory_space<vmem>>
    %dma_start3A_84 = arith.constant 0 : i32
    %dma_start3A_85 = arith.constant 0 : i32
    %dma_start3A_86 = tpu.memref_slice %arg2[%dma_start3A_84, %dma_start3A_85] : memref<10112x128xf32, #tpu.memory_space<hbm>> -> memref<10112x128xf32, #tpu.memory_space<hbm>>
    tpu.enqueue_indirect_dma source(%dma_start3A_86 : memref<10112x128xf32, #tpu.memory_space<hbm>>) target(%arg9 : memref<128x128xf32, #tpu.memory_space<vmem>>) offsets(%dma_start3A_83 : memref<128xi32, #tpu.memory_space<vmem>>) semaphore(%arg12 : memref<!tpu.dma_semaphore, #tpu.memory_space<semaphore_mem>>)
    %dma_start3A_87 = arith.constant 1 : i32
    %dma_start3A_88 = arith.constant 0 : i32
    %dma_start3A_89 = tpu.memref_slice %arg7[%dma_start3A_87, %dma_start3A_88] : memref<8x128xi32, #tpu.memory_space<vmem>> -> memref<1x128xi32, #tpu.memory_space<vmem>>
    %dma_start3A_90 = tpu.memref_squeeze %dma_start3A_89 : memref<1x128xi32, #tpu.memory_space<vmem>> -> memref<128xi32, #tpu.memory_space<vmem>>
    %dma_start3A_91 = arith.constant 0 : i32
    %dma_start3A_92 = arith.constant 0 : i32
    %dma_start3A_93 = tpu.memref_slice %arg2[%dma_start3A_91, %dma_start3A_92] : memref<10112x128xf32, #tpu.memory_space<hbm>> -> memref<10112x128xf32, #tpu.memory_space<hbm>>
    tpu.enqueue_indirect_dma source(%dma_start3A_93 : memref<10112x128xf32, #tpu.memory_space<hbm>>) target(%arg10 : memref<128x128xf32, #tpu.memory_space<vmem>>) offsets(%dma_start3A_90 : memref<128xi32, #tpu.memory_space<vmem>>) semaphore(%arg13 : memref<!tpu.dma_semaphore, #tpu.memory_space<semaphore_mem>>)
    %scan3A_94 = arith.constant 0 : i32
    %scan3A_95 = arith.constant 0 : i32
    %scan3A_96 = arith.constant 3 : i32
    %scan3A_97 = arith.addi %scan3A_95, %scan3A_96 : i32
    %scan3A_98 = arith.constant 1 : i32
    scf.for %scan3A_147 = %scan3A_95 to %scan3A_97 step %scan3A_98  : i32 {
      %mul3A_148 = arith.constant 2 : i32
      %mul3A_149 = arith.muli %scan3A_147, %mul3A_148 : i32
      %add3A_150 = arith.constant 0 : i32
      %add3A_151 = arith.addi %mul3A_149, %add3A_150 : i32
      %dma_wait3A_152 = arith.constant 0 : i32
      %dma_wait3A_153 = tpu.memref_slice %arg7[%add3A_151, %dma_wait3A_152] : memref<8x128xi32, #tpu.memory_space<vmem>> -> memref<1x128xi32, #tpu.memory_space<vmem>>
      %dma_wait3A_154 = tpu.memref_squeeze %dma_wait3A_153 : memref<1x128xi32, #tpu.memory_space<vmem>> -> memref<128xi32, #tpu.memory_space<vmem>>
      %dma_wait3A_155 = arith.constant 0 : i32
      %dma_wait3A_156 = arith.constant 0 : i32
      %dma_wait3A_157 = tpu.memref_slice %arg2[%dma_wait3A_155, %dma_wait3A_156] : memref<10112x128xf32, #tpu.memory_space<hbm>> -> memref<10112x128xf32, #tpu.memory_space<hbm>>
      tpu.wait_indirect_dma semaphore(%arg12 : memref<!tpu.dma_semaphore, #tpu.memory_space<semaphore_mem>>) src(%dma_wait3A_157 : memref<10112x128xf32, #tpu.memory_space<hbm>>) dst(%arg9 : memref<128x128xf32, #tpu.memory_space<vmem>>)
      %add3A_158 = arith.constant 0 : i32
      %add3A_159 = arith.addi %mul3A_149, %add3A_158 : i32
      %dma_start3A_160 = arith.constant 0 : i32
      %dma_start3A_161 = tpu.memref_slice %arg8[%add3A_159, %dma_start3A_160] : memref<8x128xi32, #tpu.memory_space<vmem>> -> memref<1x128xi32, #tpu.memory_space<vmem>>
      %dma_start3A_162 = tpu.memref_squeeze %dma_start3A_161 : memref<1x128xi32, #tpu.memory_space<vmem>> -> memref<128xi32, #tpu.memory_space<vmem>>
      %dma_start3A_163 = arith.constant 0 : i32
      %dma_start3A_164 = arith.constant 0 : i32
      %dma_start3A_165 = tpu.memref_slice %arg11[%dma_start3A_163, %dma_start3A_164] : memref<512x128xf32, #tpu.memory_space<vmem_shared>> -> memref<512x128xf32, #tpu.memory_space<vmem_shared>>
      tpu.enqueue_indirect_dma source(%arg9 : memref<128x128xf32, #tpu.memory_space<vmem>>) target(%dma_start3A_165 : memref<512x128xf32, #tpu.memory_space<vmem_shared>>) offsets(%dma_start3A_162 : memref<128xi32, #tpu.memory_space<vmem>>) semaphore(%arg14 : memref<!tpu.dma_semaphore, #tpu.memory_space<semaphore_mem>>) {add = true}
      %add3A_166 = arith.constant 1 : i32
      %add3A_167 = arith.addi %mul3A_149, %add3A_166 : i32
      %dma_wait3A_168 = arith.constant 0 : i32
      %dma_wait3A_169 = tpu.memref_slice %arg7[%add3A_167, %dma_wait3A_168] : memref<8x128xi32, #tpu.memory_space<vmem>> -> memref<1x128xi32, #tpu.memory_space<vmem>>
      %dma_wait3A_170 = tpu.memref_squeeze %dma_wait3A_169 : memref<1x128xi32, #tpu.memory_space<vmem>> -> memref<128xi32, #tpu.memory_space<vmem>>
      %dma_wait3A_171 = arith.constant 0 : i32
      %dma_wait3A_172 = arith.constant 0 : i32
      %dma_wait3A_173 = tpu.memref_slice %arg2[%dma_wait3A_171, %dma_wait3A_172] : memref<10112x128xf32, #tpu.memory_space<hbm>> -> memref<10112x128xf32, #tpu.memory_space<hbm>>
      tpu.wait_indirect_dma semaphore(%arg13 : memref<!tpu.dma_semaphore, #tpu.memory_space<semaphore_mem>>) src(%dma_wait3A_173 : memref<10112x128xf32, #tpu.memory_space<hbm>>) dst(%arg10 : memref<128x128xf32, #tpu.memory_space<vmem>>)
      %add3A_174 = arith.constant 1 : i32
      %add3A_175 = arith.addi %mul3A_149, %add3A_174 : i32
      %dma_start3A_176 = arith.constant 0 : i32
      %dma_start3A_177 = tpu.memref_slice %arg8[%add3A_175, %dma_start3A_176] : memref<8x128xi32, #tpu.memory_space<vmem>> -> memref<1x128xi32, #tpu.memory_space<vmem>>
      %dma_start3A_178 = tpu.memref_squeeze %dma_start3A_177 : memref<1x128xi32, #tpu.memory_space<vmem>> -> memref<128xi32, #tpu.memory_space<vmem>>
      %dma_start3A_179 = arith.constant 0 : i32
      %dma_start3A_180 = arith.constant 0 : i32
      %dma_start3A_181 = tpu.memref_slice %arg11[%dma_start3A_179, %dma_start3A_180] : memref<512x128xf32, #tpu.memory_space<vmem_shared>> -> memref<512x128xf32, #tpu.memory_space<vmem_shared>>
      tpu.enqueue_indirect_dma source(%arg10 : memref<128x128xf32, #tpu.memory_space<vmem>>) target(%dma_start3A_181 : memref<512x128xf32, #tpu.memory_space<vmem_shared>>) offsets(%dma_start3A_178 : memref<128xi32, #tpu.memory_space<vmem>>) semaphore(%arg15 : memref<!tpu.dma_semaphore, #tpu.memory_space<semaphore_mem>>) {add = true}
      %add3A_182 = arith.constant 0 : i32
      %add3A_183 = arith.addi %mul3A_149, %add3A_182 : i32
      %dma_wait3A_184 = arith.constant 0 : i32
      %dma_wait3A_185 = tpu.memref_slice %arg8[%add3A_183, %dma_wait3A_184] : memref<8x128xi32, #tpu.memory_space<vmem>> -> memref<1x128xi32, #tpu.memory_space<vmem>>
      %dma_wait3A_186 = tpu.memref_squeeze %dma_wait3A_185 : memref<1x128xi32, #tpu.memory_space<vmem>> -> memref<128xi32, #tpu.memory_space<vmem>>
      %dma_wait3A_187 = arith.constant 0 : i32
      %dma_wait3A_188 = arith.constant 0 : i32
      %dma_wait3A_189 = tpu.memref_slice %arg11[%dma_wait3A_187, %dma_wait3A_188] : memref<512x128xf32, #tpu.memory_space<vmem_shared>> -> memref<512x128xf32, #tpu.memory_space<vmem_shared>>
      tpu.wait_indirect_dma semaphore(%arg14 : memref<!tpu.dma_semaphore, #tpu.memory_space<semaphore_mem>>) src(%arg9 : memref<128x128xf32, #tpu.memory_space<vmem>>) dst(%dma_wait3A_189 : memref<512x128xf32, #tpu.memory_space<vmem_shared>>)
      %add3A_190 = arith.constant 2 : i32
      %add3A_191 = arith.addi %mul3A_149, %add3A_190 : i32
      %add3A_192 = arith.constant 0 : i32
      %add3A_193 = arith.addi %add3A_191, %add3A_192 : i32
      %dma_start3A_194 = arith.constant 0 : i32
      %dma_start3A_195 = tpu.memref_slice %arg7[%add3A_193, %dma_start3A_194] : memref<8x128xi32, #tpu.memory_space<vmem>> -> memref<1x128xi32, #tpu.memory_space<vmem>>
      %dma_start3A_196 = tpu.memref_squeeze %dma_start3A_195 : memref<1x128xi32, #tpu.memory_space<vmem>> -> memref<128xi32, #tpu.memory_space<vmem>>
      %dma_start3A_197 = arith.constant 0 : i32
      %dma_start3A_198 = arith.constant 0 : i32
      %dma_start3A_199 = tpu.memref_slice %arg2[%dma_start3A_197, %dma_start3A_198] : memref<10112x128xf32, #tpu.memory_space<hbm>> -> memref<10112x128xf32, #tpu.memory_space<hbm>>
      tpu.enqueue_indirect_dma source(%dma_start3A_199 : memref<10112x128xf32, #tpu.memory_space<hbm>>) target(%arg9 : memref<128x128xf32, #tpu.memory_space<vmem>>) offsets(%dma_start3A_196 : memref<128xi32, #tpu.memory_space<vmem>>) semaphore(%arg12 : memref<!tpu.dma_semaphore, #tpu.memory_space<semaphore_mem>>)
      %add3A_200 = arith.constant 1 : i32
      %add3A_201 = arith.addi %mul3A_149, %add3A_200 : i32
      %dma_wait3A_202 = arith.constant 0 : i32
      %dma_wait3A_203 = tpu.memref_slice %arg8[%add3A_201, %dma_wait3A_202] : memref<8x128xi32, #tpu.memory_space<vmem>> -> memref<1x128xi32, #tpu.memory_space<vmem>>
      %dma_wait3A_204 = tpu.memref_squeeze %dma_wait3A_203 : memref<1x128xi32, #tpu.memory_space<vmem>> -> memref<128xi32, #tpu.memory_space<vmem>>
      %dma_wait3A_205 = arith.constant 0 : i32
      %dma_wait3A_206 = arith.constant 0 : i32
      %dma_wait3A_207 = tpu.memref_slice %arg11[%dma_wait3A_205, %dma_wait3A_206] : memref<512x128xf32, #tpu.memory_space<vmem_shared>> -> memref<512x128xf32, #tpu.memory_space<vmem_shared>>
      tpu.wait_indirect_dma semaphore(%arg15 : memref<!tpu.dma_semaphore, #tpu.memory_space<semaphore_mem>>) src(%arg10 : memref<128x128xf32, #tpu.memory_space<vmem>>) dst(%dma_wait3A_207 : memref<512x128xf32, #tpu.memory_space<vmem_shared>>)
      %add3A_208 = arith.constant 2 : i32
      %add3A_209 = arith.addi %mul3A_149, %add3A_208 : i32
      %add3A_210 = arith.constant 1 : i32
      %add3A_211 = arith.addi %add3A_209, %add3A_210 : i32
      %dma_start3A_212 = arith.constant 0 : i32
      %dma_start3A_213 = tpu.memref_slice %arg7[%add3A_211, %dma_start3A_212] : memref<8x128xi32, #tpu.memory_space<vmem>> -> memref<1x128xi32, #tpu.memory_space<vmem>>
      %dma_start3A_214 = tpu.memref_squeeze %dma_start3A_213 : memref<1x128xi32, #tpu.memory_space<vmem>> -> memref<128xi32, #tpu.memory_space<vmem>>
      %dma_start3A_215 = arith.constant 0 : i32
      %dma_start3A_216 = arith.constant 0 : i32
      %dma_start3A_217 = tpu.memref_slice %arg2[%dma_start3A_215, %dma_start3A_216] : memref<10112x128xf32, #tpu.memory_space<hbm>> -> memref<10112x128xf32, #tpu.memory_space<hbm>>
      tpu.enqueue_indirect_dma source(%dma_start3A_217 : memref<10112x128xf32, #tpu.memory_space<hbm>>) target(%arg10 : memref<128x128xf32, #tpu.memory_space<vmem>>) offsets(%dma_start3A_214 : memref<128xi32, #tpu.memory_space<vmem>>) semaphore(%arg13 : memref<!tpu.dma_semaphore, #tpu.memory_space<semaphore_mem>>)
    }
    %scan3A_99 = arith.constant 3 : i32
    %dma_wait3A_100 = arith.constant 6 : i32
    %dma_wait3A_101 = arith.constant 0 : i32
    %dma_wait3A_102 = tpu.memref_slice %arg7[%dma_wait3A_100, %dma_wait3A_101] : memref<8x128xi32, #tpu.memory_space<vmem>> -> memref<1x128xi32, #tpu.memory_space<vmem>>
    %dma_wait3A_103 = tpu.memref_squeeze %dma_wait3A_102 : memref<1x128xi32, #tpu.memory_space<vmem>> -> memref<128xi32, #tpu.memory_space<vmem>>
    %dma_wait3A_104 = arith.constant 0 : i32
    %dma_wait3A_105 = arith.constant 0 : i32
    %dma_wait3A_106 = tpu.memref_slice %arg2[%dma_wait3A_104, %dma_wait3A_105] : memref<10112x128xf32, #tpu.memory_space<hbm>> -> memref<10112x128xf32, #tpu.memory_space<hbm>>
    tpu.wait_indirect_dma semaphore(%arg12 : memref<!tpu.dma_semaphore, #tpu.memory_space<semaphore_mem>>) src(%dma_wait3A_106 : memref<10112x128xf32, #tpu.memory_space<hbm>>) dst(%arg9 : memref<128x128xf32, #tpu.memory_space<vmem>>)
    %dma_start3A_107 = arith.constant 6 : i32
    %dma_start3A_108 = arith.constant 0 : i32
    %dma_start3A_109 = tpu.memref_slice %arg8[%dma_start3A_107, %dma_start3A_108] : memref<8x128xi32, #tpu.memory_space<vmem>> -> memref<1x128xi32, #tpu.memory_space<vmem>>
    %dma_start3A_110 = tpu.memref_squeeze %dma_start3A_109 : memref<1x128xi32, #tpu.memory_space<vmem>> -> memref<128xi32, #tpu.memory_space<vmem>>
    %dma_start3A_111 = arith.constant 0 : i32
    %dma_start3A_112 = arith.constant 0 : i32
    %dma_start3A_113 = tpu.memref_slice %arg11[%dma_start3A_111, %dma_start3A_112] : memref<512x128xf32, #tpu.memory_space<vmem_shared>> -> memref<512x128xf32, #tpu.memory_space<vmem_shared>>
    tpu.enqueue_indirect_dma source(%arg9 : memref<128x128xf32, #tpu.memory_space<vmem>>) target(%dma_start3A_113 : memref<512x128xf32, #tpu.memory_space<vmem_shared>>) offsets(%dma_start3A_110 : memref<128xi32, #tpu.memory_space<vmem>>) semaphore(%arg14 : memref<!tpu.dma_semaphore, #tpu.memory_space<semaphore_mem>>) {add = true}
    %dma_wait3A_114 = arith.constant 7 : i32
    %dma_wait3A_115 = arith.constant 0 : i32
    %dma_wait3A_116 = tpu.memref_slice %arg7[%dma_wait3A_114, %dma_wait3A_115] : memref<8x128xi32, #tpu.memory_space<vmem>> -> memref<1x128xi32, #tpu.memory_space<vmem>>
    %dma_wait3A_117 = tpu.memref_squeeze %dma_wait3A_116 : memref<1x128xi32, #tpu.memory_space<vmem>> -> memref<128xi32, #tpu.memory_space<vmem>>
    %dma_wait3A_118 = arith.constant 0 : i32
    %dma_wait3A_119 = arith.constant 0 : i32
    %dma_wait3A_120 = tpu.memref_slice %arg2[%dma_wait3A_118, %dma_wait3A_119] : memref<10112x128xf32, #tpu.memory_space<hbm>> -> memref<10112x128xf32, #tpu.memory_space<hbm>>
    tpu.wait_indirect_dma semaphore(%arg13 : memref<!tpu.dma_semaphore, #tpu.memory_space<semaphore_mem>>) src(%dma_wait3A_120 : memref<10112x128xf32, #tpu.memory_space<hbm>>) dst(%arg10 : memref<128x128xf32, #tpu.memory_space<vmem>>)
    %dma_start3A_121 = arith.constant 7 : i32
    %dma_start3A_122 = arith.constant 0 : i32
    %dma_start3A_123 = tpu.memref_slice %arg8[%dma_start3A_121, %dma_start3A_122] : memref<8x128xi32, #tpu.memory_space<vmem>> -> memref<1x128xi32, #tpu.memory_space<vmem>>
    %dma_start3A_124 = tpu.memref_squeeze %dma_start3A_123 : memref<1x128xi32, #tpu.memory_space<vmem>> -> memref<128xi32, #tpu.memory_space<vmem>>
    %dma_start3A_125 = arith.constant 0 : i32
    %dma_start3A_126 = arith.constant 0 : i32
    %dma_start3A_127 = tpu.memref_slice %arg11[%dma_start3A_125, %dma_start3A_126] : memref<512x128xf32, #tpu.memory_space<vmem_shared>> -> memref<512x128xf32, #tpu.memory_space<vmem_shared>>
    tpu.enqueue_indirect_dma source(%arg10 : memref<128x128xf32, #tpu.memory_space<vmem>>) target(%dma_start3A_127 : memref<512x128xf32, #tpu.memory_space<vmem_shared>>) offsets(%dma_start3A_124 : memref<128xi32, #tpu.memory_space<vmem>>) semaphore(%arg15 : memref<!tpu.dma_semaphore, #tpu.memory_space<semaphore_mem>>) {add = true}
    %dma_wait3A_128 = arith.constant 6 : i32
    %dma_wait3A_129 = arith.constant 0 : i32
    %dma_wait3A_130 = tpu.memref_slice %arg8[%dma_wait3A_128, %dma_wait3A_129] : memref<8x128xi32, #tpu.memory_space<vmem>> -> memref<1x128xi32, #tpu.memory_space<vmem>>
    %dma_wait3A_131 = tpu.memref_squeeze %dma_wait3A_130 : memref<1x128xi32, #tpu.memory_space<vmem>> -> memref<128xi32, #tpu.memory_space<vmem>>
    %dma_wait3A_132 = arith.constant 0 : i32
    %dma_wait3A_133 = arith.constant 0 : i32
    %dma_wait3A_134 = tpu.memref_slice %arg11[%dma_wait3A_132, %dma_wait3A_133] : memref<512x128xf32, #tpu.memory_space<vmem_shared>> -> memref<512x128xf32, #tpu.memory_space<vmem_shared>>
    tpu.wait_indirect_dma semaphore(%arg14 : memref<!tpu.dma_semaphore, #tpu.memory_space<semaphore_mem>>) src(%arg9 : memref<128x128xf32, #tpu.memory_space<vmem>>) dst(%dma_wait3A_134 : memref<512x128xf32, #tpu.memory_space<vmem_shared>>)
    %dma_wait3A_135 = arith.constant 7 : i32
    %dma_wait3A_136 = arith.constant 0 : i32
    %dma_wait3A_137 = tpu.memref_slice %arg8[%dma_wait3A_135, %dma_wait3A_136] : memref<8x128xi32, #tpu.memory_space<vmem>> -> memref<1x128xi32, #tpu.memory_space<vmem>>
    %dma_wait3A_138 = tpu.memref_squeeze %dma_wait3A_137 : memref<1x128xi32, #tpu.memory_space<vmem>> -> memref<128xi32, #tpu.memory_space<vmem>>
    %dma_wait3A_139 = arith.constant 0 : i32
    %dma_wait3A_140 = arith.constant 0 : i32
    %dma_wait3A_141 = tpu.memref_slice %arg11[%dma_wait3A_139, %dma_wait3A_140] : memref<512x128xf32, #tpu.memory_space<vmem_shared>> -> memref<512x128xf32, #tpu.memory_space<vmem_shared>>
    tpu.wait_indirect_dma semaphore(%arg15 : memref<!tpu.dma_semaphore, #tpu.memory_space<semaphore_mem>>) src(%arg10 : memref<128x128xf32, #tpu.memory_space<vmem>>) dst(%dma_wait3A_141 : memref<512x128xf32, #tpu.memory_space<vmem_shared>>)
    %barrier3A_142 = arith.constant 0 : index
    tpu.barrier barrier_id(%barrier3A_142)
    %mul3A_143 = arith.constant 32 : i32
    %mul3A_144 = arith.muli %arg1, %mul3A_143 : i32
    %mul3A_145 = arith.constant 32 : i32
    %mul3A_146 = arith.muli %arg1, %mul3A_145 : i32
    "tpu.region"() ({
      %run_scoped3A = tpu.sem_alloc : memref<!tpu.dma_semaphore, #tpu.memory_space<semaphore_mem>>
      %dma_start3A_147 = arith.constant 0 : i32
      %dma_start3A_148 = tpu.memref_slice %arg6[%arg0, %mul3A_146, %dma_start3A_147] : memref<2x512x128xf32, #tpu.memory_space<hbm>> -> memref<1x32x128xf32, #tpu.memory_space<hbm>>
      %dma_start3A_149 = tpu.memref_squeeze %dma_start3A_148 : memref<1x32x128xf32, #tpu.memory_space<hbm>> -> memref<32x128xf32, #tpu.memory_space<hbm>>
      %dma_start3A_150 = arith.constant 0 : i32
      %dma_start3A_151 = tpu.memref_slice %arg11[%mul3A_144, %dma_start3A_150] : memref<512x128xf32, #tpu.memory_space<vmem_shared>> -> memref<32x128xf32, #tpu.memory_space<vmem_shared>>
      tpu.enqueue_dma source(%dma_start3A_151 : memref<32x128xf32, #tpu.memory_space<vmem_shared>>) target(%dma_start3A_149 : memref<32x128xf32, #tpu.memory_space<hbm>>) target_semaphore(%run_scoped3A : memref<!tpu.dma_semaphore, #tpu.memory_space<semaphore_mem>>)
      %dma_wait3A_152 = arith.constant 0 : i32
      %dma_wait3A_153 = tpu.memref_slice %arg6[%arg0, %mul3A_146, %dma_wait3A_152] : memref<2x512x128xf32, #tpu.memory_space<hbm>> -> memref<1x32x128xf32, #tpu.memory_space<hbm>>
      %dma_wait3A_154 = tpu.memref_squeeze %dma_wait3A_153 : memref<1x32x128xf32, #tpu.memory_space<hbm>> -> memref<32x128xf32, #tpu.memory_space<hbm>>
      %dma_wait3A_155 = arith.constant 0 : i32
      %dma_wait3A_156 = tpu.memref_slice %arg11[%mul3A_144, %dma_wait3A_155] : memref<512x128xf32, #tpu.memory_space<vmem_shared>> -> memref<32x128xf32, #tpu.memory_space<vmem_shared>>
      tpu.wait_dma2 semaphore(%run_scoped3A : memref<!tpu.dma_semaphore, #tpu.memory_space<semaphore_mem>>) src(%dma_wait3A_156 : memref<32x128xf32, #tpu.memory_space<vmem_shared>>) dst(%dma_wait3A_154 : memref<32x128xf32, #tpu.memory_space<hbm>>)
      tpu.yield
    }) : () -> ()
    return
  }
}

#map = affine_map<(d0, d1) -> (0, 0)>
#map1 = affine_map<(d0, d1) -> (0, 0, 0)>
module attributes {stable_mosaic.version = 14 : i64} {
  func.func @_gs_body(%arg0: i32, %arg1: i32, %arg2: memref<10112x128xf32, #tpu.memory_space<hbm>>, %arg3: memref<2560x128xi32, #tpu.memory_space<hbm>>, %arg4: memref<2560x128xi32, #tpu.memory_space<hbm>>, %arg5: memref<10112x128xf32, #tpu.memory_space<hbm>>, %arg6: memref<2x10112x128xf32, #tpu.memory_space<hbm>>, %arg7: memref<40x128xi32, #tpu.memory_space<vmem>>, %arg8: memref<40x128xi32, #tpu.memory_space<vmem>>, %arg9: memref<128x128xf32, #tpu.memory_space<vmem>>, %arg10: memref<128x128xf32, #tpu.memory_space<vmem>>, %arg11: memref<10112x128xf32, #tpu.memory_space<vmem_shared>>, %arg12: memref<!tpu.dma_semaphore, #tpu.memory_space<semaphore_mem>>, %arg13: memref<!tpu.dma_semaphore, #tpu.memory_space<semaphore_mem>>, %arg14: memref<!tpu.dma_semaphore, #tpu.memory_space<semaphore_mem>>, %arg15: memref<!tpu.dma_semaphore, #tpu.memory_space<semaphore_mem>>) attributes {dimension_semantics = [#tpu.dimension_semantics<core_parallel>, #tpu.dimension_semantics<subcore_parallel>], iteration_bounds = array<i64: 2, 16>, scalar_prefetch = 0 : i64, scratch_operands = 9 : i64, tpu.core_type = #tpu.core_type<sc_vector_subcore>, window_params = [{transform_indices = #map}, {transform_indices = #map}, {transform_indices = #map}, {transform_indices = #map}, {transform_indices = #map1}]} {
    %mul3A = arith.constant 2 : i32
    %mul3A_0 = arith.muli %arg1, %mul3A : i32
    %add3A = arith.addi %mul3A_0, %arg0 : i32
    %mul3A_1 = arith.constant 632 : i32
    %mul3A_2 = arith.muli %arg1, %mul3A_1 : i32
    %mul3A_3 = arith.constant 632 : i32
    %mul3A_4 = arith.muli %arg1, %mul3A_3 : i32
    "tpu.region"() ({
      %run_scoped3A = tpu.sem_alloc : memref<!tpu.dma_semaphore, #tpu.memory_space<semaphore_mem>>
      %dma_start3A_147 = arith.constant 0 : i32
      %dma_start3A_148 = tpu.memref_slice %arg11[%mul3A_4, %dma_start3A_147] : memref<10112x128xf32, #tpu.memory_space<vmem_shared>> -> memref<632x128xf32, #tpu.memory_space<vmem_shared>>
      %dma_start3A_149 = arith.constant 0 : i32
      %dma_start3A_150 = tpu.memref_slice %arg5[%mul3A_2, %dma_start3A_149] : memref<10112x128xf32, #tpu.memory_space<hbm>> -> memref<632x128xf32, #tpu.memory_space<hbm>>
      tpu.enqueue_dma source(%dma_start3A_150 : memref<632x128xf32, #tpu.memory_space<hbm>>) target(%dma_start3A_148 : memref<632x128xf32, #tpu.memory_space<vmem_shared>>) target_semaphore(%run_scoped3A : memref<!tpu.dma_semaphore, #tpu.memory_space<semaphore_mem>>)
      %dma_wait3A_151 = arith.constant 0 : i32
      %dma_wait3A_152 = tpu.memref_slice %arg11[%mul3A_4, %dma_wait3A_151] : memref<10112x128xf32, #tpu.memory_space<vmem_shared>> -> memref<632x128xf32, #tpu.memory_space<vmem_shared>>
      %dma_wait3A_153 = arith.constant 0 : i32
      %dma_wait3A_154 = tpu.memref_slice %arg5[%mul3A_2, %dma_wait3A_153] : memref<10112x128xf32, #tpu.memory_space<hbm>> -> memref<632x128xf32, #tpu.memory_space<hbm>>
      tpu.wait_dma2 semaphore(%run_scoped3A : memref<!tpu.dma_semaphore, #tpu.memory_space<semaphore_mem>>) src(%dma_wait3A_154 : memref<632x128xf32, #tpu.memory_space<hbm>>) dst(%dma_wait3A_152 : memref<632x128xf32, #tpu.memory_space<vmem_shared>>)
      tpu.yield
    }) : () -> ()
    %barrier3A = arith.constant 0 : index
    tpu.barrier barrier_id(%barrier3A)
    %mul3A_5 = arith.constant 80 : i32
    %mul3A_6 = arith.muli %add3A, %mul3A_5 : i32
    %add3A_7 = arith.constant 0 : i32
    %add3A_8 = arith.addi %mul3A_6, %add3A_7 : i32
    "tpu.region"() ({
      %run_scoped3A = tpu.sem_alloc : memref<!tpu.dma_semaphore, #tpu.memory_space<semaphore_mem>>
      %dma_start3A_147 = arith.constant 0 : i32
      %dma_start3A_148 = tpu.memref_slice %arg3[%add3A_8, %dma_start3A_147] : memref<2560x128xi32, #tpu.memory_space<hbm>> -> memref<40x128xi32, #tpu.memory_space<hbm>>
      %dma_start3A_149 = arith.constant 0 : i32
      %dma_start3A_150 = tpu.memref_slice %arg3[%add3A_8, %dma_start3A_149] : memref<2560x128xi32, #tpu.memory_space<hbm>> -> memref<40x128xi32, #tpu.memory_space<hbm>>
      tpu.enqueue_dma source(%dma_start3A_150 : memref<40x128xi32, #tpu.memory_space<hbm>>) target(%arg7 : memref<40x128xi32, #tpu.memory_space<vmem>>) target_semaphore(%run_scoped3A : memref<!tpu.dma_semaphore, #tpu.memory_space<semaphore_mem>>)
      %dma_wait3A_151 = arith.constant 0 : i32
      %dma_wait3A_152 = tpu.memref_slice %arg3[%add3A_8, %dma_wait3A_151] : memref<2560x128xi32, #tpu.memory_space<hbm>> -> memref<40x128xi32, #tpu.memory_space<hbm>>
      %dma_wait3A_153 = arith.constant 0 : i32
      %dma_wait3A_154 = tpu.memref_slice %arg3[%add3A_8, %dma_wait3A_153] : memref<2560x128xi32, #tpu.memory_space<hbm>> -> memref<40x128xi32, #tpu.memory_space<hbm>>
      tpu.wait_dma2 semaphore(%run_scoped3A : memref<!tpu.dma_semaphore, #tpu.memory_space<semaphore_mem>>) src(%dma_wait3A_154 : memref<40x128xi32, #tpu.memory_space<hbm>>) dst(%arg7 : memref<40x128xi32, #tpu.memory_space<vmem>>)
      tpu.yield
    }) : () -> ()
    %mul3A_9 = arith.constant 80 : i32
    %mul3A_10 = arith.muli %add3A, %mul3A_9 : i32
    %add3A_11 = arith.constant 0 : i32
    %add3A_12 = arith.addi %mul3A_10, %add3A_11 : i32
    "tpu.region"() ({
      %run_scoped3A = tpu.sem_alloc : memref<!tpu.dma_semaphore, #tpu.memory_space<semaphore_mem>>
      %dma_start3A_147 = arith.constant 0 : i32
      %dma_start3A_148 = tpu.memref_slice %arg4[%add3A_12, %dma_start3A_147] : memref<2560x128xi32, #tpu.memory_space<hbm>> -> memref<40x128xi32, #tpu.memory_space<hbm>>
      %dma_start3A_149 = arith.constant 0 : i32
      %dma_start3A_150 = tpu.memref_slice %arg4[%add3A_12, %dma_start3A_149] : memref<2560x128xi32, #tpu.memory_space<hbm>> -> memref<40x128xi32, #tpu.memory_space<hbm>>
      tpu.enqueue_dma source(%dma_start3A_150 : memref<40x128xi32, #tpu.memory_space<hbm>>) target(%arg8 : memref<40x128xi32, #tpu.memory_space<vmem>>) target_semaphore(%run_scoped3A : memref<!tpu.dma_semaphore, #tpu.memory_space<semaphore_mem>>)
      %dma_wait3A_151 = arith.constant 0 : i32
      %dma_wait3A_152 = tpu.memref_slice %arg4[%add3A_12, %dma_wait3A_151] : memref<2560x128xi32, #tpu.memory_space<hbm>> -> memref<40x128xi32, #tpu.memory_space<hbm>>
      %dma_wait3A_153 = arith.constant 0 : i32
      %dma_wait3A_154 = tpu.memref_slice %arg4[%add3A_12, %dma_wait3A_153] : memref<2560x128xi32, #tpu.memory_space<hbm>> -> memref<40x128xi32, #tpu.memory_space<hbm>>
      tpu.wait_dma2 semaphore(%run_scoped3A : memref<!tpu.dma_semaphore, #tpu.memory_space<semaphore_mem>>) src(%dma_wait3A_154 : memref<40x128xi32, #tpu.memory_space<hbm>>) dst(%arg8 : memref<40x128xi32, #tpu.memory_space<vmem>>)
      tpu.yield
    }) : () -> ()
    %dma_start3A = arith.constant 0 : i32
    %dma_start3A_13 = arith.constant 0 : i32
    %dma_start3A_14 = tpu.memref_slice %arg7[%dma_start3A, %dma_start3A_13] : memref<40x128xi32, #tpu.memory_space<vmem>> -> memref<1x128xi32, #tpu.memory_space<vmem>>
    %dma_start3A_15 = tpu.memref_squeeze %dma_start3A_14 : memref<1x128xi32, #tpu.memory_space<vmem>> -> memref<128xi32, #tpu.memory_space<vmem>>
    %dma_start3A_16 = arith.constant 0 : i32
    %dma_start3A_17 = arith.constant 0 : i32
    %dma_start3A_18 = tpu.memref_slice %arg2[%dma_start3A_16, %dma_start3A_17] : memref<10112x128xf32, #tpu.memory_space<hbm>> -> memref<10112x128xf32, #tpu.memory_space<hbm>>
    tpu.enqueue_indirect_dma source(%dma_start3A_18 : memref<10112x128xf32, #tpu.memory_space<hbm>>) target(%arg9 : memref<128x128xf32, #tpu.memory_space<vmem>>) offsets(%dma_start3A_15 : memref<128xi32, #tpu.memory_space<vmem>>) semaphore(%arg12 : memref<!tpu.dma_semaphore, #tpu.memory_space<semaphore_mem>>)
    %dma_start3A_19 = arith.constant 1 : i32
    %dma_start3A_20 = arith.constant 0 : i32
    %dma_start3A_21 = tpu.memref_slice %arg7[%dma_start3A_19, %dma_start3A_20] : memref<40x128xi32, #tpu.memory_space<vmem>> -> memref<1x128xi32, #tpu.memory_space<vmem>>
    %dma_start3A_22 = tpu.memref_squeeze %dma_start3A_21 : memref<1x128xi32, #tpu.memory_space<vmem>> -> memref<128xi32, #tpu.memory_space<vmem>>
    %dma_start3A_23 = arith.constant 0 : i32
    %dma_start3A_24 = arith.constant 0 : i32
    %dma_start3A_25 = tpu.memref_slice %arg2[%dma_start3A_23, %dma_start3A_24] : memref<10112x128xf32, #tpu.memory_space<hbm>> -> memref<10112x128xf32, #tpu.memory_space<hbm>>
    tpu.enqueue_indirect_dma source(%dma_start3A_25 : memref<10112x128xf32, #tpu.memory_space<hbm>>) target(%arg10 : memref<128x128xf32, #tpu.memory_space<vmem>>) offsets(%dma_start3A_22 : memref<128xi32, #tpu.memory_space<vmem>>) semaphore(%arg13 : memref<!tpu.dma_semaphore, #tpu.memory_space<semaphore_mem>>)
    %scan3A = arith.constant 0 : i32
    %scan3A_26 = arith.constant 0 : i32
    %scan3A_27 = arith.constant 19 : i32
    %scan3A_28 = arith.addi %scan3A_26, %scan3A_27 : i32
    %scan3A_29 = arith.constant 1 : i32
    scf.for %scan3A_147 = %scan3A_26 to %scan3A_28 step %scan3A_29  : i32 {
      %mul3A_148 = arith.constant 2 : i32
      %mul3A_149 = arith.muli %scan3A_147, %mul3A_148 : i32
      %add3A_150 = arith.constant 0 : i32
      %add3A_151 = arith.addi %mul3A_149, %add3A_150 : i32
      %dma_wait3A_152 = arith.constant 0 : i32
      %dma_wait3A_153 = tpu.memref_slice %arg7[%add3A_151, %dma_wait3A_152] : memref<40x128xi32, #tpu.memory_space<vmem>> -> memref<1x128xi32, #tpu.memory_space<vmem>>
      %dma_wait3A_154 = tpu.memref_squeeze %dma_wait3A_153 : memref<1x128xi32, #tpu.memory_space<vmem>> -> memref<128xi32, #tpu.memory_space<vmem>>
      %dma_wait3A_155 = arith.constant 0 : i32
      %dma_wait3A_156 = arith.constant 0 : i32
      %dma_wait3A_157 = tpu.memref_slice %arg2[%dma_wait3A_155, %dma_wait3A_156] : memref<10112x128xf32, #tpu.memory_space<hbm>> -> memref<10112x128xf32, #tpu.memory_space<hbm>>
      tpu.wait_indirect_dma semaphore(%arg12 : memref<!tpu.dma_semaphore, #tpu.memory_space<semaphore_mem>>) src(%dma_wait3A_157 : memref<10112x128xf32, #tpu.memory_space<hbm>>) dst(%arg9 : memref<128x128xf32, #tpu.memory_space<vmem>>)
      %add3A_158 = arith.constant 0 : i32
      %add3A_159 = arith.addi %mul3A_149, %add3A_158 : i32
      %dma_start3A_160 = arith.constant 0 : i32
      %dma_start3A_161 = tpu.memref_slice %arg8[%add3A_159, %dma_start3A_160] : memref<40x128xi32, #tpu.memory_space<vmem>> -> memref<1x128xi32, #tpu.memory_space<vmem>>
      %dma_start3A_162 = tpu.memref_squeeze %dma_start3A_161 : memref<1x128xi32, #tpu.memory_space<vmem>> -> memref<128xi32, #tpu.memory_space<vmem>>
      %dma_start3A_163 = arith.constant 0 : i32
      %dma_start3A_164 = arith.constant 0 : i32
      %dma_start3A_165 = tpu.memref_slice %arg11[%dma_start3A_163, %dma_start3A_164] : memref<10112x128xf32, #tpu.memory_space<vmem_shared>> -> memref<10112x128xf32, #tpu.memory_space<vmem_shared>>
      tpu.enqueue_indirect_dma source(%arg9 : memref<128x128xf32, #tpu.memory_space<vmem>>) target(%dma_start3A_165 : memref<10112x128xf32, #tpu.memory_space<vmem_shared>>) offsets(%dma_start3A_162 : memref<128xi32, #tpu.memory_space<vmem>>) semaphore(%arg14 : memref<!tpu.dma_semaphore, #tpu.memory_space<semaphore_mem>>) {add = true}
      %add3A_166 = arith.constant 1 : i32
      %add3A_167 = arith.addi %mul3A_149, %add3A_166 : i32
      %dma_wait3A_168 = arith.constant 0 : i32
      %dma_wait3A_169 = tpu.memref_slice %arg7[%add3A_167, %dma_wait3A_168] : memref<40x128xi32, #tpu.memory_space<vmem>> -> memref<1x128xi32, #tpu.memory_space<vmem>>
      %dma_wait3A_170 = tpu.memref_squeeze %dma_wait3A_169 : memref<1x128xi32, #tpu.memory_space<vmem>> -> memref<128xi32, #tpu.memory_space<vmem>>
      %dma_wait3A_171 = arith.constant 0 : i32
      %dma_wait3A_172 = arith.constant 0 : i32
      %dma_wait3A_173 = tpu.memref_slice %arg2[%dma_wait3A_171, %dma_wait3A_172] : memref<10112x128xf32, #tpu.memory_space<hbm>> -> memref<10112x128xf32, #tpu.memory_space<hbm>>
      tpu.wait_indirect_dma semaphore(%arg13 : memref<!tpu.dma_semaphore, #tpu.memory_space<semaphore_mem>>) src(%dma_wait3A_173 : memref<10112x128xf32, #tpu.memory_space<hbm>>) dst(%arg10 : memref<128x128xf32, #tpu.memory_space<vmem>>)
      %add3A_174 = arith.constant 1 : i32
      %add3A_175 = arith.addi %mul3A_149, %add3A_174 : i32
      %dma_start3A_176 = arith.constant 0 : i32
      %dma_start3A_177 = tpu.memref_slice %arg8[%add3A_175, %dma_start3A_176] : memref<40x128xi32, #tpu.memory_space<vmem>> -> memref<1x128xi32, #tpu.memory_space<vmem>>
      %dma_start3A_178 = tpu.memref_squeeze %dma_start3A_177 : memref<1x128xi32, #tpu.memory_space<vmem>> -> memref<128xi32, #tpu.memory_space<vmem>>
      %dma_start3A_179 = arith.constant 0 : i32
      %dma_start3A_180 = arith.constant 0 : i32
      %dma_start3A_181 = tpu.memref_slice %arg11[%dma_start3A_179, %dma_start3A_180] : memref<10112x128xf32, #tpu.memory_space<vmem_shared>> -> memref<10112x128xf32, #tpu.memory_space<vmem_shared>>
      tpu.enqueue_indirect_dma source(%arg10 : memref<128x128xf32, #tpu.memory_space<vmem>>) target(%dma_start3A_181 : memref<10112x128xf32, #tpu.memory_space<vmem_shared>>) offsets(%dma_start3A_178 : memref<128xi32, #tpu.memory_space<vmem>>) semaphore(%arg15 : memref<!tpu.dma_semaphore, #tpu.memory_space<semaphore_mem>>) {add = true}
      %add3A_182 = arith.constant 0 : i32
      %add3A_183 = arith.addi %mul3A_149, %add3A_182 : i32
      %dma_wait3A_184 = arith.constant 0 : i32
      %dma_wait3A_185 = tpu.memref_slice %arg8[%add3A_183, %dma_wait3A_184] : memref<40x128xi32, #tpu.memory_space<vmem>> -> memref<1x128xi32, #tpu.memory_space<vmem>>
      %dma_wait3A_186 = tpu.memref_squeeze %dma_wait3A_185 : memref<1x128xi32, #tpu.memory_space<vmem>> -> memref<128xi32, #tpu.memory_space<vmem>>
      %dma_wait3A_187 = arith.constant 0 : i32
      %dma_wait3A_188 = arith.constant 0 : i32
      %dma_wait3A_189 = tpu.memref_slice %arg11[%dma_wait3A_187, %dma_wait3A_188] : memref<10112x128xf32, #tpu.memory_space<vmem_shared>> -> memref<10112x128xf32, #tpu.memory_space<vmem_shared>>
      tpu.wait_indirect_dma semaphore(%arg14 : memref<!tpu.dma_semaphore, #tpu.memory_space<semaphore_mem>>) src(%arg9 : memref<128x128xf32, #tpu.memory_space<vmem>>) dst(%dma_wait3A_189 : memref<10112x128xf32, #tpu.memory_space<vmem_shared>>)
      %add3A_190 = arith.constant 2 : i32
      %add3A_191 = arith.addi %mul3A_149, %add3A_190 : i32
      %add3A_192 = arith.constant 0 : i32
      %add3A_193 = arith.addi %add3A_191, %add3A_192 : i32
      %dma_start3A_194 = arith.constant 0 : i32
      %dma_start3A_195 = tpu.memref_slice %arg7[%add3A_193, %dma_start3A_194] : memref<40x128xi32, #tpu.memory_space<vmem>> -> memref<1x128xi32, #tpu.memory_space<vmem>>
      %dma_start3A_196 = tpu.memref_squeeze %dma_start3A_195 : memref<1x128xi32, #tpu.memory_space<vmem>> -> memref<128xi32, #tpu.memory_space<vmem>>
      %dma_start3A_197 = arith.constant 0 : i32
      %dma_start3A_198 = arith.constant 0 : i32
      %dma_start3A_199 = tpu.memref_slice %arg2[%dma_start3A_197, %dma_start3A_198] : memref<10112x128xf32, #tpu.memory_space<hbm>> -> memref<10112x128xf32, #tpu.memory_space<hbm>>
      tpu.enqueue_indirect_dma source(%dma_start3A_199 : memref<10112x128xf32, #tpu.memory_space<hbm>>) target(%arg9 : memref<128x128xf32, #tpu.memory_space<vmem>>) offsets(%dma_start3A_196 : memref<128xi32, #tpu.memory_space<vmem>>) semaphore(%arg12 : memref<!tpu.dma_semaphore, #tpu.memory_space<semaphore_mem>>)
      %add3A_200 = arith.constant 1 : i32
      %add3A_201 = arith.addi %mul3A_149, %add3A_200 : i32
      %dma_wait3A_202 = arith.constant 0 : i32
      %dma_wait3A_203 = tpu.memref_slice %arg8[%add3A_201, %dma_wait3A_202] : memref<40x128xi32, #tpu.memory_space<vmem>> -> memref<1x128xi32, #tpu.memory_space<vmem>>
      %dma_wait3A_204 = tpu.memref_squeeze %dma_wait3A_203 : memref<1x128xi32, #tpu.memory_space<vmem>> -> memref<128xi32, #tpu.memory_space<vmem>>
      %dma_wait3A_205 = arith.constant 0 : i32
      %dma_wait3A_206 = arith.constant 0 : i32
      %dma_wait3A_207 = tpu.memref_slice %arg11[%dma_wait3A_205, %dma_wait3A_206] : memref<10112x128xf32, #tpu.memory_space<vmem_shared>> -> memref<10112x128xf32, #tpu.memory_space<vmem_shared>>
      tpu.wait_indirect_dma semaphore(%arg15 : memref<!tpu.dma_semaphore, #tpu.memory_space<semaphore_mem>>) src(%arg10 : memref<128x128xf32, #tpu.memory_space<vmem>>) dst(%dma_wait3A_207 : memref<10112x128xf32, #tpu.memory_space<vmem_shared>>)
      %add3A_208 = arith.constant 2 : i32
      %add3A_209 = arith.addi %mul3A_149, %add3A_208 : i32
      %add3A_210 = arith.constant 1 : i32
      %add3A_211 = arith.addi %add3A_209, %add3A_210 : i32
      %dma_start3A_212 = arith.constant 0 : i32
      %dma_start3A_213 = tpu.memref_slice %arg7[%add3A_211, %dma_start3A_212] : memref<40x128xi32, #tpu.memory_space<vmem>> -> memref<1x128xi32, #tpu.memory_space<vmem>>
      %dma_start3A_214 = tpu.memref_squeeze %dma_start3A_213 : memref<1x128xi32, #tpu.memory_space<vmem>> -> memref<128xi32, #tpu.memory_space<vmem>>
      %dma_start3A_215 = arith.constant 0 : i32
      %dma_start3A_216 = arith.constant 0 : i32
      %dma_start3A_217 = tpu.memref_slice %arg2[%dma_start3A_215, %dma_start3A_216] : memref<10112x128xf32, #tpu.memory_space<hbm>> -> memref<10112x128xf32, #tpu.memory_space<hbm>>
      tpu.enqueue_indirect_dma source(%dma_start3A_217 : memref<10112x128xf32, #tpu.memory_space<hbm>>) target(%arg10 : memref<128x128xf32, #tpu.memory_space<vmem>>) offsets(%dma_start3A_214 : memref<128xi32, #tpu.memory_space<vmem>>) semaphore(%arg13 : memref<!tpu.dma_semaphore, #tpu.memory_space<semaphore_mem>>)
    }
    %scan3A_30 = arith.constant 19 : i32
    %dma_wait3A = arith.constant 38 : i32
    %dma_wait3A_31 = arith.constant 0 : i32
    %dma_wait3A_32 = tpu.memref_slice %arg7[%dma_wait3A, %dma_wait3A_31] : memref<40x128xi32, #tpu.memory_space<vmem>> -> memref<1x128xi32, #tpu.memory_space<vmem>>
    %dma_wait3A_33 = tpu.memref_squeeze %dma_wait3A_32 : memref<1x128xi32, #tpu.memory_space<vmem>> -> memref<128xi32, #tpu.memory_space<vmem>>
    %dma_wait3A_34 = arith.constant 0 : i32
    %dma_wait3A_35 = arith.constant 0 : i32
    %dma_wait3A_36 = tpu.memref_slice %arg2[%dma_wait3A_34, %dma_wait3A_35] : memref<10112x128xf32, #tpu.memory_space<hbm>> -> memref<10112x128xf32, #tpu.memory_space<hbm>>
    tpu.wait_indirect_dma semaphore(%arg12 : memref<!tpu.dma_semaphore, #tpu.memory_space<semaphore_mem>>) src(%dma_wait3A_36 : memref<10112x128xf32, #tpu.memory_space<hbm>>) dst(%arg9 : memref<128x128xf32, #tpu.memory_space<vmem>>)
    %dma_start3A_37 = arith.constant 38 : i32
    %dma_start3A_38 = arith.constant 0 : i32
    %dma_start3A_39 = tpu.memref_slice %arg8[%dma_start3A_37, %dma_start3A_38] : memref<40x128xi32, #tpu.memory_space<vmem>> -> memref<1x128xi32, #tpu.memory_space<vmem>>
    %dma_start3A_40 = tpu.memref_squeeze %dma_start3A_39 : memref<1x128xi32, #tpu.memory_space<vmem>> -> memref<128xi32, #tpu.memory_space<vmem>>
    %dma_start3A_41 = arith.constant 0 : i32
    %dma_start3A_42 = arith.constant 0 : i32
    %dma_start3A_43 = tpu.memref_slice %arg11[%dma_start3A_41, %dma_start3A_42] : memref<10112x128xf32, #tpu.memory_space<vmem_shared>> -> memref<10112x128xf32, #tpu.memory_space<vmem_shared>>
    tpu.enqueue_indirect_dma source(%arg9 : memref<128x128xf32, #tpu.memory_space<vmem>>) target(%dma_start3A_43 : memref<10112x128xf32, #tpu.memory_space<vmem_shared>>) offsets(%dma_start3A_40 : memref<128xi32, #tpu.memory_space<vmem>>) semaphore(%arg14 : memref<!tpu.dma_semaphore, #tpu.memory_space<semaphore_mem>>) {add = true}
    %dma_wait3A_44 = arith.constant 39 : i32
    %dma_wait3A_45 = arith.constant 0 : i32
    %dma_wait3A_46 = tpu.memref_slice %arg7[%dma_wait3A_44, %dma_wait3A_45] : memref<40x128xi32, #tpu.memory_space<vmem>> -> memref<1x128xi32, #tpu.memory_space<vmem>>
    %dma_wait3A_47 = tpu.memref_squeeze %dma_wait3A_46 : memref<1x128xi32, #tpu.memory_space<vmem>> -> memref<128xi32, #tpu.memory_space<vmem>>
    %dma_wait3A_48 = arith.constant 0 : i32
    %dma_wait3A_49 = arith.constant 0 : i32
    %dma_wait3A_50 = tpu.memref_slice %arg2[%dma_wait3A_48, %dma_wait3A_49] : memref<10112x128xf32, #tpu.memory_space<hbm>> -> memref<10112x128xf32, #tpu.memory_space<hbm>>
    tpu.wait_indirect_dma semaphore(%arg13 : memref<!tpu.dma_semaphore, #tpu.memory_space<semaphore_mem>>) src(%dma_wait3A_50 : memref<10112x128xf32, #tpu.memory_space<hbm>>) dst(%arg10 : memref<128x128xf32, #tpu.memory_space<vmem>>)
    %dma_start3A_51 = arith.constant 39 : i32
    %dma_start3A_52 = arith.constant 0 : i32
    %dma_start3A_53 = tpu.memref_slice %arg8[%dma_start3A_51, %dma_start3A_52] : memref<40x128xi32, #tpu.memory_space<vmem>> -> memref<1x128xi32, #tpu.memory_space<vmem>>
    %dma_start3A_54 = tpu.memref_squeeze %dma_start3A_53 : memref<1x128xi32, #tpu.memory_space<vmem>> -> memref<128xi32, #tpu.memory_space<vmem>>
    %dma_start3A_55 = arith.constant 0 : i32
    %dma_start3A_56 = arith.constant 0 : i32
    %dma_start3A_57 = tpu.memref_slice %arg11[%dma_start3A_55, %dma_start3A_56] : memref<10112x128xf32, #tpu.memory_space<vmem_shared>> -> memref<10112x128xf32, #tpu.memory_space<vmem_shared>>
    tpu.enqueue_indirect_dma source(%arg10 : memref<128x128xf32, #tpu.memory_space<vmem>>) target(%dma_start3A_57 : memref<10112x128xf32, #tpu.memory_space<vmem_shared>>) offsets(%dma_start3A_54 : memref<128xi32, #tpu.memory_space<vmem>>) semaphore(%arg15 : memref<!tpu.dma_semaphore, #tpu.memory_space<semaphore_mem>>) {add = true}
    %dma_wait3A_58 = arith.constant 38 : i32
    %dma_wait3A_59 = arith.constant 0 : i32
    %dma_wait3A_60 = tpu.memref_slice %arg8[%dma_wait3A_58, %dma_wait3A_59] : memref<40x128xi32, #tpu.memory_space<vmem>> -> memref<1x128xi32, #tpu.memory_space<vmem>>
    %dma_wait3A_61 = tpu.memref_squeeze %dma_wait3A_60 : memref<1x128xi32, #tpu.memory_space<vmem>> -> memref<128xi32, #tpu.memory_space<vmem>>
    %dma_wait3A_62 = arith.constant 0 : i32
    %dma_wait3A_63 = arith.constant 0 : i32
    %dma_wait3A_64 = tpu.memref_slice %arg11[%dma_wait3A_62, %dma_wait3A_63] : memref<10112x128xf32, #tpu.memory_space<vmem_shared>> -> memref<10112x128xf32, #tpu.memory_space<vmem_shared>>
    tpu.wait_indirect_dma semaphore(%arg14 : memref<!tpu.dma_semaphore, #tpu.memory_space<semaphore_mem>>) src(%arg9 : memref<128x128xf32, #tpu.memory_space<vmem>>) dst(%dma_wait3A_64 : memref<10112x128xf32, #tpu.memory_space<vmem_shared>>)
    %dma_wait3A_65 = arith.constant 39 : i32
    %dma_wait3A_66 = arith.constant 0 : i32
    %dma_wait3A_67 = tpu.memref_slice %arg8[%dma_wait3A_65, %dma_wait3A_66] : memref<40x128xi32, #tpu.memory_space<vmem>> -> memref<1x128xi32, #tpu.memory_space<vmem>>
    %dma_wait3A_68 = tpu.memref_squeeze %dma_wait3A_67 : memref<1x128xi32, #tpu.memory_space<vmem>> -> memref<128xi32, #tpu.memory_space<vmem>>
    %dma_wait3A_69 = arith.constant 0 : i32
    %dma_wait3A_70 = arith.constant 0 : i32
    %dma_wait3A_71 = tpu.memref_slice %arg11[%dma_wait3A_69, %dma_wait3A_70] : memref<10112x128xf32, #tpu.memory_space<vmem_shared>> -> memref<10112x128xf32, #tpu.memory_space<vmem_shared>>
    tpu.wait_indirect_dma semaphore(%arg15 : memref<!tpu.dma_semaphore, #tpu.memory_space<semaphore_mem>>) src(%arg10 : memref<128x128xf32, #tpu.memory_space<vmem>>) dst(%dma_wait3A_71 : memref<10112x128xf32, #tpu.memory_space<vmem_shared>>)
    %mul3A_72 = arith.constant 80 : i32
    %mul3A_73 = arith.muli %add3A, %mul3A_72 : i32
    %add3A_74 = arith.constant 40 : i32
    %add3A_75 = arith.addi %mul3A_73, %add3A_74 : i32
    "tpu.region"() ({
      %run_scoped3A = tpu.sem_alloc : memref<!tpu.dma_semaphore, #tpu.memory_space<semaphore_mem>>
      %dma_start3A_147 = arith.constant 0 : i32
      %dma_start3A_148 = tpu.memref_slice %arg3[%add3A_75, %dma_start3A_147] : memref<2560x128xi32, #tpu.memory_space<hbm>> -> memref<40x128xi32, #tpu.memory_space<hbm>>
      %dma_start3A_149 = arith.constant 0 : i32
      %dma_start3A_150 = tpu.memref_slice %arg3[%add3A_75, %dma_start3A_149] : memref<2560x128xi32, #tpu.memory_space<hbm>> -> memref<40x128xi32, #tpu.memory_space<hbm>>
      tpu.enqueue_dma source(%dma_start3A_150 : memref<40x128xi32, #tpu.memory_space<hbm>>) target(%arg7 : memref<40x128xi32, #tpu.memory_space<vmem>>) target_semaphore(%run_scoped3A : memref<!tpu.dma_semaphore, #tpu.memory_space<semaphore_mem>>)
      %dma_wait3A_151 = arith.constant 0 : i32
      %dma_wait3A_152 = tpu.memref_slice %arg3[%add3A_75, %dma_wait3A_151] : memref<2560x128xi32, #tpu.memory_space<hbm>> -> memref<40x128xi32, #tpu.memory_space<hbm>>
      %dma_wait3A_153 = arith.constant 0 : i32
      %dma_wait3A_154 = tpu.memref_slice %arg3[%add3A_75, %dma_wait3A_153] : memref<2560x128xi32, #tpu.memory_space<hbm>> -> memref<40x128xi32, #tpu.memory_space<hbm>>
      tpu.wait_dma2 semaphore(%run_scoped3A : memref<!tpu.dma_semaphore, #tpu.memory_space<semaphore_mem>>) src(%dma_wait3A_154 : memref<40x128xi32, #tpu.memory_space<hbm>>) dst(%arg7 : memref<40x128xi32, #tpu.memory_space<vmem>>)
      tpu.yield
    }) : () -> ()
    %mul3A_76 = arith.constant 80 : i32
    %mul3A_77 = arith.muli %add3A, %mul3A_76 : i32
    %add3A_78 = arith.constant 40 : i32
    %add3A_79 = arith.addi %mul3A_77, %add3A_78 : i32
    "tpu.region"() ({
      %run_scoped3A = tpu.sem_alloc : memref<!tpu.dma_semaphore, #tpu.memory_space<semaphore_mem>>
      %dma_start3A_147 = arith.constant 0 : i32
      %dma_start3A_148 = tpu.memref_slice %arg4[%add3A_79, %dma_start3A_147] : memref<2560x128xi32, #tpu.memory_space<hbm>> -> memref<40x128xi32, #tpu.memory_space<hbm>>
      %dma_start3A_149 = arith.constant 0 : i32
      %dma_start3A_150 = tpu.memref_slice %arg4[%add3A_79, %dma_start3A_149] : memref<2560x128xi32, #tpu.memory_space<hbm>> -> memref<40x128xi32, #tpu.memory_space<hbm>>
      tpu.enqueue_dma source(%dma_start3A_150 : memref<40x128xi32, #tpu.memory_space<hbm>>) target(%arg8 : memref<40x128xi32, #tpu.memory_space<vmem>>) target_semaphore(%run_scoped3A : memref<!tpu.dma_semaphore, #tpu.memory_space<semaphore_mem>>)
      %dma_wait3A_151 = arith.constant 0 : i32
      %dma_wait3A_152 = tpu.memref_slice %arg4[%add3A_79, %dma_wait3A_151] : memref<2560x128xi32, #tpu.memory_space<hbm>> -> memref<40x128xi32, #tpu.memory_space<hbm>>
      %dma_wait3A_153 = arith.constant 0 : i32
      %dma_wait3A_154 = tpu.memref_slice %arg4[%add3A_79, %dma_wait3A_153] : memref<2560x128xi32, #tpu.memory_space<hbm>> -> memref<40x128xi32, #tpu.memory_space<hbm>>
      tpu.wait_dma2 semaphore(%run_scoped3A : memref<!tpu.dma_semaphore, #tpu.memory_space<semaphore_mem>>) src(%dma_wait3A_154 : memref<40x128xi32, #tpu.memory_space<hbm>>) dst(%arg8 : memref<40x128xi32, #tpu.memory_space<vmem>>)
      tpu.yield
    }) : () -> ()
    %dma_start3A_80 = arith.constant 0 : i32
    %dma_start3A_81 = arith.constant 0 : i32
    %dma_start3A_82 = tpu.memref_slice %arg7[%dma_start3A_80, %dma_start3A_81] : memref<40x128xi32, #tpu.memory_space<vmem>> -> memref<1x128xi32, #tpu.memory_space<vmem>>
    %dma_start3A_83 = tpu.memref_squeeze %dma_start3A_82 : memref<1x128xi32, #tpu.memory_space<vmem>> -> memref<128xi32, #tpu.memory_space<vmem>>
    %dma_start3A_84 = arith.constant 0 : i32
    %dma_start3A_85 = arith.constant 0 : i32
    %dma_start3A_86 = tpu.memref_slice %arg2[%dma_start3A_84, %dma_start3A_85] : memref<10112x128xf32, #tpu.memory_space<hbm>> -> memref<10112x128xf32, #tpu.memory_space<hbm>>
    tpu.enqueue_indirect_dma source(%dma_start3A_86 : memref<10112x128xf32, #tpu.memory_space<hbm>>) target(%arg9 : memref<128x128xf32, #tpu.memory_space<vmem>>) offsets(%dma_start3A_83 : memref<128xi32, #tpu.memory_space<vmem>>) semaphore(%arg12 : memref<!tpu.dma_semaphore, #tpu.memory_space<semaphore_mem>>)
    %dma_start3A_87 = arith.constant 1 : i32
    %dma_start3A_88 = arith.constant 0 : i32
    %dma_start3A_89 = tpu.memref_slice %arg7[%dma_start3A_87, %dma_start3A_88] : memref<40x128xi32, #tpu.memory_space<vmem>> -> memref<1x128xi32, #tpu.memory_space<vmem>>
    %dma_start3A_90 = tpu.memref_squeeze %dma_start3A_89 : memref<1x128xi32, #tpu.memory_space<vmem>> -> memref<128xi32, #tpu.memory_space<vmem>>
    %dma_start3A_91 = arith.constant 0 : i32
    %dma_start3A_92 = arith.constant 0 : i32
    %dma_start3A_93 = tpu.memref_slice %arg2[%dma_start3A_91, %dma_start3A_92] : memref<10112x128xf32, #tpu.memory_space<hbm>> -> memref<10112x128xf32, #tpu.memory_space<hbm>>
    tpu.enqueue_indirect_dma source(%dma_start3A_93 : memref<10112x128xf32, #tpu.memory_space<hbm>>) target(%arg10 : memref<128x128xf32, #tpu.memory_space<vmem>>) offsets(%dma_start3A_90 : memref<128xi32, #tpu.memory_space<vmem>>) semaphore(%arg13 : memref<!tpu.dma_semaphore, #tpu.memory_space<semaphore_mem>>)
    %scan3A_94 = arith.constant 0 : i32
    %scan3A_95 = arith.constant 0 : i32
    %scan3A_96 = arith.constant 19 : i32
    %scan3A_97 = arith.addi %scan3A_95, %scan3A_96 : i32
    %scan3A_98 = arith.constant 1 : i32
    scf.for %scan3A_147 = %scan3A_95 to %scan3A_97 step %scan3A_98  : i32 {
      %mul3A_148 = arith.constant 2 : i32
      %mul3A_149 = arith.muli %scan3A_147, %mul3A_148 : i32
      %add3A_150 = arith.constant 0 : i32
      %add3A_151 = arith.addi %mul3A_149, %add3A_150 : i32
      %dma_wait3A_152 = arith.constant 0 : i32
      %dma_wait3A_153 = tpu.memref_slice %arg7[%add3A_151, %dma_wait3A_152] : memref<40x128xi32, #tpu.memory_space<vmem>> -> memref<1x128xi32, #tpu.memory_space<vmem>>
      %dma_wait3A_154 = tpu.memref_squeeze %dma_wait3A_153 : memref<1x128xi32, #tpu.memory_space<vmem>> -> memref<128xi32, #tpu.memory_space<vmem>>
      %dma_wait3A_155 = arith.constant 0 : i32
      %dma_wait3A_156 = arith.constant 0 : i32
      %dma_wait3A_157 = tpu.memref_slice %arg2[%dma_wait3A_155, %dma_wait3A_156] : memref<10112x128xf32, #tpu.memory_space<hbm>> -> memref<10112x128xf32, #tpu.memory_space<hbm>>
      tpu.wait_indirect_dma semaphore(%arg12 : memref<!tpu.dma_semaphore, #tpu.memory_space<semaphore_mem>>) src(%dma_wait3A_157 : memref<10112x128xf32, #tpu.memory_space<hbm>>) dst(%arg9 : memref<128x128xf32, #tpu.memory_space<vmem>>)
      %add3A_158 = arith.constant 0 : i32
      %add3A_159 = arith.addi %mul3A_149, %add3A_158 : i32
      %dma_start3A_160 = arith.constant 0 : i32
      %dma_start3A_161 = tpu.memref_slice %arg8[%add3A_159, %dma_start3A_160] : memref<40x128xi32, #tpu.memory_space<vmem>> -> memref<1x128xi32, #tpu.memory_space<vmem>>
      %dma_start3A_162 = tpu.memref_squeeze %dma_start3A_161 : memref<1x128xi32, #tpu.memory_space<vmem>> -> memref<128xi32, #tpu.memory_space<vmem>>
      %dma_start3A_163 = arith.constant 0 : i32
      %dma_start3A_164 = arith.constant 0 : i32
      %dma_start3A_165 = tpu.memref_slice %arg11[%dma_start3A_163, %dma_start3A_164] : memref<10112x128xf32, #tpu.memory_space<vmem_shared>> -> memref<10112x128xf32, #tpu.memory_space<vmem_shared>>
      tpu.enqueue_indirect_dma source(%arg9 : memref<128x128xf32, #tpu.memory_space<vmem>>) target(%dma_start3A_165 : memref<10112x128xf32, #tpu.memory_space<vmem_shared>>) offsets(%dma_start3A_162 : memref<128xi32, #tpu.memory_space<vmem>>) semaphore(%arg14 : memref<!tpu.dma_semaphore, #tpu.memory_space<semaphore_mem>>) {add = true}
      %add3A_166 = arith.constant 1 : i32
      %add3A_167 = arith.addi %mul3A_149, %add3A_166 : i32
      %dma_wait3A_168 = arith.constant 0 : i32
      %dma_wait3A_169 = tpu.memref_slice %arg7[%add3A_167, %dma_wait3A_168] : memref<40x128xi32, #tpu.memory_space<vmem>> -> memref<1x128xi32, #tpu.memory_space<vmem>>
      %dma_wait3A_170 = tpu.memref_squeeze %dma_wait3A_169 : memref<1x128xi32, #tpu.memory_space<vmem>> -> memref<128xi32, #tpu.memory_space<vmem>>
      %dma_wait3A_171 = arith.constant 0 : i32
      %dma_wait3A_172 = arith.constant 0 : i32
      %dma_wait3A_173 = tpu.memref_slice %arg2[%dma_wait3A_171, %dma_wait3A_172] : memref<10112x128xf32, #tpu.memory_space<hbm>> -> memref<10112x128xf32, #tpu.memory_space<hbm>>
      tpu.wait_indirect_dma semaphore(%arg13 : memref<!tpu.dma_semaphore, #tpu.memory_space<semaphore_mem>>) src(%dma_wait3A_173 : memref<10112x128xf32, #tpu.memory_space<hbm>>) dst(%arg10 : memref<128x128xf32, #tpu.memory_space<vmem>>)
      %add3A_174 = arith.constant 1 : i32
      %add3A_175 = arith.addi %mul3A_149, %add3A_174 : i32
      %dma_start3A_176 = arith.constant 0 : i32
      %dma_start3A_177 = tpu.memref_slice %arg8[%add3A_175, %dma_start3A_176] : memref<40x128xi32, #tpu.memory_space<vmem>> -> memref<1x128xi32, #tpu.memory_space<vmem>>
      %dma_start3A_178 = tpu.memref_squeeze %dma_start3A_177 : memref<1x128xi32, #tpu.memory_space<vmem>> -> memref<128xi32, #tpu.memory_space<vmem>>
      %dma_start3A_179 = arith.constant 0 : i32
      %dma_start3A_180 = arith.constant 0 : i32
      %dma_start3A_181 = tpu.memref_slice %arg11[%dma_start3A_179, %dma_start3A_180] : memref<10112x128xf32, #tpu.memory_space<vmem_shared>> -> memref<10112x128xf32, #tpu.memory_space<vmem_shared>>
      tpu.enqueue_indirect_dma source(%arg10 : memref<128x128xf32, #tpu.memory_space<vmem>>) target(%dma_start3A_181 : memref<10112x128xf32, #tpu.memory_space<vmem_shared>>) offsets(%dma_start3A_178 : memref<128xi32, #tpu.memory_space<vmem>>) semaphore(%arg15 : memref<!tpu.dma_semaphore, #tpu.memory_space<semaphore_mem>>) {add = true}
      %add3A_182 = arith.constant 0 : i32
      %add3A_183 = arith.addi %mul3A_149, %add3A_182 : i32
      %dma_wait3A_184 = arith.constant 0 : i32
      %dma_wait3A_185 = tpu.memref_slice %arg8[%add3A_183, %dma_wait3A_184] : memref<40x128xi32, #tpu.memory_space<vmem>> -> memref<1x128xi32, #tpu.memory_space<vmem>>
      %dma_wait3A_186 = tpu.memref_squeeze %dma_wait3A_185 : memref<1x128xi32, #tpu.memory_space<vmem>> -> memref<128xi32, #tpu.memory_space<vmem>>
      %dma_wait3A_187 = arith.constant 0 : i32
      %dma_wait3A_188 = arith.constant 0 : i32
      %dma_wait3A_189 = tpu.memref_slice %arg11[%dma_wait3A_187, %dma_wait3A_188] : memref<10112x128xf32, #tpu.memory_space<vmem_shared>> -> memref<10112x128xf32, #tpu.memory_space<vmem_shared>>
      tpu.wait_indirect_dma semaphore(%arg14 : memref<!tpu.dma_semaphore, #tpu.memory_space<semaphore_mem>>) src(%arg9 : memref<128x128xf32, #tpu.memory_space<vmem>>) dst(%dma_wait3A_189 : memref<10112x128xf32, #tpu.memory_space<vmem_shared>>)
      %add3A_190 = arith.constant 2 : i32
      %add3A_191 = arith.addi %mul3A_149, %add3A_190 : i32
      %add3A_192 = arith.constant 0 : i32
      %add3A_193 = arith.addi %add3A_191, %add3A_192 : i32
      %dma_start3A_194 = arith.constant 0 : i32
      %dma_start3A_195 = tpu.memref_slice %arg7[%add3A_193, %dma_start3A_194] : memref<40x128xi32, #tpu.memory_space<vmem>> -> memref<1x128xi32, #tpu.memory_space<vmem>>
      %dma_start3A_196 = tpu.memref_squeeze %dma_start3A_195 : memref<1x128xi32, #tpu.memory_space<vmem>> -> memref<128xi32, #tpu.memory_space<vmem>>
      %dma_start3A_197 = arith.constant 0 : i32
      %dma_start3A_198 = arith.constant 0 : i32
      %dma_start3A_199 = tpu.memref_slice %arg2[%dma_start3A_197, %dma_start3A_198] : memref<10112x128xf32, #tpu.memory_space<hbm>> -> memref<10112x128xf32, #tpu.memory_space<hbm>>
      tpu.enqueue_indirect_dma source(%dma_start3A_199 : memref<10112x128xf32, #tpu.memory_space<hbm>>) target(%arg9 : memref<128x128xf32, #tpu.memory_space<vmem>>) offsets(%dma_start3A_196 : memref<128xi32, #tpu.memory_space<vmem>>) semaphore(%arg12 : memref<!tpu.dma_semaphore, #tpu.memory_space<semaphore_mem>>)
      %add3A_200 = arith.constant 1 : i32
      %add3A_201 = arith.addi %mul3A_149, %add3A_200 : i32
      %dma_wait3A_202 = arith.constant 0 : i32
      %dma_wait3A_203 = tpu.memref_slice %arg8[%add3A_201, %dma_wait3A_202] : memref<40x128xi32, #tpu.memory_space<vmem>> -> memref<1x128xi32, #tpu.memory_space<vmem>>
      %dma_wait3A_204 = tpu.memref_squeeze %dma_wait3A_203 : memref<1x128xi32, #tpu.memory_space<vmem>> -> memref<128xi32, #tpu.memory_space<vmem>>
      %dma_wait3A_205 = arith.constant 0 : i32
      %dma_wait3A_206 = arith.constant 0 : i32
      %dma_wait3A_207 = tpu.memref_slice %arg11[%dma_wait3A_205, %dma_wait3A_206] : memref<10112x128xf32, #tpu.memory_space<vmem_shared>> -> memref<10112x128xf32, #tpu.memory_space<vmem_shared>>
      tpu.wait_indirect_dma semaphore(%arg15 : memref<!tpu.dma_semaphore, #tpu.memory_space<semaphore_mem>>) src(%arg10 : memref<128x128xf32, #tpu.memory_space<vmem>>) dst(%dma_wait3A_207 : memref<10112x128xf32, #tpu.memory_space<vmem_shared>>)
      %add3A_208 = arith.constant 2 : i32
      %add3A_209 = arith.addi %mul3A_149, %add3A_208 : i32
      %add3A_210 = arith.constant 1 : i32
      %add3A_211 = arith.addi %add3A_209, %add3A_210 : i32
      %dma_start3A_212 = arith.constant 0 : i32
      %dma_start3A_213 = tpu.memref_slice %arg7[%add3A_211, %dma_start3A_212] : memref<40x128xi32, #tpu.memory_space<vmem>> -> memref<1x128xi32, #tpu.memory_space<vmem>>
      %dma_start3A_214 = tpu.memref_squeeze %dma_start3A_213 : memref<1x128xi32, #tpu.memory_space<vmem>> -> memref<128xi32, #tpu.memory_space<vmem>>
      %dma_start3A_215 = arith.constant 0 : i32
      %dma_start3A_216 = arith.constant 0 : i32
      %dma_start3A_217 = tpu.memref_slice %arg2[%dma_start3A_215, %dma_start3A_216] : memref<10112x128xf32, #tpu.memory_space<hbm>> -> memref<10112x128xf32, #tpu.memory_space<hbm>>
      tpu.enqueue_indirect_dma source(%dma_start3A_217 : memref<10112x128xf32, #tpu.memory_space<hbm>>) target(%arg10 : memref<128x128xf32, #tpu.memory_space<vmem>>) offsets(%dma_start3A_214 : memref<128xi32, #tpu.memory_space<vmem>>) semaphore(%arg13 : memref<!tpu.dma_semaphore, #tpu.memory_space<semaphore_mem>>)
    }
    %scan3A_99 = arith.constant 19 : i32
    %dma_wait3A_100 = arith.constant 38 : i32
    %dma_wait3A_101 = arith.constant 0 : i32
    %dma_wait3A_102 = tpu.memref_slice %arg7[%dma_wait3A_100, %dma_wait3A_101] : memref<40x128xi32, #tpu.memory_space<vmem>> -> memref<1x128xi32, #tpu.memory_space<vmem>>
    %dma_wait3A_103 = tpu.memref_squeeze %dma_wait3A_102 : memref<1x128xi32, #tpu.memory_space<vmem>> -> memref<128xi32, #tpu.memory_space<vmem>>
    %dma_wait3A_104 = arith.constant 0 : i32
    %dma_wait3A_105 = arith.constant 0 : i32
    %dma_wait3A_106 = tpu.memref_slice %arg2[%dma_wait3A_104, %dma_wait3A_105] : memref<10112x128xf32, #tpu.memory_space<hbm>> -> memref<10112x128xf32, #tpu.memory_space<hbm>>
    tpu.wait_indirect_dma semaphore(%arg12 : memref<!tpu.dma_semaphore, #tpu.memory_space<semaphore_mem>>) src(%dma_wait3A_106 : memref<10112x128xf32, #tpu.memory_space<hbm>>) dst(%arg9 : memref<128x128xf32, #tpu.memory_space<vmem>>)
    %dma_start3A_107 = arith.constant 38 : i32
    %dma_start3A_108 = arith.constant 0 : i32
    %dma_start3A_109 = tpu.memref_slice %arg8[%dma_start3A_107, %dma_start3A_108] : memref<40x128xi32, #tpu.memory_space<vmem>> -> memref<1x128xi32, #tpu.memory_space<vmem>>
    %dma_start3A_110 = tpu.memref_squeeze %dma_start3A_109 : memref<1x128xi32, #tpu.memory_space<vmem>> -> memref<128xi32, #tpu.memory_space<vmem>>
    %dma_start3A_111 = arith.constant 0 : i32
    %dma_start3A_112 = arith.constant 0 : i32
    %dma_start3A_113 = tpu.memref_slice %arg11[%dma_start3A_111, %dma_start3A_112] : memref<10112x128xf32, #tpu.memory_space<vmem_shared>> -> memref<10112x128xf32, #tpu.memory_space<vmem_shared>>
    tpu.enqueue_indirect_dma source(%arg9 : memref<128x128xf32, #tpu.memory_space<vmem>>) target(%dma_start3A_113 : memref<10112x128xf32, #tpu.memory_space<vmem_shared>>) offsets(%dma_start3A_110 : memref<128xi32, #tpu.memory_space<vmem>>) semaphore(%arg14 : memref<!tpu.dma_semaphore, #tpu.memory_space<semaphore_mem>>) {add = true}
    %dma_wait3A_114 = arith.constant 39 : i32
    %dma_wait3A_115 = arith.constant 0 : i32
    %dma_wait3A_116 = tpu.memref_slice %arg7[%dma_wait3A_114, %dma_wait3A_115] : memref<40x128xi32, #tpu.memory_space<vmem>> -> memref<1x128xi32, #tpu.memory_space<vmem>>
    %dma_wait3A_117 = tpu.memref_squeeze %dma_wait3A_116 : memref<1x128xi32, #tpu.memory_space<vmem>> -> memref<128xi32, #tpu.memory_space<vmem>>
    %dma_wait3A_118 = arith.constant 0 : i32
    %dma_wait3A_119 = arith.constant 0 : i32
    %dma_wait3A_120 = tpu.memref_slice %arg2[%dma_wait3A_118, %dma_wait3A_119] : memref<10112x128xf32, #tpu.memory_space<hbm>> -> memref<10112x128xf32, #tpu.memory_space<hbm>>
    tpu.wait_indirect_dma semaphore(%arg13 : memref<!tpu.dma_semaphore, #tpu.memory_space<semaphore_mem>>) src(%dma_wait3A_120 : memref<10112x128xf32, #tpu.memory_space<hbm>>) dst(%arg10 : memref<128x128xf32, #tpu.memory_space<vmem>>)
    %dma_start3A_121 = arith.constant 39 : i32
    %dma_start3A_122 = arith.constant 0 : i32
    %dma_start3A_123 = tpu.memref_slice %arg8[%dma_start3A_121, %dma_start3A_122] : memref<40x128xi32, #tpu.memory_space<vmem>> -> memref<1x128xi32, #tpu.memory_space<vmem>>
    %dma_start3A_124 = tpu.memref_squeeze %dma_start3A_123 : memref<1x128xi32, #tpu.memory_space<vmem>> -> memref<128xi32, #tpu.memory_space<vmem>>
    %dma_start3A_125 = arith.constant 0 : i32
    %dma_start3A_126 = arith.constant 0 : i32
    %dma_start3A_127 = tpu.memref_slice %arg11[%dma_start3A_125, %dma_start3A_126] : memref<10112x128xf32, #tpu.memory_space<vmem_shared>> -> memref<10112x128xf32, #tpu.memory_space<vmem_shared>>
    tpu.enqueue_indirect_dma source(%arg10 : memref<128x128xf32, #tpu.memory_space<vmem>>) target(%dma_start3A_127 : memref<10112x128xf32, #tpu.memory_space<vmem_shared>>) offsets(%dma_start3A_124 : memref<128xi32, #tpu.memory_space<vmem>>) semaphore(%arg15 : memref<!tpu.dma_semaphore, #tpu.memory_space<semaphore_mem>>) {add = true}
    %dma_wait3A_128 = arith.constant 38 : i32
    %dma_wait3A_129 = arith.constant 0 : i32
    %dma_wait3A_130 = tpu.memref_slice %arg8[%dma_wait3A_128, %dma_wait3A_129] : memref<40x128xi32, #tpu.memory_space<vmem>> -> memref<1x128xi32, #tpu.memory_space<vmem>>
    %dma_wait3A_131 = tpu.memref_squeeze %dma_wait3A_130 : memref<1x128xi32, #tpu.memory_space<vmem>> -> memref<128xi32, #tpu.memory_space<vmem>>
    %dma_wait3A_132 = arith.constant 0 : i32
    %dma_wait3A_133 = arith.constant 0 : i32
    %dma_wait3A_134 = tpu.memref_slice %arg11[%dma_wait3A_132, %dma_wait3A_133] : memref<10112x128xf32, #tpu.memory_space<vmem_shared>> -> memref<10112x128xf32, #tpu.memory_space<vmem_shared>>
    tpu.wait_indirect_dma semaphore(%arg14 : memref<!tpu.dma_semaphore, #tpu.memory_space<semaphore_mem>>) src(%arg9 : memref<128x128xf32, #tpu.memory_space<vmem>>) dst(%dma_wait3A_134 : memref<10112x128xf32, #tpu.memory_space<vmem_shared>>)
    %dma_wait3A_135 = arith.constant 39 : i32
    %dma_wait3A_136 = arith.constant 0 : i32
    %dma_wait3A_137 = tpu.memref_slice %arg8[%dma_wait3A_135, %dma_wait3A_136] : memref<40x128xi32, #tpu.memory_space<vmem>> -> memref<1x128xi32, #tpu.memory_space<vmem>>
    %dma_wait3A_138 = tpu.memref_squeeze %dma_wait3A_137 : memref<1x128xi32, #tpu.memory_space<vmem>> -> memref<128xi32, #tpu.memory_space<vmem>>
    %dma_wait3A_139 = arith.constant 0 : i32
    %dma_wait3A_140 = arith.constant 0 : i32
    %dma_wait3A_141 = tpu.memref_slice %arg11[%dma_wait3A_139, %dma_wait3A_140] : memref<10112x128xf32, #tpu.memory_space<vmem_shared>> -> memref<10112x128xf32, #tpu.memory_space<vmem_shared>>
    tpu.wait_indirect_dma semaphore(%arg15 : memref<!tpu.dma_semaphore, #tpu.memory_space<semaphore_mem>>) src(%arg10 : memref<128x128xf32, #tpu.memory_space<vmem>>) dst(%dma_wait3A_141 : memref<10112x128xf32, #tpu.memory_space<vmem_shared>>)
    %barrier3A_142 = arith.constant 0 : index
    tpu.barrier barrier_id(%barrier3A_142)
    %mul3A_143 = arith.constant 632 : i32
    %mul3A_144 = arith.muli %arg1, %mul3A_143 : i32
    %mul3A_145 = arith.constant 632 : i32
    %mul3A_146 = arith.muli %arg1, %mul3A_145 : i32
    "tpu.region"() ({
      %run_scoped3A = tpu.sem_alloc : memref<!tpu.dma_semaphore, #tpu.memory_space<semaphore_mem>>
      %dma_start3A_147 = arith.constant 0 : i32
      %dma_start3A_148 = tpu.memref_slice %arg6[%arg0, %mul3A_146, %dma_start3A_147] : memref<2x10112x128xf32, #tpu.memory_space<hbm>> -> memref<1x632x128xf32, #tpu.memory_space<hbm>>
      %dma_start3A_149 = tpu.memref_squeeze %dma_start3A_148 : memref<1x632x128xf32, #tpu.memory_space<hbm>> -> memref<632x128xf32, #tpu.memory_space<hbm>>
      %dma_start3A_150 = arith.constant 0 : i32
      %dma_start3A_151 = tpu.memref_slice %arg11[%mul3A_144, %dma_start3A_150] : memref<10112x128xf32, #tpu.memory_space<vmem_shared>> -> memref<632x128xf32, #tpu.memory_space<vmem_shared>>
      tpu.enqueue_dma source(%dma_start3A_151 : memref<632x128xf32, #tpu.memory_space<vmem_shared>>) target(%dma_start3A_149 : memref<632x128xf32, #tpu.memory_space<hbm>>) target_semaphore(%run_scoped3A : memref<!tpu.dma_semaphore, #tpu.memory_space<semaphore_mem>>)
      %dma_wait3A_152 = arith.constant 0 : i32
      %dma_wait3A_153 = tpu.memref_slice %arg6[%arg0, %mul3A_146, %dma_wait3A_152] : memref<2x10112x128xf32, #tpu.memory_space<hbm>> -> memref<1x632x128xf32, #tpu.memory_space<hbm>>
      %dma_wait3A_154 = tpu.memref_squeeze %dma_wait3A_153 : memref<1x632x128xf32, #tpu.memory_space<hbm>> -> memref<632x128xf32, #tpu.memory_space<hbm>>
      %dma_wait3A_155 = arith.constant 0 : i32
      %dma_wait3A_156 = tpu.memref_slice %arg11[%mul3A_144, %dma_wait3A_155] : memref<10112x128xf32, #tpu.memory_space<vmem_shared>> -> memref<632x128xf32, #tpu.memory_space<vmem_shared>>
      tpu.wait_dma2 semaphore(%run_scoped3A : memref<!tpu.dma_semaphore, #tpu.memory_space<semaphore_mem>>) src(%dma_wait3A_156 : memref<632x128xf32, #tpu.memory_space<vmem_shared>>) dst(%dma_wait3A_154 : memref<632x128xf32, #tpu.memory_space<hbm>>)
      tpu.yield
    }) : () -> ()
    return
  }
}

#map = affine_map<(d0, d1) -> (0, 0)>
#map1 = affine_map<(d0, d1) -> (0, 0, 0)>
module attributes {stable_mosaic.version = 14 : i64} {
  func.func @_gs_body(%arg0: i32, %arg1: i32, %arg2: memref<10112x128xf32, #tpu.memory_space<hbm>>, %arg3: memref<2560x128xi32, #tpu.memory_space<hbm>>, %arg4: memref<2560x128xi32, #tpu.memory_space<hbm>>, %arg5: memref<10112x128xf32, #tpu.memory_space<hbm>>, %arg6: memref<2x10112x128xf32, #tpu.memory_space<hbm>>, %arg7: memref<40x128xi32, #tpu.memory_space<vmem>>, %arg8: memref<40x128xi32, #tpu.memory_space<vmem>>, %arg9: memref<128x128xf32, #tpu.memory_space<vmem>>, %arg10: memref<128x128xf32, #tpu.memory_space<vmem>>, %arg11: memref<10112x128xf32, #tpu.memory_space<vmem_shared>>, %arg12: memref<!tpu.dma_semaphore, #tpu.memory_space<semaphore_mem>>, %arg13: memref<!tpu.dma_semaphore, #tpu.memory_space<semaphore_mem>>, %arg14: memref<!tpu.dma_semaphore, #tpu.memory_space<semaphore_mem>>, %arg15: memref<!tpu.dma_semaphore, #tpu.memory_space<semaphore_mem>>) attributes {dimension_semantics = [#tpu.dimension_semantics<core_parallel>, #tpu.dimension_semantics<subcore_parallel>], iteration_bounds = array<i64: 2, 16>, scalar_prefetch = 0 : i64, scratch_operands = 9 : i64, tpu.core_type = #tpu.core_type<sc_vector_subcore>, window_params = [{transform_indices = #map}, {transform_indices = #map}, {transform_indices = #map}, {transform_indices = #map}, {transform_indices = #map1}]} {
    %mul3A = arith.constant 2 : i32
    %mul3A_0 = arith.muli %arg1, %mul3A : i32
    %add3A = arith.addi %mul3A_0, %arg0 : i32
    %mul3A_1 = arith.constant 632 : i32
    %mul3A_2 = arith.muli %arg1, %mul3A_1 : i32
    %mul3A_3 = arith.constant 632 : i32
    %mul3A_4 = arith.muli %arg1, %mul3A_3 : i32
    "tpu.region"() ({
      %run_scoped3A = tpu.sem_alloc : memref<!tpu.dma_semaphore, #tpu.memory_space<semaphore_mem>>
      %dma_start3A_147 = arith.constant 0 : i32
      %dma_start3A_148 = tpu.memref_slice %arg11[%mul3A_4, %dma_start3A_147] : memref<10112x128xf32, #tpu.memory_space<vmem_shared>> -> memref<632x128xf32, #tpu.memory_space<vmem_shared>>
      %dma_start3A_149 = arith.constant 0 : i32
      %dma_start3A_150 = tpu.memref_slice %arg5[%mul3A_2, %dma_start3A_149] : memref<10112x128xf32, #tpu.memory_space<hbm>> -> memref<632x128xf32, #tpu.memory_space<hbm>>
      tpu.enqueue_dma source(%dma_start3A_150 : memref<632x128xf32, #tpu.memory_space<hbm>>) target(%dma_start3A_148 : memref<632x128xf32, #tpu.memory_space<vmem_shared>>) target_semaphore(%run_scoped3A : memref<!tpu.dma_semaphore, #tpu.memory_space<semaphore_mem>>)
      %dma_wait3A_151 = arith.constant 0 : i32
      %dma_wait3A_152 = tpu.memref_slice %arg11[%mul3A_4, %dma_wait3A_151] : memref<10112x128xf32, #tpu.memory_space<vmem_shared>> -> memref<632x128xf32, #tpu.memory_space<vmem_shared>>
      %dma_wait3A_153 = arith.constant 0 : i32
      %dma_wait3A_154 = tpu.memref_slice %arg5[%mul3A_2, %dma_wait3A_153] : memref<10112x128xf32, #tpu.memory_space<hbm>> -> memref<632x128xf32, #tpu.memory_space<hbm>>
      tpu.wait_dma2 semaphore(%run_scoped3A : memref<!tpu.dma_semaphore, #tpu.memory_space<semaphore_mem>>) src(%dma_wait3A_154 : memref<632x128xf32, #tpu.memory_space<hbm>>) dst(%dma_wait3A_152 : memref<632x128xf32, #tpu.memory_space<vmem_shared>>)
      tpu.yield
    }) : () -> ()
    %barrier3A = arith.constant 0 : index
    tpu.barrier barrier_id(%barrier3A)
    %mul3A_5 = arith.constant 80 : i32
    %mul3A_6 = arith.muli %add3A, %mul3A_5 : i32
    %add3A_7 = arith.constant 0 : i32
    %add3A_8 = arith.addi %mul3A_6, %add3A_7 : i32
    "tpu.region"() ({
      %run_scoped3A = tpu.sem_alloc : memref<!tpu.dma_semaphore, #tpu.memory_space<semaphore_mem>>
      %dma_start3A_147 = arith.constant 0 : i32
      %dma_start3A_148 = tpu.memref_slice %arg3[%add3A_8, %dma_start3A_147] : memref<2560x128xi32, #tpu.memory_space<hbm>> -> memref<40x128xi32, #tpu.memory_space<hbm>>
      %dma_start3A_149 = arith.constant 0 : i32
      %dma_start3A_150 = tpu.memref_slice %arg3[%add3A_8, %dma_start3A_149] : memref<2560x128xi32, #tpu.memory_space<hbm>> -> memref<40x128xi32, #tpu.memory_space<hbm>>
      tpu.enqueue_dma source(%dma_start3A_150 : memref<40x128xi32, #tpu.memory_space<hbm>>) target(%arg7 : memref<40x128xi32, #tpu.memory_space<vmem>>) target_semaphore(%run_scoped3A : memref<!tpu.dma_semaphore, #tpu.memory_space<semaphore_mem>>)
      %dma_wait3A_151 = arith.constant 0 : i32
      %dma_wait3A_152 = tpu.memref_slice %arg3[%add3A_8, %dma_wait3A_151] : memref<2560x128xi32, #tpu.memory_space<hbm>> -> memref<40x128xi32, #tpu.memory_space<hbm>>
      %dma_wait3A_153 = arith.constant 0 : i32
      %dma_wait3A_154 = tpu.memref_slice %arg3[%add3A_8, %dma_wait3A_153] : memref<2560x128xi32, #tpu.memory_space<hbm>> -> memref<40x128xi32, #tpu.memory_space<hbm>>
      tpu.wait_dma2 semaphore(%run_scoped3A : memref<!tpu.dma_semaphore, #tpu.memory_space<semaphore_mem>>) src(%dma_wait3A_154 : memref<40x128xi32, #tpu.memory_space<hbm>>) dst(%arg7 : memref<40x128xi32, #tpu.memory_space<vmem>>)
      tpu.yield
    }) : () -> ()
    %mul3A_9 = arith.constant 80 : i32
    %mul3A_10 = arith.muli %add3A, %mul3A_9 : i32
    %add3A_11 = arith.constant 0 : i32
    %add3A_12 = arith.addi %mul3A_10, %add3A_11 : i32
    "tpu.region"() ({
      %run_scoped3A = tpu.sem_alloc : memref<!tpu.dma_semaphore, #tpu.memory_space<semaphore_mem>>
      %dma_start3A_147 = arith.constant 0 : i32
      %dma_start3A_148 = tpu.memref_slice %arg4[%add3A_12, %dma_start3A_147] : memref<2560x128xi32, #tpu.memory_space<hbm>> -> memref<40x128xi32, #tpu.memory_space<hbm>>
      %dma_start3A_149 = arith.constant 0 : i32
      %dma_start3A_150 = tpu.memref_slice %arg4[%add3A_12, %dma_start3A_149] : memref<2560x128xi32, #tpu.memory_space<hbm>> -> memref<40x128xi32, #tpu.memory_space<hbm>>
      tpu.enqueue_dma source(%dma_start3A_150 : memref<40x128xi32, #tpu.memory_space<hbm>>) target(%arg8 : memref<40x128xi32, #tpu.memory_space<vmem>>) target_semaphore(%run_scoped3A : memref<!tpu.dma_semaphore, #tpu.memory_space<semaphore_mem>>)
      %dma_wait3A_151 = arith.constant 0 : i32
      %dma_wait3A_152 = tpu.memref_slice %arg4[%add3A_12, %dma_wait3A_151] : memref<2560x128xi32, #tpu.memory_space<hbm>> -> memref<40x128xi32, #tpu.memory_space<hbm>>
      %dma_wait3A_153 = arith.constant 0 : i32
      %dma_wait3A_154 = tpu.memref_slice %arg4[%add3A_12, %dma_wait3A_153] : memref<2560x128xi32, #tpu.memory_space<hbm>> -> memref<40x128xi32, #tpu.memory_space<hbm>>
      tpu.wait_dma2 semaphore(%run_scoped3A : memref<!tpu.dma_semaphore, #tpu.memory_space<semaphore_mem>>) src(%dma_wait3A_154 : memref<40x128xi32, #tpu.memory_space<hbm>>) dst(%arg8 : memref<40x128xi32, #tpu.memory_space<vmem>>)
      tpu.yield
    }) : () -> ()
    %dma_start3A = arith.constant 0 : i32
    %dma_start3A_13 = arith.constant 0 : i32
    %dma_start3A_14 = tpu.memref_slice %arg7[%dma_start3A, %dma_start3A_13] : memref<40x128xi32, #tpu.memory_space<vmem>> -> memref<1x128xi32, #tpu.memory_space<vmem>>
    %dma_start3A_15 = tpu.memref_squeeze %dma_start3A_14 : memref<1x128xi32, #tpu.memory_space<vmem>> -> memref<128xi32, #tpu.memory_space<vmem>>
    %dma_start3A_16 = arith.constant 0 : i32
    %dma_start3A_17 = arith.constant 0 : i32
    %dma_start3A_18 = tpu.memref_slice %arg2[%dma_start3A_16, %dma_start3A_17] : memref<10112x128xf32, #tpu.memory_space<hbm>> -> memref<10112x128xf32, #tpu.memory_space<hbm>>
    tpu.enqueue_indirect_dma source(%dma_start3A_18 : memref<10112x128xf32, #tpu.memory_space<hbm>>) target(%arg9 : memref<128x128xf32, #tpu.memory_space<vmem>>) offsets(%dma_start3A_15 : memref<128xi32, #tpu.memory_space<vmem>>) semaphore(%arg12 : memref<!tpu.dma_semaphore, #tpu.memory_space<semaphore_mem>>)
    %dma_start3A_19 = arith.constant 1 : i32
    %dma_start3A_20 = arith.constant 0 : i32
    %dma_start3A_21 = tpu.memref_slice %arg7[%dma_start3A_19, %dma_start3A_20] : memref<40x128xi32, #tpu.memory_space<vmem>> -> memref<1x128xi32, #tpu.memory_space<vmem>>
    %dma_start3A_22 = tpu.memref_squeeze %dma_start3A_21 : memref<1x128xi32, #tpu.memory_space<vmem>> -> memref<128xi32, #tpu.memory_space<vmem>>
    %dma_start3A_23 = arith.constant 0 : i32
    %dma_start3A_24 = arith.constant 0 : i32
    %dma_start3A_25 = tpu.memref_slice %arg2[%dma_start3A_23, %dma_start3A_24] : memref<10112x128xf32, #tpu.memory_space<hbm>> -> memref<10112x128xf32, #tpu.memory_space<hbm>>
    tpu.enqueue_indirect_dma source(%dma_start3A_25 : memref<10112x128xf32, #tpu.memory_space<hbm>>) target(%arg10 : memref<128x128xf32, #tpu.memory_space<vmem>>) offsets(%dma_start3A_22 : memref<128xi32, #tpu.memory_space<vmem>>) semaphore(%arg13 : memref<!tpu.dma_semaphore, #tpu.memory_space<semaphore_mem>>)
    %scan3A = arith.constant 0 : i32
    %scan3A_26 = arith.constant 0 : i32
    %scan3A_27 = arith.constant 19 : i32
    %scan3A_28 = arith.addi %scan3A_26, %scan3A_27 : i32
    %scan3A_29 = arith.constant 1 : i32
    scf.for %scan3A_147 = %scan3A_26 to %scan3A_28 step %scan3A_29  : i32 {
      %mul3A_148 = arith.constant 2 : i32
      %mul3A_149 = arith.muli %scan3A_147, %mul3A_148 : i32
      %add3A_150 = arith.constant 0 : i32
      %add3A_151 = arith.addi %mul3A_149, %add3A_150 : i32
      %dma_wait3A_152 = arith.constant 0 : i32
      %dma_wait3A_153 = tpu.memref_slice %arg7[%add3A_151, %dma_wait3A_152] : memref<40x128xi32, #tpu.memory_space<vmem>> -> memref<1x128xi32, #tpu.memory_space<vmem>>
      %dma_wait3A_154 = tpu.memref_squeeze %dma_wait3A_153 : memref<1x128xi32, #tpu.memory_space<vmem>> -> memref<128xi32, #tpu.memory_space<vmem>>
      %dma_wait3A_155 = arith.constant 0 : i32
      %dma_wait3A_156 = arith.constant 0 : i32
      %dma_wait3A_157 = tpu.memref_slice %arg2[%dma_wait3A_155, %dma_wait3A_156] : memref<10112x128xf32, #tpu.memory_space<hbm>> -> memref<10112x128xf32, #tpu.memory_space<hbm>>
      tpu.wait_indirect_dma semaphore(%arg12 : memref<!tpu.dma_semaphore, #tpu.memory_space<semaphore_mem>>) src(%dma_wait3A_157 : memref<10112x128xf32, #tpu.memory_space<hbm>>) dst(%arg9 : memref<128x128xf32, #tpu.memory_space<vmem>>)
      %add3A_158 = arith.constant 0 : i32
      %add3A_159 = arith.addi %mul3A_149, %add3A_158 : i32
      %dma_start3A_160 = arith.constant 0 : i32
      %dma_start3A_161 = tpu.memref_slice %arg8[%add3A_159, %dma_start3A_160] : memref<40x128xi32, #tpu.memory_space<vmem>> -> memref<1x128xi32, #tpu.memory_space<vmem>>
      %dma_start3A_162 = tpu.memref_squeeze %dma_start3A_161 : memref<1x128xi32, #tpu.memory_space<vmem>> -> memref<128xi32, #tpu.memory_space<vmem>>
      %dma_start3A_163 = arith.constant 0 : i32
      %dma_start3A_164 = arith.constant 0 : i32
      %dma_start3A_165 = tpu.memref_slice %arg11[%dma_start3A_163, %dma_start3A_164] : memref<10112x128xf32, #tpu.memory_space<vmem_shared>> -> memref<10112x128xf32, #tpu.memory_space<vmem_shared>>
      tpu.enqueue_indirect_dma source(%arg9 : memref<128x128xf32, #tpu.memory_space<vmem>>) target(%dma_start3A_165 : memref<10112x128xf32, #tpu.memory_space<vmem_shared>>) offsets(%dma_start3A_162 : memref<128xi32, #tpu.memory_space<vmem>>) semaphore(%arg14 : memref<!tpu.dma_semaphore, #tpu.memory_space<semaphore_mem>>) {add = true}
      %add3A_166 = arith.constant 1 : i32
      %add3A_167 = arith.addi %mul3A_149, %add3A_166 : i32
      %dma_wait3A_168 = arith.constant 0 : i32
      %dma_wait3A_169 = tpu.memref_slice %arg7[%add3A_167, %dma_wait3A_168] : memref<40x128xi32, #tpu.memory_space<vmem>> -> memref<1x128xi32, #tpu.memory_space<vmem>>
      %dma_wait3A_170 = tpu.memref_squeeze %dma_wait3A_169 : memref<1x128xi32, #tpu.memory_space<vmem>> -> memref<128xi32, #tpu.memory_space<vmem>>
      %dma_wait3A_171 = arith.constant 0 : i32
      %dma_wait3A_172 = arith.constant 0 : i32
      %dma_wait3A_173 = tpu.memref_slice %arg2[%dma_wait3A_171, %dma_wait3A_172] : memref<10112x128xf32, #tpu.memory_space<hbm>> -> memref<10112x128xf32, #tpu.memory_space<hbm>>
      tpu.wait_indirect_dma semaphore(%arg13 : memref<!tpu.dma_semaphore, #tpu.memory_space<semaphore_mem>>) src(%dma_wait3A_173 : memref<10112x128xf32, #tpu.memory_space<hbm>>) dst(%arg10 : memref<128x128xf32, #tpu.memory_space<vmem>>)
      %add3A_174 = arith.constant 1 : i32
      %add3A_175 = arith.addi %mul3A_149, %add3A_174 : i32
      %dma_start3A_176 = arith.constant 0 : i32
      %dma_start3A_177 = tpu.memref_slice %arg8[%add3A_175, %dma_start3A_176] : memref<40x128xi32, #tpu.memory_space<vmem>> -> memref<1x128xi32, #tpu.memory_space<vmem>>
      %dma_start3A_178 = tpu.memref_squeeze %dma_start3A_177 : memref<1x128xi32, #tpu.memory_space<vmem>> -> memref<128xi32, #tpu.memory_space<vmem>>
      %dma_start3A_179 = arith.constant 0 : i32
      %dma_start3A_180 = arith.constant 0 : i32
      %dma_start3A_181 = tpu.memref_slice %arg11[%dma_start3A_179, %dma_start3A_180] : memref<10112x128xf32, #tpu.memory_space<vmem_shared>> -> memref<10112x128xf32, #tpu.memory_space<vmem_shared>>
      tpu.enqueue_indirect_dma source(%arg10 : memref<128x128xf32, #tpu.memory_space<vmem>>) target(%dma_start3A_181 : memref<10112x128xf32, #tpu.memory_space<vmem_shared>>) offsets(%dma_start3A_178 : memref<128xi32, #tpu.memory_space<vmem>>) semaphore(%arg15 : memref<!tpu.dma_semaphore, #tpu.memory_space<semaphore_mem>>) {add = true}
      %add3A_182 = arith.constant 0 : i32
      %add3A_183 = arith.addi %mul3A_149, %add3A_182 : i32
      %dma_wait3A_184 = arith.constant 0 : i32
      %dma_wait3A_185 = tpu.memref_slice %arg8[%add3A_183, %dma_wait3A_184] : memref<40x128xi32, #tpu.memory_space<vmem>> -> memref<1x128xi32, #tpu.memory_space<vmem>>
      %dma_wait3A_186 = tpu.memref_squeeze %dma_wait3A_185 : memref<1x128xi32, #tpu.memory_space<vmem>> -> memref<128xi32, #tpu.memory_space<vmem>>
      %dma_wait3A_187 = arith.constant 0 : i32
      %dma_wait3A_188 = arith.constant 0 : i32
      %dma_wait3A_189 = tpu.memref_slice %arg11[%dma_wait3A_187, %dma_wait3A_188] : memref<10112x128xf32, #tpu.memory_space<vmem_shared>> -> memref<10112x128xf32, #tpu.memory_space<vmem_shared>>
      tpu.wait_indirect_dma semaphore(%arg14 : memref<!tpu.dma_semaphore, #tpu.memory_space<semaphore_mem>>) src(%arg9 : memref<128x128xf32, #tpu.memory_space<vmem>>) dst(%dma_wait3A_189 : memref<10112x128xf32, #tpu.memory_space<vmem_shared>>)
      %add3A_190 = arith.constant 2 : i32
      %add3A_191 = arith.addi %mul3A_149, %add3A_190 : i32
      %add3A_192 = arith.constant 0 : i32
      %add3A_193 = arith.addi %add3A_191, %add3A_192 : i32
      %dma_start3A_194 = arith.constant 0 : i32
      %dma_start3A_195 = tpu.memref_slice %arg7[%add3A_193, %dma_start3A_194] : memref<40x128xi32, #tpu.memory_space<vmem>> -> memref<1x128xi32, #tpu.memory_space<vmem>>
      %dma_start3A_196 = tpu.memref_squeeze %dma_start3A_195 : memref<1x128xi32, #tpu.memory_space<vmem>> -> memref<128xi32, #tpu.memory_space<vmem>>
      %dma_start3A_197 = arith.constant 0 : i32
      %dma_start3A_198 = arith.constant 0 : i32
      %dma_start3A_199 = tpu.memref_slice %arg2[%dma_start3A_197, %dma_start3A_198] : memref<10112x128xf32, #tpu.memory_space<hbm>> -> memref<10112x128xf32, #tpu.memory_space<hbm>>
      tpu.enqueue_indirect_dma source(%dma_start3A_199 : memref<10112x128xf32, #tpu.memory_space<hbm>>) target(%arg9 : memref<128x128xf32, #tpu.memory_space<vmem>>) offsets(%dma_start3A_196 : memref<128xi32, #tpu.memory_space<vmem>>) semaphore(%arg12 : memref<!tpu.dma_semaphore, #tpu.memory_space<semaphore_mem>>)
      %add3A_200 = arith.constant 1 : i32
      %add3A_201 = arith.addi %mul3A_149, %add3A_200 : i32
      %dma_wait3A_202 = arith.constant 0 : i32
      %dma_wait3A_203 = tpu.memref_slice %arg8[%add3A_201, %dma_wait3A_202] : memref<40x128xi32, #tpu.memory_space<vmem>> -> memref<1x128xi32, #tpu.memory_space<vmem>>
      %dma_wait3A_204 = tpu.memref_squeeze %dma_wait3A_203 : memref<1x128xi32, #tpu.memory_space<vmem>> -> memref<128xi32, #tpu.memory_space<vmem>>
      %dma_wait3A_205 = arith.constant 0 : i32
      %dma_wait3A_206 = arith.constant 0 : i32
      %dma_wait3A_207 = tpu.memref_slice %arg11[%dma_wait3A_205, %dma_wait3A_206] : memref<10112x128xf32, #tpu.memory_space<vmem_shared>> -> memref<10112x128xf32, #tpu.memory_space<vmem_shared>>
      tpu.wait_indirect_dma semaphore(%arg15 : memref<!tpu.dma_semaphore, #tpu.memory_space<semaphore_mem>>) src(%arg10 : memref<128x128xf32, #tpu.memory_space<vmem>>) dst(%dma_wait3A_207 : memref<10112x128xf32, #tpu.memory_space<vmem_shared>>)
      %add3A_208 = arith.constant 2 : i32
      %add3A_209 = arith.addi %mul3A_149, %add3A_208 : i32
      %add3A_210 = arith.constant 1 : i32
      %add3A_211 = arith.addi %add3A_209, %add3A_210 : i32
      %dma_start3A_212 = arith.constant 0 : i32
      %dma_start3A_213 = tpu.memref_slice %arg7[%add3A_211, %dma_start3A_212] : memref<40x128xi32, #tpu.memory_space<vmem>> -> memref<1x128xi32, #tpu.memory_space<vmem>>
      %dma_start3A_214 = tpu.memref_squeeze %dma_start3A_213 : memref<1x128xi32, #tpu.memory_space<vmem>> -> memref<128xi32, #tpu.memory_space<vmem>>
      %dma_start3A_215 = arith.constant 0 : i32
      %dma_start3A_216 = arith.constant 0 : i32
      %dma_start3A_217 = tpu.memref_slice %arg2[%dma_start3A_215, %dma_start3A_216] : memref<10112x128xf32, #tpu.memory_space<hbm>> -> memref<10112x128xf32, #tpu.memory_space<hbm>>
      tpu.enqueue_indirect_dma source(%dma_start3A_217 : memref<10112x128xf32, #tpu.memory_space<hbm>>) target(%arg10 : memref<128x128xf32, #tpu.memory_space<vmem>>) offsets(%dma_start3A_214 : memref<128xi32, #tpu.memory_space<vmem>>) semaphore(%arg13 : memref<!tpu.dma_semaphore, #tpu.memory_space<semaphore_mem>>)
    }
    %scan3A_30 = arith.constant 19 : i32
    %dma_wait3A = arith.constant 38 : i32
    %dma_wait3A_31 = arith.constant 0 : i32
    %dma_wait3A_32 = tpu.memref_slice %arg7[%dma_wait3A, %dma_wait3A_31] : memref<40x128xi32, #tpu.memory_space<vmem>> -> memref<1x128xi32, #tpu.memory_space<vmem>>
    %dma_wait3A_33 = tpu.memref_squeeze %dma_wait3A_32 : memref<1x128xi32, #tpu.memory_space<vmem>> -> memref<128xi32, #tpu.memory_space<vmem>>
    %dma_wait3A_34 = arith.constant 0 : i32
    %dma_wait3A_35 = arith.constant 0 : i32
    %dma_wait3A_36 = tpu.memref_slice %arg2[%dma_wait3A_34, %dma_wait3A_35] : memref<10112x128xf32, #tpu.memory_space<hbm>> -> memref<10112x128xf32, #tpu.memory_space<hbm>>
    tpu.wait_indirect_dma semaphore(%arg12 : memref<!tpu.dma_semaphore, #tpu.memory_space<semaphore_mem>>) src(%dma_wait3A_36 : memref<10112x128xf32, #tpu.memory_space<hbm>>) dst(%arg9 : memref<128x128xf32, #tpu.memory_space<vmem>>)
    %dma_start3A_37 = arith.constant 38 : i32
    %dma_start3A_38 = arith.constant 0 : i32
    %dma_start3A_39 = tpu.memref_slice %arg8[%dma_start3A_37, %dma_start3A_38] : memref<40x128xi32, #tpu.memory_space<vmem>> -> memref<1x128xi32, #tpu.memory_space<vmem>>
    %dma_start3A_40 = tpu.memref_squeeze %dma_start3A_39 : memref<1x128xi32, #tpu.memory_space<vmem>> -> memref<128xi32, #tpu.memory_space<vmem>>
    %dma_start3A_41 = arith.constant 0 : i32
    %dma_start3A_42 = arith.constant 0 : i32
    %dma_start3A_43 = tpu.memref_slice %arg11[%dma_start3A_41, %dma_start3A_42] : memref<10112x128xf32, #tpu.memory_space<vmem_shared>> -> memref<10112x128xf32, #tpu.memory_space<vmem_shared>>
    tpu.enqueue_indirect_dma source(%arg9 : memref<128x128xf32, #tpu.memory_space<vmem>>) target(%dma_start3A_43 : memref<10112x128xf32, #tpu.memory_space<vmem_shared>>) offsets(%dma_start3A_40 : memref<128xi32, #tpu.memory_space<vmem>>) semaphore(%arg14 : memref<!tpu.dma_semaphore, #tpu.memory_space<semaphore_mem>>) {add = true}
    %dma_wait3A_44 = arith.constant 39 : i32
    %dma_wait3A_45 = arith.constant 0 : i32
    %dma_wait3A_46 = tpu.memref_slice %arg7[%dma_wait3A_44, %dma_wait3A_45] : memref<40x128xi32, #tpu.memory_space<vmem>> -> memref<1x128xi32, #tpu.memory_space<vmem>>
    %dma_wait3A_47 = tpu.memref_squeeze %dma_wait3A_46 : memref<1x128xi32, #tpu.memory_space<vmem>> -> memref<128xi32, #tpu.memory_space<vmem>>
    %dma_wait3A_48 = arith.constant 0 : i32
    %dma_wait3A_49 = arith.constant 0 : i32
    %dma_wait3A_50 = tpu.memref_slice %arg2[%dma_wait3A_48, %dma_wait3A_49] : memref<10112x128xf32, #tpu.memory_space<hbm>> -> memref<10112x128xf32, #tpu.memory_space<hbm>>
    tpu.wait_indirect_dma semaphore(%arg13 : memref<!tpu.dma_semaphore, #tpu.memory_space<semaphore_mem>>) src(%dma_wait3A_50 : memref<10112x128xf32, #tpu.memory_space<hbm>>) dst(%arg10 : memref<128x128xf32, #tpu.memory_space<vmem>>)
    %dma_start3A_51 = arith.constant 39 : i32
    %dma_start3A_52 = arith.constant 0 : i32
    %dma_start3A_53 = tpu.memref_slice %arg8[%dma_start3A_51, %dma_start3A_52] : memref<40x128xi32, #tpu.memory_space<vmem>> -> memref<1x128xi32, #tpu.memory_space<vmem>>
    %dma_start3A_54 = tpu.memref_squeeze %dma_start3A_53 : memref<1x128xi32, #tpu.memory_space<vmem>> -> memref<128xi32, #tpu.memory_space<vmem>>
    %dma_start3A_55 = arith.constant 0 : i32
    %dma_start3A_56 = arith.constant 0 : i32
    %dma_start3A_57 = tpu.memref_slice %arg11[%dma_start3A_55, %dma_start3A_56] : memref<10112x128xf32, #tpu.memory_space<vmem_shared>> -> memref<10112x128xf32, #tpu.memory_space<vmem_shared>>
    tpu.enqueue_indirect_dma source(%arg10 : memref<128x128xf32, #tpu.memory_space<vmem>>) target(%dma_start3A_57 : memref<10112x128xf32, #tpu.memory_space<vmem_shared>>) offsets(%dma_start3A_54 : memref<128xi32, #tpu.memory_space<vmem>>) semaphore(%arg15 : memref<!tpu.dma_semaphore, #tpu.memory_space<semaphore_mem>>) {add = true}
    %dma_wait3A_58 = arith.constant 38 : i32
    %dma_wait3A_59 = arith.constant 0 : i32
    %dma_wait3A_60 = tpu.memref_slice %arg8[%dma_wait3A_58, %dma_wait3A_59] : memref<40x128xi32, #tpu.memory_space<vmem>> -> memref<1x128xi32, #tpu.memory_space<vmem>>
    %dma_wait3A_61 = tpu.memref_squeeze %dma_wait3A_60 : memref<1x128xi32, #tpu.memory_space<vmem>> -> memref<128xi32, #tpu.memory_space<vmem>>
    %dma_wait3A_62 = arith.constant 0 : i32
    %dma_wait3A_63 = arith.constant 0 : i32
    %dma_wait3A_64 = tpu.memref_slice %arg11[%dma_wait3A_62, %dma_wait3A_63] : memref<10112x128xf32, #tpu.memory_space<vmem_shared>> -> memref<10112x128xf32, #tpu.memory_space<vmem_shared>>
    tpu.wait_indirect_dma semaphore(%arg14 : memref<!tpu.dma_semaphore, #tpu.memory_space<semaphore_mem>>) src(%arg9 : memref<128x128xf32, #tpu.memory_space<vmem>>) dst(%dma_wait3A_64 : memref<10112x128xf32, #tpu.memory_space<vmem_shared>>)
    %dma_wait3A_65 = arith.constant 39 : i32
    %dma_wait3A_66 = arith.constant 0 : i32
    %dma_wait3A_67 = tpu.memref_slice %arg8[%dma_wait3A_65, %dma_wait3A_66] : memref<40x128xi32, #tpu.memory_space<vmem>> -> memref<1x128xi32, #tpu.memory_space<vmem>>
    %dma_wait3A_68 = tpu.memref_squeeze %dma_wait3A_67 : memref<1x128xi32, #tpu.memory_space<vmem>> -> memref<128xi32, #tpu.memory_space<vmem>>
    %dma_wait3A_69 = arith.constant 0 : i32
    %dma_wait3A_70 = arith.constant 0 : i32
    %dma_wait3A_71 = tpu.memref_slice %arg11[%dma_wait3A_69, %dma_wait3A_70] : memref<10112x128xf32, #tpu.memory_space<vmem_shared>> -> memref<10112x128xf32, #tpu.memory_space<vmem_shared>>
    tpu.wait_indirect_dma semaphore(%arg15 : memref<!tpu.dma_semaphore, #tpu.memory_space<semaphore_mem>>) src(%arg10 : memref<128x128xf32, #tpu.memory_space<vmem>>) dst(%dma_wait3A_71 : memref<10112x128xf32, #tpu.memory_space<vmem_shared>>)
    %mul3A_72 = arith.constant 80 : i32
    %mul3A_73 = arith.muli %add3A, %mul3A_72 : i32
    %add3A_74 = arith.constant 40 : i32
    %add3A_75 = arith.addi %mul3A_73, %add3A_74 : i32
    "tpu.region"() ({
      %run_scoped3A = tpu.sem_alloc : memref<!tpu.dma_semaphore, #tpu.memory_space<semaphore_mem>>
      %dma_start3A_147 = arith.constant 0 : i32
      %dma_start3A_148 = tpu.memref_slice %arg3[%add3A_75, %dma_start3A_147] : memref<2560x128xi32, #tpu.memory_space<hbm>> -> memref<40x128xi32, #tpu.memory_space<hbm>>
      %dma_start3A_149 = arith.constant 0 : i32
      %dma_start3A_150 = tpu.memref_slice %arg3[%add3A_75, %dma_start3A_149] : memref<2560x128xi32, #tpu.memory_space<hbm>> -> memref<40x128xi32, #tpu.memory_space<hbm>>
      tpu.enqueue_dma source(%dma_start3A_150 : memref<40x128xi32, #tpu.memory_space<hbm>>) target(%arg7 : memref<40x128xi32, #tpu.memory_space<vmem>>) target_semaphore(%run_scoped3A : memref<!tpu.dma_semaphore, #tpu.memory_space<semaphore_mem>>)
      %dma_wait3A_151 = arith.constant 0 : i32
      %dma_wait3A_152 = tpu.memref_slice %arg3[%add3A_75, %dma_wait3A_151] : memref<2560x128xi32, #tpu.memory_space<hbm>> -> memref<40x128xi32, #tpu.memory_space<hbm>>
      %dma_wait3A_153 = arith.constant 0 : i32
      %dma_wait3A_154 = tpu.memref_slice %arg3[%add3A_75, %dma_wait3A_153] : memref<2560x128xi32, #tpu.memory_space<hbm>> -> memref<40x128xi32, #tpu.memory_space<hbm>>
      tpu.wait_dma2 semaphore(%run_scoped3A : memref<!tpu.dma_semaphore, #tpu.memory_space<semaphore_mem>>) src(%dma_wait3A_154 : memref<40x128xi32, #tpu.memory_space<hbm>>) dst(%arg7 : memref<40x128xi32, #tpu.memory_space<vmem>>)
      tpu.yield
    }) : () -> ()
    %mul3A_76 = arith.constant 80 : i32
    %mul3A_77 = arith.muli %add3A, %mul3A_76 : i32
    %add3A_78 = arith.constant 40 : i32
    %add3A_79 = arith.addi %mul3A_77, %add3A_78 : i32
    "tpu.region"() ({
      %run_scoped3A = tpu.sem_alloc : memref<!tpu.dma_semaphore, #tpu.memory_space<semaphore_mem>>
      %dma_start3A_147 = arith.constant 0 : i32
      %dma_start3A_148 = tpu.memref_slice %arg4[%add3A_79, %dma_start3A_147] : memref<2560x128xi32, #tpu.memory_space<hbm>> -> memref<40x128xi32, #tpu.memory_space<hbm>>
      %dma_start3A_149 = arith.constant 0 : i32
      %dma_start3A_150 = tpu.memref_slice %arg4[%add3A_79, %dma_start3A_149] : memref<2560x128xi32, #tpu.memory_space<hbm>> -> memref<40x128xi32, #tpu.memory_space<hbm>>
      tpu.enqueue_dma source(%dma_start3A_150 : memref<40x128xi32, #tpu.memory_space<hbm>>) target(%arg8 : memref<40x128xi32, #tpu.memory_space<vmem>>) target_semaphore(%run_scoped3A : memref<!tpu.dma_semaphore, #tpu.memory_space<semaphore_mem>>)
      %dma_wait3A_151 = arith.constant 0 : i32
      %dma_wait3A_152 = tpu.memref_slice %arg4[%add3A_79, %dma_wait3A_151] : memref<2560x128xi32, #tpu.memory_space<hbm>> -> memref<40x128xi32, #tpu.memory_space<hbm>>
      %dma_wait3A_153 = arith.constant 0 : i32
      %dma_wait3A_154 = tpu.memref_slice %arg4[%add3A_79, %dma_wait3A_153] : memref<2560x128xi32, #tpu.memory_space<hbm>> -> memref<40x128xi32, #tpu.memory_space<hbm>>
      tpu.wait_dma2 semaphore(%run_scoped3A : memref<!tpu.dma_semaphore, #tpu.memory_space<semaphore_mem>>) src(%dma_wait3A_154 : memref<40x128xi32, #tpu.memory_space<hbm>>) dst(%arg8 : memref<40x128xi32, #tpu.memory_space<vmem>>)
      tpu.yield
    }) : () -> ()
    %dma_start3A_80 = arith.constant 0 : i32
    %dma_start3A_81 = arith.constant 0 : i32
    %dma_start3A_82 = tpu.memref_slice %arg7[%dma_start3A_80, %dma_start3A_81] : memref<40x128xi32, #tpu.memory_space<vmem>> -> memref<1x128xi32, #tpu.memory_space<vmem>>
    %dma_start3A_83 = tpu.memref_squeeze %dma_start3A_82 : memref<1x128xi32, #tpu.memory_space<vmem>> -> memref<128xi32, #tpu.memory_space<vmem>>
    %dma_start3A_84 = arith.constant 0 : i32
    %dma_start3A_85 = arith.constant 0 : i32
    %dma_start3A_86 = tpu.memref_slice %arg2[%dma_start3A_84, %dma_start3A_85] : memref<10112x128xf32, #tpu.memory_space<hbm>> -> memref<10112x128xf32, #tpu.memory_space<hbm>>
    tpu.enqueue_indirect_dma source(%dma_start3A_86 : memref<10112x128xf32, #tpu.memory_space<hbm>>) target(%arg9 : memref<128x128xf32, #tpu.memory_space<vmem>>) offsets(%dma_start3A_83 : memref<128xi32, #tpu.memory_space<vmem>>) semaphore(%arg12 : memref<!tpu.dma_semaphore, #tpu.memory_space<semaphore_mem>>)
    %dma_start3A_87 = arith.constant 1 : i32
    %dma_start3A_88 = arith.constant 0 : i32
    %dma_start3A_89 = tpu.memref_slice %arg7[%dma_start3A_87, %dma_start3A_88] : memref<40x128xi32, #tpu.memory_space<vmem>> -> memref<1x128xi32, #tpu.memory_space<vmem>>
    %dma_start3A_90 = tpu.memref_squeeze %dma_start3A_89 : memref<1x128xi32, #tpu.memory_space<vmem>> -> memref<128xi32, #tpu.memory_space<vmem>>
    %dma_start3A_91 = arith.constant 0 : i32
    %dma_start3A_92 = arith.constant 0 : i32
    %dma_start3A_93 = tpu.memref_slice %arg2[%dma_start3A_91, %dma_start3A_92] : memref<10112x128xf32, #tpu.memory_space<hbm>> -> memref<10112x128xf32, #tpu.memory_space<hbm>>
    tpu.enqueue_indirect_dma source(%dma_start3A_93 : memref<10112x128xf32, #tpu.memory_space<hbm>>) target(%arg10 : memref<128x128xf32, #tpu.memory_space<vmem>>) offsets(%dma_start3A_90 : memref<128xi32, #tpu.memory_space<vmem>>) semaphore(%arg13 : memref<!tpu.dma_semaphore, #tpu.memory_space<semaphore_mem>>)
    %scan3A_94 = arith.constant 0 : i32
    %scan3A_95 = arith.constant 0 : i32
    %scan3A_96 = arith.constant 19 : i32
    %scan3A_97 = arith.addi %scan3A_95, %scan3A_96 : i32
    %scan3A_98 = arith.constant 1 : i32
    scf.for %scan3A_147 = %scan3A_95 to %scan3A_97 step %scan3A_98  : i32 {
      %mul3A_148 = arith.constant 2 : i32
      %mul3A_149 = arith.muli %scan3A_147, %mul3A_148 : i32
      %add3A_150 = arith.constant 0 : i32
      %add3A_151 = arith.addi %mul3A_149, %add3A_150 : i32
      %dma_wait3A_152 = arith.constant 0 : i32
      %dma_wait3A_153 = tpu.memref_slice %arg7[%add3A_151, %dma_wait3A_152] : memref<40x128xi32, #tpu.memory_space<vmem>> -> memref<1x128xi32, #tpu.memory_space<vmem>>
      %dma_wait3A_154 = tpu.memref_squeeze %dma_wait3A_153 : memref<1x128xi32, #tpu.memory_space<vmem>> -> memref<128xi32, #tpu.memory_space<vmem>>
      %dma_wait3A_155 = arith.constant 0 : i32
      %dma_wait3A_156 = arith.constant 0 : i32
      %dma_wait3A_157 = tpu.memref_slice %arg2[%dma_wait3A_155, %dma_wait3A_156] : memref<10112x128xf32, #tpu.memory_space<hbm>> -> memref<10112x128xf32, #tpu.memory_space<hbm>>
      tpu.wait_indirect_dma semaphore(%arg12 : memref<!tpu.dma_semaphore, #tpu.memory_space<semaphore_mem>>) src(%dma_wait3A_157 : memref<10112x128xf32, #tpu.memory_space<hbm>>) dst(%arg9 : memref<128x128xf32, #tpu.memory_space<vmem>>)
      %add3A_158 = arith.constant 0 : i32
      %add3A_159 = arith.addi %mul3A_149, %add3A_158 : i32
      %dma_start3A_160 = arith.constant 0 : i32
      %dma_start3A_161 = tpu.memref_slice %arg8[%add3A_159, %dma_start3A_160] : memref<40x128xi32, #tpu.memory_space<vmem>> -> memref<1x128xi32, #tpu.memory_space<vmem>>
      %dma_start3A_162 = tpu.memref_squeeze %dma_start3A_161 : memref<1x128xi32, #tpu.memory_space<vmem>> -> memref<128xi32, #tpu.memory_space<vmem>>
      %dma_start3A_163 = arith.constant 0 : i32
      %dma_start3A_164 = arith.constant 0 : i32
      %dma_start3A_165 = tpu.memref_slice %arg11[%dma_start3A_163, %dma_start3A_164] : memref<10112x128xf32, #tpu.memory_space<vmem_shared>> -> memref<10112x128xf32, #tpu.memory_space<vmem_shared>>
      tpu.enqueue_indirect_dma source(%arg9 : memref<128x128xf32, #tpu.memory_space<vmem>>) target(%dma_start3A_165 : memref<10112x128xf32, #tpu.memory_space<vmem_shared>>) offsets(%dma_start3A_162 : memref<128xi32, #tpu.memory_space<vmem>>) semaphore(%arg14 : memref<!tpu.dma_semaphore, #tpu.memory_space<semaphore_mem>>) {add = true}
      %add3A_166 = arith.constant 1 : i32
      %add3A_167 = arith.addi %mul3A_149, %add3A_166 : i32
      %dma_wait3A_168 = arith.constant 0 : i32
      %dma_wait3A_169 = tpu.memref_slice %arg7[%add3A_167, %dma_wait3A_168] : memref<40x128xi32, #tpu.memory_space<vmem>> -> memref<1x128xi32, #tpu.memory_space<vmem>>
      %dma_wait3A_170 = tpu.memref_squeeze %dma_wait3A_169 : memref<1x128xi32, #tpu.memory_space<vmem>> -> memref<128xi32, #tpu.memory_space<vmem>>
      %dma_wait3A_171 = arith.constant 0 : i32
      %dma_wait3A_172 = arith.constant 0 : i32
      %dma_wait3A_173 = tpu.memref_slice %arg2[%dma_wait3A_171, %dma_wait3A_172] : memref<10112x128xf32, #tpu.memory_space<hbm>> -> memref<10112x128xf32, #tpu.memory_space<hbm>>
      tpu.wait_indirect_dma semaphore(%arg13 : memref<!tpu.dma_semaphore, #tpu.memory_space<semaphore_mem>>) src(%dma_wait3A_173 : memref<10112x128xf32, #tpu.memory_space<hbm>>) dst(%arg10 : memref<128x128xf32, #tpu.memory_space<vmem>>)
      %add3A_174 = arith.constant 1 : i32
      %add3A_175 = arith.addi %mul3A_149, %add3A_174 : i32
      %dma_start3A_176 = arith.constant 0 : i32
      %dma_start3A_177 = tpu.memref_slice %arg8[%add3A_175, %dma_start3A_176] : memref<40x128xi32, #tpu.memory_space<vmem>> -> memref<1x128xi32, #tpu.memory_space<vmem>>
      %dma_start3A_178 = tpu.memref_squeeze %dma_start3A_177 : memref<1x128xi32, #tpu.memory_space<vmem>> -> memref<128xi32, #tpu.memory_space<vmem>>
      %dma_start3A_179 = arith.constant 0 : i32
      %dma_start3A_180 = arith.constant 0 : i32
      %dma_start3A_181 = tpu.memref_slice %arg11[%dma_start3A_179, %dma_start3A_180] : memref<10112x128xf32, #tpu.memory_space<vmem_shared>> -> memref<10112x128xf32, #tpu.memory_space<vmem_shared>>
      tpu.enqueue_indirect_dma source(%arg10 : memref<128x128xf32, #tpu.memory_space<vmem>>) target(%dma_start3A_181 : memref<10112x128xf32, #tpu.memory_space<vmem_shared>>) offsets(%dma_start3A_178 : memref<128xi32, #tpu.memory_space<vmem>>) semaphore(%arg15 : memref<!tpu.dma_semaphore, #tpu.memory_space<semaphore_mem>>) {add = true}
      %add3A_182 = arith.constant 0 : i32
      %add3A_183 = arith.addi %mul3A_149, %add3A_182 : i32
      %dma_wait3A_184 = arith.constant 0 : i32
      %dma_wait3A_185 = tpu.memref_slice %arg8[%add3A_183, %dma_wait3A_184] : memref<40x128xi32, #tpu.memory_space<vmem>> -> memref<1x128xi32, #tpu.memory_space<vmem>>
      %dma_wait3A_186 = tpu.memref_squeeze %dma_wait3A_185 : memref<1x128xi32, #tpu.memory_space<vmem>> -> memref<128xi32, #tpu.memory_space<vmem>>
      %dma_wait3A_187 = arith.constant 0 : i32
      %dma_wait3A_188 = arith.constant 0 : i32
      %dma_wait3A_189 = tpu.memref_slice %arg11[%dma_wait3A_187, %dma_wait3A_188] : memref<10112x128xf32, #tpu.memory_space<vmem_shared>> -> memref<10112x128xf32, #tpu.memory_space<vmem_shared>>
      tpu.wait_indirect_dma semaphore(%arg14 : memref<!tpu.dma_semaphore, #tpu.memory_space<semaphore_mem>>) src(%arg9 : memref<128x128xf32, #tpu.memory_space<vmem>>) dst(%dma_wait3A_189 : memref<10112x128xf32, #tpu.memory_space<vmem_shared>>)
      %add3A_190 = arith.constant 2 : i32
      %add3A_191 = arith.addi %mul3A_149, %add3A_190 : i32
      %add3A_192 = arith.constant 0 : i32
      %add3A_193 = arith.addi %add3A_191, %add3A_192 : i32
      %dma_start3A_194 = arith.constant 0 : i32
      %dma_start3A_195 = tpu.memref_slice %arg7[%add3A_193, %dma_start3A_194] : memref<40x128xi32, #tpu.memory_space<vmem>> -> memref<1x128xi32, #tpu.memory_space<vmem>>
      %dma_start3A_196 = tpu.memref_squeeze %dma_start3A_195 : memref<1x128xi32, #tpu.memory_space<vmem>> -> memref<128xi32, #tpu.memory_space<vmem>>
      %dma_start3A_197 = arith.constant 0 : i32
      %dma_start3A_198 = arith.constant 0 : i32
      %dma_start3A_199 = tpu.memref_slice %arg2[%dma_start3A_197, %dma_start3A_198] : memref<10112x128xf32, #tpu.memory_space<hbm>> -> memref<10112x128xf32, #tpu.memory_space<hbm>>
      tpu.enqueue_indirect_dma source(%dma_start3A_199 : memref<10112x128xf32, #tpu.memory_space<hbm>>) target(%arg9 : memref<128x128xf32, #tpu.memory_space<vmem>>) offsets(%dma_start3A_196 : memref<128xi32, #tpu.memory_space<vmem>>) semaphore(%arg12 : memref<!tpu.dma_semaphore, #tpu.memory_space<semaphore_mem>>)
      %add3A_200 = arith.constant 1 : i32
      %add3A_201 = arith.addi %mul3A_149, %add3A_200 : i32
      %dma_wait3A_202 = arith.constant 0 : i32
      %dma_wait3A_203 = tpu.memref_slice %arg8[%add3A_201, %dma_wait3A_202] : memref<40x128xi32, #tpu.memory_space<vmem>> -> memref<1x128xi32, #tpu.memory_space<vmem>>
      %dma_wait3A_204 = tpu.memref_squeeze %dma_wait3A_203 : memref<1x128xi32, #tpu.memory_space<vmem>> -> memref<128xi32, #tpu.memory_space<vmem>>
      %dma_wait3A_205 = arith.constant 0 : i32
      %dma_wait3A_206 = arith.constant 0 : i32
      %dma_wait3A_207 = tpu.memref_slice %arg11[%dma_wait3A_205, %dma_wait3A_206] : memref<10112x128xf32, #tpu.memory_space<vmem_shared>> -> memref<10112x128xf32, #tpu.memory_space<vmem_shared>>
      tpu.wait_indirect_dma semaphore(%arg15 : memref<!tpu.dma_semaphore, #tpu.memory_space<semaphore_mem>>) src(%arg10 : memref<128x128xf32, #tpu.memory_space<vmem>>) dst(%dma_wait3A_207 : memref<10112x128xf32, #tpu.memory_space<vmem_shared>>)
      %add3A_208 = arith.constant 2 : i32
      %add3A_209 = arith.addi %mul3A_149, %add3A_208 : i32
      %add3A_210 = arith.constant 1 : i32
      %add3A_211 = arith.addi %add3A_209, %add3A_210 : i32
      %dma_start3A_212 = arith.constant 0 : i32
      %dma_start3A_213 = tpu.memref_slice %arg7[%add3A_211, %dma_start3A_212] : memref<40x128xi32, #tpu.memory_space<vmem>> -> memref<1x128xi32, #tpu.memory_space<vmem>>
      %dma_start3A_214 = tpu.memref_squeeze %dma_start3A_213 : memref<1x128xi32, #tpu.memory_space<vmem>> -> memref<128xi32, #tpu.memory_space<vmem>>
      %dma_start3A_215 = arith.constant 0 : i32
      %dma_start3A_216 = arith.constant 0 : i32
      %dma_start3A_217 = tpu.memref_slice %arg2[%dma_start3A_215, %dma_start3A_216] : memref<10112x128xf32, #tpu.memory_space<hbm>> -> memref<10112x128xf32, #tpu.memory_space<hbm>>
      tpu.enqueue_indirect_dma source(%dma_start3A_217 : memref<10112x128xf32, #tpu.memory_space<hbm>>) target(%arg10 : memref<128x128xf32, #tpu.memory_space<vmem>>) offsets(%dma_start3A_214 : memref<128xi32, #tpu.memory_space<vmem>>) semaphore(%arg13 : memref<!tpu.dma_semaphore, #tpu.memory_space<semaphore_mem>>)
    }
    %scan3A_99 = arith.constant 19 : i32
    %dma_wait3A_100 = arith.constant 38 : i32
    %dma_wait3A_101 = arith.constant 0 : i32
    %dma_wait3A_102 = tpu.memref_slice %arg7[%dma_wait3A_100, %dma_wait3A_101] : memref<40x128xi32, #tpu.memory_space<vmem>> -> memref<1x128xi32, #tpu.memory_space<vmem>>
    %dma_wait3A_103 = tpu.memref_squeeze %dma_wait3A_102 : memref<1x128xi32, #tpu.memory_space<vmem>> -> memref<128xi32, #tpu.memory_space<vmem>>
    %dma_wait3A_104 = arith.constant 0 : i32
    %dma_wait3A_105 = arith.constant 0 : i32
    %dma_wait3A_106 = tpu.memref_slice %arg2[%dma_wait3A_104, %dma_wait3A_105] : memref<10112x128xf32, #tpu.memory_space<hbm>> -> memref<10112x128xf32, #tpu.memory_space<hbm>>
    tpu.wait_indirect_dma semaphore(%arg12 : memref<!tpu.dma_semaphore, #tpu.memory_space<semaphore_mem>>) src(%dma_wait3A_106 : memref<10112x128xf32, #tpu.memory_space<hbm>>) dst(%arg9 : memref<128x128xf32, #tpu.memory_space<vmem>>)
    %dma_start3A_107 = arith.constant 38 : i32
    %dma_start3A_108 = arith.constant 0 : i32
    %dma_start3A_109 = tpu.memref_slice %arg8[%dma_start3A_107, %dma_start3A_108] : memref<40x128xi32, #tpu.memory_space<vmem>> -> memref<1x128xi32, #tpu.memory_space<vmem>>
    %dma_start3A_110 = tpu.memref_squeeze %dma_start3A_109 : memref<1x128xi32, #tpu.memory_space<vmem>> -> memref<128xi32, #tpu.memory_space<vmem>>
    %dma_start3A_111 = arith.constant 0 : i32
    %dma_start3A_112 = arith.constant 0 : i32
    %dma_start3A_113 = tpu.memref_slice %arg11[%dma_start3A_111, %dma_start3A_112] : memref<10112x128xf32, #tpu.memory_space<vmem_shared>> -> memref<10112x128xf32, #tpu.memory_space<vmem_shared>>
    tpu.enqueue_indirect_dma source(%arg9 : memref<128x128xf32, #tpu.memory_space<vmem>>) target(%dma_start3A_113 : memref<10112x128xf32, #tpu.memory_space<vmem_shared>>) offsets(%dma_start3A_110 : memref<128xi32, #tpu.memory_space<vmem>>) semaphore(%arg14 : memref<!tpu.dma_semaphore, #tpu.memory_space<semaphore_mem>>) {add = true}
    %dma_wait3A_114 = arith.constant 39 : i32
    %dma_wait3A_115 = arith.constant 0 : i32
    %dma_wait3A_116 = tpu.memref_slice %arg7[%dma_wait3A_114, %dma_wait3A_115] : memref<40x128xi32, #tpu.memory_space<vmem>> -> memref<1x128xi32, #tpu.memory_space<vmem>>
    %dma_wait3A_117 = tpu.memref_squeeze %dma_wait3A_116 : memref<1x128xi32, #tpu.memory_space<vmem>> -> memref<128xi32, #tpu.memory_space<vmem>>
    %dma_wait3A_118 = arith.constant 0 : i32
    %dma_wait3A_119 = arith.constant 0 : i32
    %dma_wait3A_120 = tpu.memref_slice %arg2[%dma_wait3A_118, %dma_wait3A_119] : memref<10112x128xf32, #tpu.memory_space<hbm>> -> memref<10112x128xf32, #tpu.memory_space<hbm>>
    tpu.wait_indirect_dma semaphore(%arg13 : memref<!tpu.dma_semaphore, #tpu.memory_space<semaphore_mem>>) src(%dma_wait3A_120 : memref<10112x128xf32, #tpu.memory_space<hbm>>) dst(%arg10 : memref<128x128xf32, #tpu.memory_space<vmem>>)
    %dma_start3A_121 = arith.constant 39 : i32
    %dma_start3A_122 = arith.constant 0 : i32
    %dma_start3A_123 = tpu.memref_slice %arg8[%dma_start3A_121, %dma_start3A_122] : memref<40x128xi32, #tpu.memory_space<vmem>> -> memref<1x128xi32, #tpu.memory_space<vmem>>
    %dma_start3A_124 = tpu.memref_squeeze %dma_start3A_123 : memref<1x128xi32, #tpu.memory_space<vmem>> -> memref<128xi32, #tpu.memory_space<vmem>>
    %dma_start3A_125 = arith.constant 0 : i32
    %dma_start3A_126 = arith.constant 0 : i32
    %dma_start3A_127 = tpu.memref_slice %arg11[%dma_start3A_125, %dma_start3A_126] : memref<10112x128xf32, #tpu.memory_space<vmem_shared>> -> memref<10112x128xf32, #tpu.memory_space<vmem_shared>>
    tpu.enqueue_indirect_dma source(%arg10 : memref<128x128xf32, #tpu.memory_space<vmem>>) target(%dma_start3A_127 : memref<10112x128xf32, #tpu.memory_space<vmem_shared>>) offsets(%dma_start3A_124 : memref<128xi32, #tpu.memory_space<vmem>>) semaphore(%arg15 : memref<!tpu.dma_semaphore, #tpu.memory_space<semaphore_mem>>) {add = true}
    %dma_wait3A_128 = arith.constant 38 : i32
    %dma_wait3A_129 = arith.constant 0 : i32
    %dma_wait3A_130 = tpu.memref_slice %arg8[%dma_wait3A_128, %dma_wait3A_129] : memref<40x128xi32, #tpu.memory_space<vmem>> -> memref<1x128xi32, #tpu.memory_space<vmem>>
    %dma_wait3A_131 = tpu.memref_squeeze %dma_wait3A_130 : memref<1x128xi32, #tpu.memory_space<vmem>> -> memref<128xi32, #tpu.memory_space<vmem>>
    %dma_wait3A_132 = arith.constant 0 : i32
    %dma_wait3A_133 = arith.constant 0 : i32
    %dma_wait3A_134 = tpu.memref_slice %arg11[%dma_wait3A_132, %dma_wait3A_133] : memref<10112x128xf32, #tpu.memory_space<vmem_shared>> -> memref<10112x128xf32, #tpu.memory_space<vmem_shared>>
    tpu.wait_indirect_dma semaphore(%arg14 : memref<!tpu.dma_semaphore, #tpu.memory_space<semaphore_mem>>) src(%arg9 : memref<128x128xf32, #tpu.memory_space<vmem>>) dst(%dma_wait3A_134 : memref<10112x128xf32, #tpu.memory_space<vmem_shared>>)
    %dma_wait3A_135 = arith.constant 39 : i32
    %dma_wait3A_136 = arith.constant 0 : i32
    %dma_wait3A_137 = tpu.memref_slice %arg8[%dma_wait3A_135, %dma_wait3A_136] : memref<40x128xi32, #tpu.memory_space<vmem>> -> memref<1x128xi32, #tpu.memory_space<vmem>>
    %dma_wait3A_138 = tpu.memref_squeeze %dma_wait3A_137 : memref<1x128xi32, #tpu.memory_space<vmem>> -> memref<128xi32, #tpu.memory_space<vmem>>
    %dma_wait3A_139 = arith.constant 0 : i32
    %dma_wait3A_140 = arith.constant 0 : i32
    %dma_wait3A_141 = tpu.memref_slice %arg11[%dma_wait3A_139, %dma_wait3A_140] : memref<10112x128xf32, #tpu.memory_space<vmem_shared>> -> memref<10112x128xf32, #tpu.memory_space<vmem_shared>>
    tpu.wait_indirect_dma semaphore(%arg15 : memref<!tpu.dma_semaphore, #tpu.memory_space<semaphore_mem>>) src(%arg10 : memref<128x128xf32, #tpu.memory_space<vmem>>) dst(%dma_wait3A_141 : memref<10112x128xf32, #tpu.memory_space<vmem_shared>>)
    %barrier3A_142 = arith.constant 0 : index
    tpu.barrier barrier_id(%barrier3A_142)
    %mul3A_143 = arith.constant 632 : i32
    %mul3A_144 = arith.muli %arg1, %mul3A_143 : i32
    %mul3A_145 = arith.constant 632 : i32
    %mul3A_146 = arith.muli %arg1, %mul3A_145 : i32
    "tpu.region"() ({
      %run_scoped3A = tpu.sem_alloc : memref<!tpu.dma_semaphore, #tpu.memory_space<semaphore_mem>>
      %dma_start3A_147 = arith.constant 0 : i32
      %dma_start3A_148 = tpu.memref_slice %arg6[%arg0, %mul3A_146, %dma_start3A_147] : memref<2x10112x128xf32, #tpu.memory_space<hbm>> -> memref<1x632x128xf32, #tpu.memory_space<hbm>>
      %dma_start3A_149 = tpu.memref_squeeze %dma_start3A_148 : memref<1x632x128xf32, #tpu.memory_space<hbm>> -> memref<632x128xf32, #tpu.memory_space<hbm>>
      %dma_start3A_150 = arith.constant 0 : i32
      %dma_start3A_151 = tpu.memref_slice %arg11[%mul3A_144, %dma_start3A_150] : memref<10112x128xf32, #tpu.memory_space<vmem_shared>> -> memref<632x128xf32, #tpu.memory_space<vmem_shared>>
      tpu.enqueue_dma source(%dma_start3A_151 : memref<632x128xf32, #tpu.memory_space<vmem_shared>>) target(%dma_start3A_149 : memref<632x128xf32, #tpu.memory_space<hbm>>) target_semaphore(%run_scoped3A : memref<!tpu.dma_semaphore, #tpu.memory_space<semaphore_mem>>)
      %dma_wait3A_152 = arith.constant 0 : i32
      %dma_wait3A_153 = tpu.memref_slice %arg6[%arg0, %mul3A_146, %dma_wait3A_152] : memref<2x10112x128xf32, #tpu.memory_space<hbm>> -> memref<1x632x128xf32, #tpu.memory_space<hbm>>
      %dma_wait3A_154 = tpu.memref_squeeze %dma_wait3A_153 : memref<1x632x128xf32, #tpu.memory_space<hbm>> -> memref<632x128xf32, #tpu.memory_space<hbm>>
      %dma_wait3A_155 = arith.constant 0 : i32
      %dma_wait3A_156 = tpu.memref_slice %arg11[%mul3A_144, %dma_wait3A_155] : memref<10112x128xf32, #tpu.memory_space<vmem_shared>> -> memref<632x128xf32, #tpu.memory_space<vmem_shared>>
      tpu.wait_dma2 semaphore(%run_scoped3A : memref<!tpu.dma_semaphore, #tpu.memory_space<semaphore_mem>>) src(%dma_wait3A_156 : memref<632x128xf32, #tpu.memory_space<vmem_shared>>) dst(%dma_wait3A_154 : memref<632x128xf32, #tpu.memory_space<hbm>>)
      tpu.yield
    }) : () -> ()
    return
  }
}

module attributes {stable_mosaic.version = 14 : i64} {
  func.func @_tc1_body(%arg0: memref<10112x128xf32, #tpu.memory_space<vmem>>, %arg1: memref<128x128xf32, #tpu.memory_space<vmem>>, %arg2: memref<32x10112xf32, #tpu.memory_space<vmem>>, %arg3: memref<10112x128xf32, #tpu.memory_space<vmem>>) attributes {dimension_semantics = [], scalar_prefetch = 0 : i64, scratch_operands = 0 : i64, tpu.core_type = #tpu.core_type<tc>} {
    %get3A = arith.constant 0 : index
    %get3A_0 = arith.constant 0 : index
    %get3A_1 = vector.load %arg2[%get3A, %get3A_0] : memref<32x10112xf32, #tpu.memory_space<vmem>>, vector<32x10112xf32>
    %reduce_sum3A = arith.constant dense<0.000000e+00> : vector<10112xf32>
    %reduce_sum3A_2 = vector.multi_reduction <add>, %get3A_1, %reduce_sum3A [0] : vector<32x10112xf32> to vector<10112xf32>
    %broadcast_in_dim3A = vector.shape_cast %reduce_sum3A_2 : vector<10112xf32> to vector<10112x1xf32>
    %add3A = arith.constant 1.000000e+00 : f32
    %add3A_3 = vector.broadcast %add3A : f32 to vector<10112x1xf32>
    %add3A_4 = arith.addf %broadcast_in_dim3A, %add3A_3 : vector<10112x1xf32>
    %iota3A = tpu.iota {dimensions = array<i32: 0>} : vector<10112x1xi32>
    %lt3A = arith.constant 10000 : i32
    %lt3A_5 = vector.broadcast %lt3A : i32 to vector<10112x1xi32>
    %lt3A_6 = arith.cmpi slt, %iota3A, %lt3A_5 : vector<10112x1xi32>
    %rsqrt3A = math.rsqrt %add3A_4 : vector<10112x1xf32>
    %jit3A = arith.constant 0.000000e+00 : f32
    %broadcast_in_dim3A_7 = vector.broadcast %jit3A : f32 to vector<10112x1xf32>
    %select_n3A = arith.select %lt3A_6, %rsqrt3A, %broadcast_in_dim3A_7 : vector<10112x1xi1>, vector<10112x1xf32>
    %get3A_8 = arith.constant 0 : index
    %get3A_9 = arith.constant 0 : index
    %get3A_10 = vector.load %arg0[%get3A_8, %get3A_9] : memref<10112x128xf32, #tpu.memory_space<vmem>>, vector<10112x128xf32>
    %get3A_11 = arith.constant 0 : index
    %get3A_12 = arith.constant 0 : index
    %get3A_13 = vector.load %arg1[%get3A_11, %get3A_12] : memref<128x128xf32, #tpu.memory_space<vmem>>, vector<128x128xf32>
    %dot_general3A = arith.constant dense<0.000000e+00> : vector<10112x128xf32>
    %dot_general3A_14 = tpu.matmul %get3A_10, %get3A_13, %dot_general3A {dimension_numbers = #tpu.dot_dimension_numbers<[1], [0], [0], [1], [0, 0, 1, 1], [], []>, transpose_lhs_hint = false} : vector<10112x128xf32>, vector<128x128xf32>, vector<10112x128xf32> -> vector<10112x128xf32>
    %mul3A = vector.broadcast %select_n3A : vector<10112x1xf32> to vector<10112x128xf32>
    %mul3A_15 = arith.mulf %mul3A, %dot_general3A_14 : vector<10112x128xf32>
    %swap3A = arith.constant 0 : index
    %swap3A_16 = arith.constant 0 : index
    %swap3A_17 = vector.load %arg3[%swap3A, %swap3A_16] : memref<10112x128xf32, #tpu.memory_space<vmem>>, vector<10112x128xf32>
    tpu.vector_store %arg3[%swap3A, %swap3A_16], %mul3A_15 {strides = array<i32>} : memref<10112x128xf32, #tpu.memory_space<vmem>>, vector<10112x128xf32>,
    return
  }
}

module attributes {stable_mosaic.version = 14 : i64} {
  func.func @_tc2_body(%arg0: memref<2x10112x128xf32, #tpu.memory_space<vmem>>, %arg1: memref<10112x128xf32, #tpu.memory_space<vmem>>, %arg2: memref<32x10112xf32, #tpu.memory_space<vmem>>, %arg3: memref<128xf32, #tpu.memory_space<vmem>>, %arg4: memref<128x128xf32, #tpu.memory_space<vmem>>, %arg5: memref<10112x128xf32, #tpu.memory_space<vmem>>) attributes {dimension_semantics = [], scalar_prefetch = 0 : i64, scratch_operands = 0 : i64, tpu.core_type = #tpu.core_type<tc>} {
    %get3A = arith.constant 0 : index
    %get3A_0 = arith.constant 0 : index
    %get3A_1 = vector.load %arg2[%get3A, %get3A_0] : memref<32x10112xf32, #tpu.memory_space<vmem>>, vector<32x10112xf32>
    %reduce_sum3A = arith.constant dense<0.000000e+00> : vector<10112xf32>
    %reduce_sum3A_2 = vector.multi_reduction <add>, %get3A_1, %reduce_sum3A [0] : vector<32x10112xf32> to vector<10112xf32>
    %broadcast_in_dim3A = vector.shape_cast %reduce_sum3A_2 : vector<10112xf32> to vector<10112x1xf32>
    %add3A = arith.constant 1.000000e+00 : f32
    %add3A_3 = vector.broadcast %add3A : f32 to vector<10112x1xf32>
    %add3A_4 = arith.addf %broadcast_in_dim3A, %add3A_3 : vector<10112x1xf32>
    %iota3A = tpu.iota {dimensions = array<i32: 0>} : vector<10112x1xi32>
    %lt3A = arith.constant 10000 : i32
    %lt3A_5 = vector.broadcast %lt3A : i32 to vector<10112x1xi32>
    %lt3A_6 = arith.cmpi slt, %iota3A, %lt3A_5 : vector<10112x1xi32>
    %rsqrt3A = math.rsqrt %add3A_4 : vector<10112x1xf32>
    %jit3A = arith.constant 0.000000e+00 : f32
    %broadcast_in_dim3A_7 = vector.broadcast %jit3A : f32 to vector<10112x1xf32>
    %select_n3A = arith.select %lt3A_6, %rsqrt3A, %broadcast_in_dim3A_7 : vector<10112x1xi1>, vector<10112x1xf32>
    %get3A_8 = arith.constant 0 : index
    %get3A_9 = arith.constant 0 : index
    %get3A_10 = arith.constant 0 : index
    %get3A_11 = vector.load %arg0[%get3A_8, %get3A_9, %get3A_10] : memref<2x10112x128xf32, #tpu.memory_space<vmem>>, vector<1x10112x128xf32>
    %get3A_12 = vector.shape_cast %get3A_11 : vector<1x10112x128xf32> to vector<10112x128xf32>
    %get3A_13 = arith.constant 1 : index
    %get3A_14 = arith.constant 0 : index
    %get3A_15 = arith.constant 0 : index
    %get3A_16 = vector.load %arg0[%get3A_13, %get3A_14, %get3A_15] : memref<2x10112x128xf32, #tpu.memory_space<vmem>>, vector<1x10112x128xf32>
    %get3A_17 = vector.shape_cast %get3A_16 : vector<1x10112x128xf32> to vector<10112x128xf32>
    %add3A_18 = arith.addf %get3A_12, %get3A_17 : vector<10112x128xf32>
    %get3A_19 = arith.constant 0 : index
    %get3A_20 = arith.constant 0 : index
    %get3A_21 = vector.load %arg1[%get3A_19, %get3A_20] : memref<10112x128xf32, #tpu.memory_space<vmem>>, vector<10112x128xf32>
    %add3A_22 = arith.addf %add3A_18, %get3A_21 : vector<10112x128xf32>
    %mul3A = vector.broadcast %select_n3A : vector<10112x1xf32> to vector<10112x128xf32>
    %mul3A_23 = arith.mulf %mul3A, %add3A_22 : vector<10112x128xf32>
    %get3A_24 = arith.constant 0 : index
    %get3A_25 = vector.load %arg3[%get3A_24] : memref<128xf32, #tpu.memory_space<vmem>>, vector<128xf32>
    %broadcast_in_dim3A_26 = vector.shape_cast %get3A_25 : vector<128xf32> to vector<1x128xf32>
    %add3A_27 = vector.broadcast %broadcast_in_dim3A_26 : vector<1x128xf32> to vector<10112x128xf32>
    %add3A_28 = arith.addf %mul3A_23, %add3A_27 : vector<10112x128xf32>
    %max3A = arith.constant 0.000000e+00 : f32
    %max3A_29 = vector.broadcast %max3A : f32 to vector<10112x128xf32>
    %max3A_30 = arith.maximumf %add3A_28, %max3A_29 : vector<10112x128xf32>
    %get3A_31 = arith.constant 0 : index
    %get3A_32 = arith.constant 0 : index
    %get3A_33 = vector.load %arg4[%get3A_31, %get3A_32] : memref<128x128xf32, #tpu.memory_space<vmem>>, vector<128x128xf32>
    %dot_general3A = arith.constant dense<0.000000e+00> : vector<10112x128xf32>
    %dot_general3A_34 = tpu.matmul %max3A_30, %get3A_33, %dot_general3A {dimension_numbers = #tpu.dot_dimension_numbers<[1], [0], [0], [1], [0, 0, 1, 1], [], []>, transpose_lhs_hint = false} : vector<10112x128xf32>, vector<128x128xf32>, vector<10112x128xf32> -> vector<10112x128xf32>
    %mul3A_35 = vector.broadcast %select_n3A : vector<10112x1xf32> to vector<10112x128xf32>
    %mul3A_36 = arith.mulf %mul3A_35, %dot_general3A_34 : vector<10112x128xf32>
    %swap3A = arith.constant 0 : index
    %swap3A_37 = arith.constant 0 : index
    %swap3A_38 = vector.load %arg5[%swap3A, %swap3A_37] : memref<10112x128xf32, #tpu.memory_space<vmem>>, vector<10112x128xf32>
    tpu.vector_store %arg5[%swap3A, %swap3A_37], %mul3A_36 {strides = array<i32>} : memref<10112x128xf32, #tpu.memory_space<vmem>>, vector<10112x128xf32>,
    return
  }
}

module attributes {stable_mosaic.version = 14 : i64} {
  func.func @_tc3_body(%arg0: memref<2x10112x128xf32, #tpu.memory_space<vmem>>, %arg1: memref<10112x128xf32, #tpu.memory_space<vmem>>, %arg2: memref<32x10112xf32, #tpu.memory_space<vmem>>, %arg3: memref<128xf32, #tpu.memory_space<vmem>>, %arg4: memref<10112x128xf32, #tpu.memory_space<vmem>>) attributes {dimension_semantics = [], scalar_prefetch = 0 : i64, scratch_operands = 0 : i64, tpu.core_type = #tpu.core_type<tc>} {
    %get3A = arith.constant 0 : index
    %get3A_0 = arith.constant 0 : index
    %get3A_1 = vector.load %arg2[%get3A, %get3A_0] : memref<32x10112xf32, #tpu.memory_space<vmem>>, vector<32x10112xf32>
    %reduce_sum3A = arith.constant dense<0.000000e+00> : vector<10112xf32>
    %reduce_sum3A_2 = vector.multi_reduction <add>, %get3A_1, %reduce_sum3A [0] : vector<32x10112xf32> to vector<10112xf32>
    %broadcast_in_dim3A = vector.shape_cast %reduce_sum3A_2 : vector<10112xf32> to vector<10112x1xf32>
    %add3A = arith.constant 1.000000e+00 : f32
    %add3A_3 = vector.broadcast %add3A : f32 to vector<10112x1xf32>
    %add3A_4 = arith.addf %broadcast_in_dim3A, %add3A_3 : vector<10112x1xf32>
    %iota3A = tpu.iota {dimensions = array<i32: 0>} : vector<10112x1xi32>
    %lt3A = arith.constant 10000 : i32
    %lt3A_5 = vector.broadcast %lt3A : i32 to vector<10112x1xi32>
    %lt3A_6 = arith.cmpi slt, %iota3A, %lt3A_5 : vector<10112x1xi32>
    %rsqrt3A = math.rsqrt %add3A_4 : vector<10112x1xf32>
    %jit3A = arith.constant 0.000000e+00 : f32
    %broadcast_in_dim3A_7 = vector.broadcast %jit3A : f32 to vector<10112x1xf32>
    %select_n3A = arith.select %lt3A_6, %rsqrt3A, %broadcast_in_dim3A_7 : vector<10112x1xi1>, vector<10112x1xf32>
    %get3A_8 = arith.constant 0 : index
    %get3A_9 = arith.constant 0 : index
    %get3A_10 = arith.constant 0 : index
    %get3A_11 = vector.load %arg0[%get3A_8, %get3A_9, %get3A_10] : memref<2x10112x128xf32, #tpu.memory_space<vmem>>, vector<1x10112x128xf32>
    %get3A_12 = vector.shape_cast %get3A_11 : vector<1x10112x128xf32> to vector<10112x128xf32>
    %get3A_13 = arith.constant 1 : index
    %get3A_14 = arith.constant 0 : index
    %get3A_15 = arith.constant 0 : index
    %get3A_16 = vector.load %arg0[%get3A_13, %get3A_14, %get3A_15] : memref<2x10112x128xf32, #tpu.memory_space<vmem>>, vector<1x10112x128xf32>
    %get3A_17 = vector.shape_cast %get3A_16 : vector<1x10112x128xf32> to vector<10112x128xf32>
    %add3A_18 = arith.addf %get3A_12, %get3A_17 : vector<10112x128xf32>
    %get3A_19 = arith.constant 0 : index
    %get3A_20 = arith.constant 0 : index
    %get3A_21 = vector.load %arg1[%get3A_19, %get3A_20] : memref<10112x128xf32, #tpu.memory_space<vmem>>, vector<10112x128xf32>
    %add3A_22 = arith.addf %add3A_18, %get3A_21 : vector<10112x128xf32>
    %mul3A = vector.broadcast %select_n3A : vector<10112x1xf32> to vector<10112x128xf32>
    %mul3A_23 = arith.mulf %mul3A, %add3A_22 : vector<10112x128xf32>
    %get3A_24 = arith.constant 0 : index
    %get3A_25 = vector.load %arg3[%get3A_24] : memref<128xf32, #tpu.memory_space<vmem>>, vector<128xf32>
    %broadcast_in_dim3A_26 = vector.shape_cast %get3A_25 : vector<128xf32> to vector<1x128xf32>
    %add3A_27 = vector.broadcast %broadcast_in_dim3A_26 : vector<1x128xf32> to vector<10112x128xf32>
    %add3A_28 = arith.addf %mul3A_23, %add3A_27 : vector<10112x128xf32>
    %swap3A = arith.constant 0 : index
    %swap3A_29 = arith.constant 0 : index
    %swap3A_30 = vector.load %arg4[%swap3A, %swap3A_29] : memref<10112x128xf32, #tpu.memory_space<vmem>>, vector<10112x128xf32>
    tpu.vector_store %arg4[%swap3A, %swap3A_29], %add3A_28 {strides = array<i32>} : memref<10112x128xf32, #tpu.memory_space<vmem>>, vector<10112x128xf32>,
    return
  }
}

module attributes {stable_mosaic.version = 14 : i64} {
  func.func @_tc4_body(%arg0: memref<2x512x128xf32, #tpu.memory_space<vmem>>, %arg1: memref<128x16xf32, #tpu.memory_space<vmem>>, %arg2: memref<16xf32, #tpu.memory_space<vmem>>, %arg3: memref<512x16xf32, #tpu.memory_space<vmem>>) attributes {dimension_semantics = [], scalar_prefetch = 0 : i64, scratch_operands = 0 : i64, tpu.core_type = #tpu.core_type<tc>} {
    %get3A = arith.constant 0 : index
    %get3A_0 = arith.constant 0 : index
    %get3A_1 = arith.constant 0 : index
    %get3A_2 = vector.load %arg0[%get3A, %get3A_0, %get3A_1] : memref<2x512x128xf32, #tpu.memory_space<vmem>>, vector<1x512x128xf32>
    %get3A_3 = vector.shape_cast %get3A_2 : vector<1x512x128xf32> to vector<512x128xf32>
    %get3A_4 = arith.constant 1 : index
    %get3A_5 = arith.constant 0 : index
    %get3A_6 = arith.constant 0 : index
    %get3A_7 = vector.load %arg0[%get3A_4, %get3A_5, %get3A_6] : memref<2x512x128xf32, #tpu.memory_space<vmem>>, vector<1x512x128xf32>
    %get3A_8 = vector.shape_cast %get3A_7 : vector<1x512x128xf32> to vector<512x128xf32>
    %add3A = arith.addf %get3A_3, %get3A_8 : vector<512x128xf32>
    %mul3A = arith.constant 7.812500e-03 : f32
    %mul3A_9 = vector.broadcast %mul3A : f32 to vector<512x128xf32>
    %mul3A_10 = arith.mulf %add3A, %mul3A_9 : vector<512x128xf32>
    %get3A_11 = arith.constant 0 : index
    %get3A_12 = arith.constant 0 : index
    %get3A_13 = vector.load %arg1[%get3A_11, %get3A_12] : memref<128x16xf32, #tpu.memory_space<vmem>>, vector<128x16xf32>
    %dot_general3A = arith.constant dense<0.000000e+00> : vector<512x16xf32>
    %dot_general3A_14 = tpu.matmul %mul3A_10, %get3A_13, %dot_general3A {dimension_numbers = #tpu.dot_dimension_numbers<[1], [0], [0], [1], [0, 0, 1, 1], [], []>, transpose_lhs_hint = false} : vector<512x128xf32>, vector<128x16xf32>, vector<512x16xf32> -> vector<512x16xf32>
    %get3A_15 = arith.constant 0 : index
    %get3A_16 = vector.load %arg2[%get3A_15] : memref<16xf32, #tpu.memory_space<vmem>>, vector<16xf32>
    %broadcast_in_dim3A = vector.shape_cast %get3A_16 : vector<16xf32> to vector<1x16xf32>
    %add3A_17 = vector.broadcast %broadcast_in_dim3A : vector<1x16xf32> to vector<512x16xf32>
    %add3A_18 = arith.addf %dot_general3A_14, %add3A_17 : vector<512x16xf32>
    %swap3A = arith.constant 0 : index
    %swap3A_19 = arith.constant 0 : index
    %swap3A_20 = vector.load %arg3[%swap3A, %swap3A_19] : memref<512x16xf32, #tpu.memory_space<vmem>>, vector<512x16xf32>
    tpu.vector_store %arg3[%swap3A, %swap3A_19], %add3A_18 {strides = array<i32>} : memref<512x16xf32, #tpu.memory_space<vmem>>, vector<512x16xf32>,
    return
  }
}

</mosaic_0001>

<sc_bundles>
// kernel: kernel.10.cloned.1.call-start
scs
__scs_entry_jumppad:
0x0: {  	(pc) =	sbr.rel $0x88, $3  }
0x1: {  	(tag) =	ssettag $0x0;
	lr =	simm.s32 $0x1  }
0x2: {  	[smem:$0x3F98] =	sst lr;
	_ =	strace $0xD0000000  }
0x3: {  	_ = 	snop  }
0x4: {  	_ = 	snop  }
0x5: {  	_ = 	snop  }
0x6: {  	_ = 	snop  }
0x7: {  	_ = 	snop  }
__scs_overlays_trampoline_lowered:
0x8: {  	[smem:$0x3FA7] =	sst s0  }
0x9: {  	[smem:$0x3FA8] =	sst s1  }
0xa: {  	[smem:$0x3FA9] =	sst s2  }
0xb: {  	[smem:$0x3FAA] =	sst s3  }
0xc: {  	[smem:$0x3FAB] =	sst s4  }
0xd: {  	[smem:$0x3FAC] =	sst s5  }
0xe: {  	[smem:$0x3FAD] =	sst s6  }
0xf: {  	[smem:$0x3FAE] =	sst s7  }
0x10: {  	[smem:$0x3FAF] =	sst s8  }
0x11: {  	[smem:$0x3FB0] =	sst s9;
	s0 =	simm.s32 @!p0 $0x0  }
0x12: {  	s1 =	sld [smem:$0x3F96];
	s0 =	simm.s32 @p0 $0x1  }
0x13: {  	[smem:$0x3FB1] =	sst s0;
	s0 =	simm.s32 @!p1 $0x0  }
0x14: {  	s2 =	sld [smem:$0x3F95];
	s0 =	simm.s32 @p1 $0x1  }
0x15: {  	[smem:$0x3FB2] =	sst s0;
	s0 =	simm.s32 @!p2 $0x0  }
0x16: {  	s3 =	sld [smem:$0x3FDB];
	s0 =	simm.s32 @p2 $0x1  }
0x17: {  	s4 =	simm.s32 $0x1BF5;
	[smem:$0x3FB4] =	sst s0  }
0x18: {  	s0 =	sld [smem:$0x3F97];
	_ =	swait.ge [sflag:s4], $0x0  }
0x19: {  	s7 =	sld [smem:$0x3F98]  }
0x1a: {  	s8 =	sadd.s32 $0xFFFFE003, lr  }
0x1b: {  	s9 =	sadd.s32 $0xFFFFFEF7, lr;
	s5 =	simm.s32 $0xFFFFFFFF;
	p2 =	slt.u32 s8, $0xFFFFF086  }
0x1c: {  	p1 =	slt.u32 s9, $0xF7A;
	s5 =	simm.s32 @!p2 $0x0  }
0x1d: {  	s5 =	simm.s32 @p1 $0x1;
	p0 =	seq.s32 s7, s2  }
0x1e: {  	s7 =	smul.u32 @!p0 $0xF7A, s2;
	p2 =	seq.s32 @!p0 s5, $0x0  }
0x1f: {  	s9 =	smul.u32 $0xF7A, s1;
	s8 =	simm.s32 @!p0 $0x1BF5;
	p2 =	por !p2, p0  }
0x20: {  	[sflag:s8] =	ssyncset.s32 @!p0 $0xFFFFF086;
	s6 =	sadd.s32 @!p0 s3, s7;
	s7 =	simm.s32 @!p0 $0x108  }
0x21: {  	s3 =	sadd.s32 s3, s9;
	s6 =	sadd.s32 @!p0 $0x88, s6;
	s7 =	simm.s32 @p2 $0x1082  }
0x22: {  	[simem:s7], [sflag:s8] =	dma.local @!p0 [hbm:s6], $0xF7A  }
0x23: {  	s9 =	sor.u32 $0xD0000000, s2;
	s6 =	simm.s32 $0x108;
	_ =	swait.ge @!p0 [sflag:s8], $0x0  }
0x24: {  	s3 =	sadd.s32 $0x88, s3;
	s6 =	simm.s32 @!p1 $0x1082;
	[sflag:s4] =	ssyncset.s32 $0xFFFFF086  }
0x25: {  	[simem:s6], [sflag:s4] =	dma.local [hbm:s3], $0xF7A  }
0x26: {  	[smem:$0x3F98] =	sst s1;
	(tag) =	ssettag s2;
	_ =	strace s9  }
0x27: {  	s1 =	sld [smem:$0x3FA8]  }
0x28: {  	s2 =	sld [smem:$0x3FA9]  }
0x29: {  	s4 =	sld [smem:$0x3FAB]  }
0x2a: {  	p0 =	seq.s32 s5, $0x0;
	s5 =	sld [smem:$0x3FAC]  }
0x2b: {  	s6 =	sld [smem:$0x3FAD]  }
0x2c: {  	s7 =	sld [smem:$0x3FAE]  }
0x2d: {  	s3 =	simm.s32 $0x108;
	s8 =	sld [smem:$0x3FAF]  }
0x2e: {  	s3 =	simm.s32 @!p0 $0x1082;
	s9 =	sld [smem:$0x3FB0]  }
0x2f: {  	lr =	sadd.s32 s0, s3;
	s0 =	sld [smem:$0x3FA7]  }
0x30: {  	s3 =	sld [smem:$0x3FAA]  }
0x31: {  	[smem:$0x3FB3] =	sst s10  }
0x32: {  	s10 =	sld [smem:$0x3FB1];
	_ =	sdelay $0x3  }
0x33: {  	p0 =	seq.s32 s10, $0x1;
	s10 =	sld [smem:$0x3FB3];
	_ =	sdelay $0x3  }
0x34: {  	[smem:$0x3FB3] =	sst s10  }
0x35: {  	s10 =	sld [smem:$0x3FB2];
	_ =	sdelay $0x3  }
0x36: {  	p1 =	seq.s32 s10, $0x1;
	s10 =	sld [smem:$0x3FB3];
	_ =	sdelay $0x3  }
0x37: {  	[smem:$0x3FB3] =	sst s10  }
0x38: {  	s10 =	sld [smem:$0x3FB4]  }
0x39: {  	_ = 	snop;
	(pc) =	sbr.ind lr, $3  }
0x3a: {  	_ = 	snop  }
0x3b: {  	_ = 	snop  }
0x3c: {  	p2 =	seq.s32 s10, $0x1;
	s10 =	sld [smem:$0x3FB3]  }
0x3d: {  	_ =	shalt  }
0x3e: {  	_ =	shalt  }
0x3f: {  	_ =	shalt  }
0x40: {  	_ =	shalt  }
0x41: {  	_ =	shalt  }
0x42: {  	_ =	shalt  }
0x43: {  	_ =	shalt  }
0x44: {  	_ =	shalt  }
0x45: {  	_ =	shalt  }
0x46: {  	_ =	shalt  }
0x47: {  	_ =	shalt  }
0x48: {  	_ =	shalt  }
0x49: {  	_ =	shalt  }
0x4a: {  	_ =	shalt  }
0x4b: {  	_ =	shalt  }
0x4c: {  	_ =	shalt  }
0x4d: {  	_ =	shalt  }
0x4e: {  	_ =	shalt  }
0x4f: {  	_ =	shalt  }
0x50: {  	_ =	shalt  }
0x51: {  	_ =	shalt  }
0x52: {  	_ =	shalt  }
0x53: {  	_ =	shalt  }
0x54: {  	_ =	shalt  }
0x55: {  	_ =	shalt  }
0x56: {  	_ =	shalt  }
0x57: {  	_ =	shalt  }
0x58: {  	_ =	shalt  }
0x59: {  	_ =	shalt  }
0x5a: {  	_ =	shalt  }
0x5b: {  	_ =	shalt  }
0x5c: {  	_ =	shalt  }
0x5d: {  	_ =	shalt  }
0x5e: {  	_ =	shalt  }
0x5f: {  	_ =	shalt  }
0x60: {  	_ =	shalt  }
0x61: {  	_ =	shalt  }
0x62: {  	_ =	shalt  }
0x63: {  	_ =	shalt  }
0x64: {  	_ =	shalt  }
0x65: {  	_ =	shalt  }
0x66: {  	_ =	shalt  }
0x67: {  	_ =	shalt  }
0x68: {  	_ =	shalt  }
0x69: {  	_ =	shalt  }
0x6a: {  	_ =	shalt  }
0x6b: {  	_ =	shalt  }
0x6c: {  	_ =	shalt  }
0x6d: {  	_ =	shalt  }
0x6e: {  	_ =	shalt  }
0x6f: {  	_ =	shalt  }
0x70: {  	_ =	shalt  }
0x71: {  	_ =	shalt  }
0x72: {  	_ =	shalt  }
0x73: {  	_ =	shalt  }
0x74: {  	_ =	shalt  }
0x75: {  	_ =	shalt  }
0x76: {  	_ =	shalt  }
0x77: {  	_ =	shalt  }
0x78: {  	_ =	shalt  }
0x79: {  	_ =	shalt  }
0x7a: {  	_ =	shalt  }
0x7b: {  	_ =	shalt  }
0x7c: {  	_ =	shalt  }
0x7d: {  	_ =	shalt  }
0x7e: {  	_ =	shalt  }
0x7f: {  	_ =	shalt  }
0x80: {  	_ =	shalt  }
0x81: {  	_ =	shalt  }
0x82: {  	_ =	shalt  }
0x83: {  	_ =	shalt  }
0x84: {  	_ =	shalt  }
0x85: {  	_ =	shalt  }
0x86: {  	_ =	shalt  }
0x87: {  	_ =	shalt  }
.Lfunc_end0:
.L_simem_size_0:
called_computation_lowered:
.L_overlay_start_0:
0x88: {  	s2 =	sld [smem:$0x3FD9]  }
0x89: {  	s3 =	sld [smem:$0x3FFE];
	_ =	sdelay $0x1  }
0x8a: {  	s1 =	srdreg.scid  }
0x8b: {  	s0 =	sand.u32 $0x1, s1  }
0x8c: {  	s16 =	sshll.u32 s0, $0xA;
	s2 =	sadd.s32 s3, s2  }
0x8d: {  	s2 =	sadd.s32 s2, s16  }
0x8e: {  	[smem:$0x3FBF] =	sst s2  }
0x8f: {  	_ = 	snop  }
0x90: {  	(tm) =	ssettm $0x1  }
0x91: {  	s17 =	sld [smem:$0x3FFB];
	_ =	sdelay $0x3  }
0x92: {  	_ =	strace s17  }
0x93: {  	s2 =	sld [smem:$0x3FFC];
	_ =	sdelay $0x3  }
0x94: {  	_ =	strace s2  }
0x95: {  	s2 =	sld [smem:$0x3FFD];
	_ =	sdelay $0x3  }
0x96: {  	_ =	strace s2  }
0x97: {  	_ =	strace $0x8FFFFFFF  }
0x98: {  	s18 =	sld [smem:$0x3FDB];
	_ =	sdelay $0x1  }
0x99: {  	s19 =	simm.s32 $_scs_section_size  }
0x9a: {  	s4 =	simm.s32 $_size__tile_overlayer_lowered;
	s5 =	simm.s32 $_tile_overlayer_lowered  }
0x9b: {  	s22 =	simm.s32 $0x1BFF;
	s21 =	sshll.u32 s5, $0x1;
	s2 =	sadd.s32 s19, s18  }
0x9c: {  	s6 =	simm.s32 $0x0;
	s20 =	sshll.u32 s4, $0x1;
	s4 =	sadd.s32 s21, s2  }
0x9d: {  	[timem:s6], [sflag:s22] =	dma.local [hbm:s4], s20  }
0x9e: {  	_ =	swait.ge [sflag:s22], s20  }
0x9f: {  	s3 =	ssub.s32 $0x0, s20;
	[sflag:s22] =	ssyncset.done $0x0  }
0xa0: {  	[sflag:s22] =	ssyncadd.s32 s3;
	_ =	sdelay $0x1  }
0xa1: {  	s23 =	simm.s32 $0x1B8B  }
0xa2: {  	_ =	swait.ge [sflag:s23], $0x1  }
0xa3: {  	[sflag:s23] =	ssyncset.done $0x0  }
0xa4: {  	s25 =	simm.s32 $0x1B8E;
	s24 =	sld [smem:$0x3FFE];
	[sflag:s23] =	ssyncadd.s32 $0xFFFFFFFF  }
0xa5: {  	s26 =	simm.s32 $execute0_lowered;
	[smem:$0x3FD2] =	sst s25  }
0xa6: {  	s4 =	sshll.u32 s26, $0x1;
	_ =	strace $0x80000046;
	[dreg:$0x1] =	wrdreg $0xFFFFFFFF  }
0xa7: {  	s28 =	simm.s32 $_size_execute0_lowered;
	s2 =	sadd.s32 s2, s4;
	[dreg:$0x0] =	wrdreg $0x0  }
0xa8: {  	s4 =	sshll.u32 s28, $0x1;
	[dreg:$0x2] =	wrdreg s2  }
0xa9: {  	[dreg:$0x3] =	wrdreg s4  }
0xaa: {  	[dreg:$0x4] =	wrdreg $0xC0  }
0xab: {  	_ =	task [dreg:s6], $0x5FFFF  }
0xac: {  	[dreg:$0x1] =	wrdreg $0xFFFFFFFF  }
0xad: {  	[dreg:$0x0] =	wrdreg $0x60  }
0xae: {  	[dreg:$0x2] =	wrdreg s24  }
0xaf: {  	[dreg:$0x3] =	wrdreg $0x9  }
0xb0: {  	_ =	task.clear_ibuf [dreg:s6], $0x4FFFF;
	_ =	strace $0x90000046  }
0xb1: {  	s29 =	simm.s32 $0x9;
	_ =	strace $0x80000048  }
0xb2: {  	_ =	swait.ge [sflag:s29], $0x1  }
0xb3: {  	[sflag:s29] =	ssyncadd.s32 $0xFFFFFFFF  }
0xb4: {  	_ =	strace $0x90000048  }
0xb5: {  	_ =	sfence  }
0xb6: {  	s30 =	sld [smem:$0x0];
	_ =	sdelay $0x2  }
0xb7: {  	s31 =	sshll.u32 s1, $0xD;
	s1 =	sshrl.u32 s1, $0x2  }
0xb8: {  	s3 =	sand.u32 $0x4000, s31;
	s1 =	sadd.s32 s1, s30  }
0xb9: {  	s0 =	sor.u32 s3, s0;
	s1 =	sshll.u32 s1, $0x11  }
0xba: {  	s0 =	sor.u32 s1, s0  }
0xbb: {  	s0 =	sadd.s32 $0x8F2B, s0  }
0xbc: {  	[sflag:s0] =	ssyncadd.remote.s32 $0x1  }
0xbd: {  	_ =	sfence.sel $0xFFFF  }
0xbe: {  	[dreg:$0x0] =	wrdreg $0xFFFFFFFF;
	(pc) =	sbr.abs _section_cstart, $3  }
0xbf: {  	[dreg:$0x1] =	wrdreg $0xFFFFFFFF  }
0xc0: {  	_ =	task.clear_ibuf [dreg:s6], $0x2FFFF;
	_ =	strace $0x9FFFFFFF  }
0xc1: {  	(tm) =	ssettm $0x7FFFFFFF  }
tec
execute0_lowered:
.L_overlay_start_1:
0x0: {  	(tag) =	ssettag $0x1  }
0x1: {  	s1 =	srdreg.scid  }
0x2: {  	s0 =	stileid.u32;
	s4 =	rddreg [dreg:$0x0];
	s8 =	simm.s32 $0x1  }
0x3: {  	s9 =	simm.s32 $0x80;
	s10 =	simm.s32 $0x400;
	s11 =	simm.s32 $0x0  }
0x4: {  	s3 =	sand.u32 $0x1, s1;
	s2 =	sshll.u32 s0, $0x1;
	s1 =	rddreg [dreg:$0x1]  }
0x5: {  	s6 =	sshrl.u32 s0, $0x2;
	s5 =	sor.u32 s3, s2;
	s2 =	simm.s32 $0x0  }
0x6: {  	s6 =	smul.u32 $0x13C00, s6;
	s30 =	ssub.s32 $0x2, s3;
	s7 =	sshll.u32 s5, $0x7  }
0x7: {  	s3 =	sadd.s32 $0xD200, s4;
	s5 =	smul.u32 $0x4E2, s5;
	s7 =	sand.u32 $0x380, s7  }
0x8: {  	[smem:$0x7FF] =	sst s2;
	s31 =	sshrl.u32 s30, $0x1;
	s6 =	sor.u32 s6, s7  }
0x9: {  	_ =	strace $0x80000047;
	s5 =	sadd.s32 s5, s4;
	s6 =	sshrl.u32 s6, $0x3  }
0xa: {  	s7 =	ssub.s32 s30, s31;
	s6 =	sadd.s32 s6, s4;
	s4 =	sadd.s32 $0x3400, s5  }
0xb: {  	s5 =	sadd.s32 $0xD800, s6;
	s6 =	smax.u32 s7, $0x1;
	s7 =	simm.s32 $0x2780  }
.LBB2_1:
0xc: {  	[tilespmem:s7], [sflag:$0x1] =	stream.linear.gather [hbm4b:s3+s2], $0x2780, $0x38;
	[tilespmem:$0x4F00] =	vst v63  }
0xd: {  	_ =	swait.ge [sflag:s8], $0x2780  }
0xe: {  	[sflag:s8] =	ssyncset.done $0x0  }
0xf: {  	[sflag:s8] =	ssyncadd.s32 $0xFFFFD880  }
0x10: {  	[tilespmem:s2], [sflag:$0x1] =	stream.linear.gather [hbm4b:s4+s2], $0x2710, $0x38;
	[tilespmem:$0x4F00] =	vst v63  }
0x11: {  	_ =	swait.ge [sflag:s8], $0x2710  }
0x12: {  	[sflag:s8] =	ssyncset.done $0x0  }
0x13: {  	s12 =	simm.s32 $0x0;
	[sflag:s8] =	ssyncadd.s32 $0xFFFFD8F0  }
.LBB2_2:
0x14: {  	s13 =	sshra.s32 s12, $0x2  }
0x15: {  	v0 =	vld [tilespmem:s13+$0x0];
	_ =	sdelay $0x4  }
0x16: {  	(xrf1) =	vunique.msk.u32 $0xffff, v0;
	_ =	sdelay $0xd  }
0x17: {  	_, v1, vm0 =	vpop (xrf1);
	_ =	sdelay $0x3  }
0x18: {  	v1 =	vcvt.s32.f32 v1;
	_ =	sdelay $0x1  }
0x19: {  	[tilespmem:v0+s7+$0x0] =	vst.idx.add.f32.msk vm0, v1  }
0x1a: {  	v0 =	vld [tilespmem:s13+$0x10];
	_ =	sdelay $0x4  }
0x1b: {  	(xrf1) =	vunique.msk.u32 $0xffff, v0;
	_ =	sdelay $0xd  }
0x1c: {  	_, v1, vm0 =	vpop (xrf1);
	_ =	sdelay $0x3  }
0x1d: {  	v1 =	vcvt.s32.f32 v1;
	_ =	sdelay $0x1  }
0x1e: {  	[tilespmem:v0+s7+$0x0] =	vst.idx.add.f32.msk vm0, v1  }
0x1f: {  	v0 =	vld [tilespmem:s13+$0x20];
	_ =	sdelay $0x4  }
0x20: {  	(xrf1) =	vunique.msk.u32 $0xffff, v0;
	_ =	sdelay $0xd  }
0x21: {  	_, v1, vm0 =	vpop (xrf1);
	_ =	sdelay $0x3  }
0x22: {  	v1 =	vcvt.s32.f32 v1;
	_ =	sdelay $0x1  }
0x23: {  	[tilespmem:v0+s7+$0x0] =	vst.idx.add.f32.msk vm0, v1  }
0x24: {  	v0 =	vld [tilespmem:s13+$0x30];
	_ =	sdelay $0x4  }
0x25: {  	(xrf1) =	vunique.msk.u32 $0xffff, v0;
	_ =	sdelay $0xd  }
0x26: {  	_, v1, vm0 =	vpop (xrf1);
	_ =	sdelay $0x3  }
0x27: {  	v1 =	vcvt.s32.f32 v1;
	_ =	sdelay $0x1  }
0x28: {  	[tilespmem:v0+s7+$0x0] =	vst.idx.add.f32.msk vm0, v1  }
0x29: {  	v0 =	vld [tilespmem:s13+$0x40];
	_ =	sdelay $0x4  }
0x2a: {  	(xrf1) =	vunique.msk.u32 $0xffff, v0;
	_ =	sdelay $0xd  }
0x2b: {  	_, v1, vm0 =	vpop (xrf1);
	_ =	sdelay $0x3  }
0x2c: {  	v1 =	vcvt.s32.f32 v1;
	_ =	sdelay $0x1  }
0x2d: {  	[tilespmem:v0+s7+$0x0] =	vst.idx.add.f32.msk vm0, v1  }
0x2e: {  	v0 =	vld [tilespmem:s13+$0x50];
	_ =	sdelay $0x4  }
0x2f: {  	(xrf1) =	vunique.msk.u32 $0xffff, v0;
	_ =	sdelay $0xd  }
0x30: {  	_, v1, vm0 =	vpop (xrf1);
	_ =	sdelay $0x3  }
0x31: {  	v1 =	vcvt.s32.f32 v1;
	_ =	sdelay $0x1  }
0x32: {  	[tilespmem:v0+s7+$0x0] =	vst.idx.add.f32.msk vm0, v1  }
0x33: {  	v0 =	vld [tilespmem:s13+$0x60];
	_ =	sdelay $0x4  }
0x34: {  	(xrf1) =	vunique.msk.u32 $0xffff, v0;
	_ =	sdelay $0xd  }
0x35: {  	_, v1, vm0 =	vpop (xrf1);
	_ =	sdelay $0x3  }
0x36: {  	v1 =	vcvt.s32.f32 v1;
	_ =	sdelay $0x1  }
0x37: {  	[tilespmem:v0+s7+$0x0] =	vst.idx.add.f32.msk vm0, v1  }
0x38: {  	v0 =	vld [tilespmem:s13+$0x70];
	_ =	sdelay $0x4  }
0x39: {  	(xrf1) =	vunique.msk.u32 $0xffff, v0;
	_ =	sdelay $0xd  }
0x3a: {  	_, v1, vm0 =	vpop (xrf1)  }
0x3b: {  	p0 =	sne.s32 s12, $0x9A00  }
.Ltmp0:
0x3c: {  	_ = 	snop;
	(pc) =	sbr.rel @p0 .LBB2_2-.Ltmp0, $3  }
0x3d: {  	_ = 	snop  }
0x3e: {  	v1 =	vcvt.s32.f32 v1;
	_ =	sdelay $0x1  }
0x3f: {  	s12 =	sadd.s32 $0x200, s12;
	[tilespmem:v0+s7+$0x0] =	vst.idx.add.f32.msk vm0, v1  }
0x40: {  	v0 =	vld [tilespmem:$0x2700];
	_ =	sdelay $0x4  }
0x41: {  	(xrf1) =	vunique.msk.u32 $0xffff, v0;
	_ =	sdelay $0xd  }
0x42: {  	_, v1, vm0 =	vpop (xrf1);
	_ =	sdelay $0x3  }
0x43: {  	s11 =	sadd.s32 $0x1, s11;
	v1 =	vcvt.s32.f32 v1  }
0x44: {  	p0 =	sne.s32 s11, s6  }
.Ltmp1:
0x45: {  	[tilespmem:v0+s7+$0x0] =	vst.idx.add.f32.msk vm0, v1;
	(pc) =	sbr.rel @p0 .LBB2_1-.Ltmp1, $4  }
0x46: {  	[hbm4b:s5+s9] =	stream.strided.scatter [tilespmem:s7], [sflag:$0x1], $0x2780, s10, s9, $0x38;
	[tilespmem:$0x4F00] =	vst v63  }
0x47: {  	_ =	swait.ge [sflag:s8], $0x2780  }
0x48: {  	[sflag:s8] =	ssyncset.done $0x0  }
0x49: {  	[sflag:s8] =	ssyncadd.s32 $0xFFFFD880  }
0x4a: {  	_ =	sfence.sel $0x180000  }
0x4b: {  	[bflag:$0x0] =	sbarrier.arrive $0xFFFF  }
0x4c: {  	p0 =	sne.s32 s0, $0x0;
	_ =	strace $0x90000047  }
0x4d: {  	s0 =	sadd.s32 @!p0 $0x100000, s1;
	[bflag:$0x2] =	sbarrier.arrive $0xFFFF  }
0x4e: {  	[sflag:s0] =	ssyncadd.tile.s32 @!p0 $0x1;
	_ =	shalt  }
.Lfunc_end2:
_tile_overlayer_lowered:
.L_overlay_start_2:
0x4f: {  	(tag) =	ssettag $0x2  }
0x50: {  	s0 =	rddreg [dreg:$0x0];
	s2 =	stileid.u32  }
0x51: {  	s1 =	rddreg [dreg:$0x1];
	p0 =	sne.s32 s2, $0x0  }
0x52: {  	s3 =	rddreg [dreg:$0x2];
	[bflag:$0x3] =	sbarrier.arrive $0xFFFF;
	s2 =	simm.s32 @!p0 $0x1C01  }
0x53: {  	[timem:s3], [sflag:s2] =	dma.local @!p0 [hbm:s0], s1  }
0x54: {  	s0 =	simm.s32 @!p0 $0x1  }
0x55: {  	_ =	swait.ge @!p0 [sflag:s0], s1  }
0x56: {  	s1 =	ssub.s32 @!p0 $0x0, s1;
	[sflag:s0] =	ssyncset.done @!p0 $0x0  }
0x57: {  	[sflag:s0] =	ssyncadd.s32 @!p0 s1  }
0x58: {  	[bflag:$0x3] =	sbarrier.arrive $0xFFFF  }
0x59: {  	_ =	shalt  }

// kernel: kernel.13.cloned.1.call-start
scs
__scs_entry_jumppad:
0x0: {  	(pc) =	sbr.rel $0x88, $3  }
0x1: {  	(tag) =	ssettag $0x0;
	lr =	simm.s32 $0x1  }
0x2: {  	[smem:$0x3F98] =	sst lr;
	_ =	strace $0xD0000000  }
0x3: {  	_ = 	snop  }
0x4: {  	_ = 	snop  }
0x5: {  	_ = 	snop  }
0x6: {  	_ = 	snop  }
0x7: {  	_ = 	snop  }
__scs_overlays_trampoline_lowered:
0x8: {  	[smem:$0x3FA7] =	sst s0  }
0x9: {  	[smem:$0x3FA8] =	sst s1  }
0xa: {  	[smem:$0x3FA9] =	sst s2  }
0xb: {  	[smem:$0x3FAA] =	sst s3  }
0xc: {  	[smem:$0x3FAB] =	sst s4  }
0xd: {  	[smem:$0x3FAC] =	sst s5  }
0xe: {  	[smem:$0x3FAD] =	sst s6  }
0xf: {  	[smem:$0x3FAE] =	sst s7  }
0x10: {  	[smem:$0x3FAF] =	sst s8  }
0x11: {  	[smem:$0x3FB0] =	sst s9;
	s0 =	simm.s32 @!p0 $0x0  }
0x12: {  	s1 =	sld [smem:$0x3F96];
	s0 =	simm.s32 @p0 $0x1  }
0x13: {  	[smem:$0x3FB1] =	sst s0;
	s0 =	simm.s32 @!p1 $0x0  }
0x14: {  	s2 =	sld [smem:$0x3F95];
	s0 =	simm.s32 @p1 $0x1  }
0x15: {  	[smem:$0x3FB2] =	sst s0;
	s0 =	simm.s32 @!p2 $0x0  }
0x16: {  	s3 =	sld [smem:$0x3FDB];
	s0 =	simm.s32 @p2 $0x1  }
0x17: {  	s4 =	simm.s32 $0x1BF5;
	[smem:$0x3FB4] =	sst s0  }
0x18: {  	s0 =	sld [smem:$0x3F97];
	_ =	swait.ge [sflag:s4], $0x0  }
0x19: {  	s7 =	sld [smem:$0x3F98]  }
0x1a: {  	s8 =	sadd.s32 $0xFFFFE003, lr  }
0x1b: {  	s9 =	sadd.s32 $0xFFFFFEF7, lr;
	s5 =	simm.s32 $0xFFFFFFFF;
	p2 =	slt.u32 s8, $0xFFFFF086  }
0x1c: {  	p1 =	slt.u32 s9, $0xF7A;
	s5 =	simm.s32 @!p2 $0x0  }
0x1d: {  	s5 =	simm.s32 @p1 $0x1;
	p0 =	seq.s32 s7, s2  }
0x1e: {  	s7 =	smul.u32 @!p0 $0xF7A, s2;
	p2 =	seq.s32 @!p0 s5, $0x0  }
0x1f: {  	s9 =	smul.u32 $0xF7A, s1;
	s8 =	simm.s32 @!p0 $0x1BF5;
	p2 =	por !p2, p0  }
0x20: {  	[sflag:s8] =	ssyncset.s32 @!p0 $0xFFFFF086;
	s6 =	sadd.s32 @!p0 s3, s7;
	s7 =	simm.s32 @!p0 $0x108  }
0x21: {  	s3 =	sadd.s32 s3, s9;
	s6 =	sadd.s32 @!p0 $0x88, s6;
	s7 =	simm.s32 @p2 $0x1082  }
0x22: {  	[simem:s7], [sflag:s8] =	dma.local @!p0 [hbm:s6], $0xF7A  }
0x23: {  	s9 =	sor.u32 $0xD0000000, s2;
	s6 =	simm.s32 $0x108;
	_ =	swait.ge @!p0 [sflag:s8], $0x0  }
0x24: {  	s3 =	sadd.s32 $0x88, s3;
	s6 =	simm.s32 @!p1 $0x1082;
	[sflag:s4] =	ssyncset.s32 $0xFFFFF086  }
0x25: {  	[simem:s6], [sflag:s4] =	dma.local [hbm:s3], $0xF7A  }
0x26: {  	[smem:$0x3F98] =	sst s1;
	(tag) =	ssettag s2;
	_ =	strace s9  }
0x27: {  	s1 =	sld [smem:$0x3FA8]  }
0x28: {  	s2 =	sld [smem:$0x3FA9]  }
0x29: {  	s4 =	sld [smem:$0x3FAB]  }
0x2a: {  	p0 =	seq.s32 s5, $0x0;
	s5 =	sld [smem:$0x3FAC]  }
0x2b: {  	s6 =	sld [smem:$0x3FAD]  }
0x2c: {  	s7 =	sld [smem:$0x3FAE]  }
0x2d: {  	s3 =	simm.s32 $0x108;
	s8 =	sld [smem:$0x3FAF]  }
0x2e: {  	s3 =	simm.s32 @!p0 $0x1082;
	s9 =	sld [smem:$0x3FB0]  }
0x2f: {  	lr =	sadd.s32 s0, s3;
	s0 =	sld [smem:$0x3FA7]  }
0x30: {  	s3 =	sld [smem:$0x3FAA]  }
0x31: {  	[smem:$0x3FB3] =	sst s10  }
0x32: {  	s10 =	sld [smem:$0x3FB1];
	_ =	sdelay $0x3  }
0x33: {  	p0 =	seq.s32 s10, $0x1;
	s10 =	sld [smem:$0x3FB3];
	_ =	sdelay $0x3  }
0x34: {  	[smem:$0x3FB3] =	sst s10  }
0x35: {  	s10 =	sld [smem:$0x3FB2];
	_ =	sdelay $0x3  }
0x36: {  	p1 =	seq.s32 s10, $0x1;
	s10 =	sld [smem:$0x3FB3];
	_ =	sdelay $0x3  }
0x37: {  	[smem:$0x3FB3] =	sst s10  }
0x38: {  	s10 =	sld [smem:$0x3FB4]  }
0x39: {  	_ = 	snop;
	(pc) =	sbr.ind lr, $3  }
0x3a: {  	_ = 	snop  }
0x3b: {  	_ = 	snop  }
0x3c: {  	p2 =	seq.s32 s10, $0x1;
	s10 =	sld [smem:$0x3FB3]  }
0x3d: {  	_ =	shalt  }
0x3e: {  	_ =	shalt  }
0x3f: {  	_ =	shalt  }
0x40: {  	_ =	shalt  }
0x41: {  	_ =	shalt  }
0x42: {  	_ =	shalt  }
0x43: {  	_ =	shalt  }
0x44: {  	_ =	shalt  }
0x45: {  	_ =	shalt  }
0x46: {  	_ =	shalt  }
0x47: {  	_ =	shalt  }
0x48: {  	_ =	shalt  }
0x49: {  	_ =	shalt  }
0x4a: {  	_ =	shalt  }
0x4b: {  	_ =	shalt  }
0x4c: {  	_ =	shalt  }
0x4d: {  	_ =	shalt  }
0x4e: {  	_ =	shalt  }
0x4f: {  	_ =	shalt  }
0x50: {  	_ =	shalt  }
0x51: {  	_ =	shalt  }
0x52: {  	_ =	shalt  }
0x53: {  	_ =	shalt  }
0x54: {  	_ =	shalt  }
0x55: {  	_ =	shalt  }
0x56: {  	_ =	shalt  }
0x57: {  	_ =	shalt  }
0x58: {  	_ =	shalt  }
0x59: {  	_ =	shalt  }
0x5a: {  	_ =	shalt  }
0x5b: {  	_ =	shalt  }
0x5c: {  	_ =	shalt  }
0x5d: {  	_ =	shalt  }
0x5e: {  	_ =	shalt  }
0x5f: {  	_ =	shalt  }
0x60: {  	_ =	shalt  }
0x61: {  	_ =	shalt  }
0x62: {  	_ =	shalt  }
0x63: {  	_ =	shalt  }
0x64: {  	_ =	shalt  }
0x65: {  	_ =	shalt  }
0x66: {  	_ =	shalt  }
0x67: {  	_ =	shalt  }
0x68: {  	_ =	shalt  }
0x69: {  	_ =	shalt  }
0x6a: {  	_ =	shalt  }
0x6b: {  	_ =	shalt  }
0x6c: {  	_ =	shalt  }
0x6d: {  	_ =	shalt  }
0x6e: {  	_ =	shalt  }
0x6f: {  	_ =	shalt  }
0x70: {  	_ =	shalt  }
0x71: {  	_ =	shalt  }
0x72: {  	_ =	shalt  }
0x73: {  	_ =	shalt  }
0x74: {  	_ =	shalt  }
0x75: {  	_ =	shalt  }
0x76: {  	_ =	shalt  }
0x77: {  	_ =	shalt  }
0x78: {  	_ =	shalt  }
0x79: {  	_ =	shalt  }
0x7a: {  	_ =	shalt  }
0x7b: {  	_ =	shalt  }
0x7c: {  	_ =	shalt  }
0x7d: {  	_ =	shalt  }
0x7e: {  	_ =	shalt  }
0x7f: {  	_ =	shalt  }
0x80: {  	_ =	shalt  }
0x81: {  	_ =	shalt  }
0x82: {  	_ =	shalt  }
0x83: {  	_ =	shalt  }
0x84: {  	_ =	shalt  }
0x85: {  	_ =	shalt  }
0x86: {  	_ =	shalt  }
0x87: {  	_ =	shalt  }
.Lfunc_end0:
.L_simem_size_0:
called_computation.1_lowered:
.L_overlay_start_0:
0x88: {  	s2 =	sld [smem:$0x3FD9]  }
0x89: {  	s3 =	sld [smem:$0x3FFE];
	_ =	sdelay $0x1  }
0x8a: {  	s1 =	srdreg.scid  }
0x8b: {  	s0 =	sand.u32 $0x1, s1  }
0x8c: {  	s16 =	sshll.u32 s0, $0xA;
	s2 =	sadd.s32 s3, s2  }
0x8d: {  	s2 =	sadd.s32 s2, s16  }
0x8e: {  	[smem:$0x3FBF] =	sst s2  }
0x8f: {  	_ = 	snop  }
0x90: {  	(tm) =	ssettm $0x1  }
0x91: {  	s17 =	sld [smem:$0x3FFB];
	_ =	sdelay $0x3  }
0x92: {  	_ =	strace s17  }
0x93: {  	s2 =	sld [smem:$0x3FFC];
	_ =	sdelay $0x3  }
0x94: {  	_ =	strace s2  }
0x95: {  	s2 =	sld [smem:$0x3FFD];
	_ =	sdelay $0x3  }
0x96: {  	_ =	strace s2  }
0x97: {  	_ =	strace $0x8FFFFFFF  }
0x98: {  	s18 =	sld [smem:$0x3FDB];
	_ =	sdelay $0x1  }
0x99: {  	s19 =	simm.s32 $_scs_section_size  }
0x9a: {  	s4 =	simm.s32 $_size__tile_overlayer_lowered;
	s5 =	simm.s32 $_tile_overlayer_lowered  }
0x9b: {  	s22 =	simm.s32 $0x1BFF;
	s21 =	sshll.u32 s5, $0x1;
	s2 =	sadd.s32 s19, s18  }
0x9c: {  	s6 =	simm.s32 $0x0;
	s20 =	sshll.u32 s4, $0x1;
	s4 =	sadd.s32 s21, s2  }
0x9d: {  	[timem:s6], [sflag:s22] =	dma.local [hbm:s4], s20  }
0x9e: {  	_ =	swait.ge [sflag:s22], s20  }
0x9f: {  	s3 =	ssub.s32 $0x0, s20;
	[sflag:s22] =	ssyncset.done $0x0  }
0xa0: {  	[sflag:s22] =	ssyncadd.s32 s3;
	_ =	sdelay $0x1  }
0xa1: {  	s23 =	simm.s32 $0x1B8B  }
0xa2: {  	_ =	swait.ge [sflag:s23], $0x1  }
0xa3: {  	[sflag:s23] =	ssyncset.done $0x0  }
0xa4: {  	s25 =	simm.s32 $0x1B8E;
	s24 =	sld [smem:$0x3FFE];
	[sflag:s23] =	ssyncadd.s32 $0xFFFFFFFF  }
0xa5: {  	s26 =	simm.s32 $execute0_lowered;
	[smem:$0x3FD2] =	sst s25  }
0xa6: {  	s4 =	sshll.u32 s26, $0x1;
	_ =	strace $0x80000049;
	[dreg:$0x1] =	wrdreg $0xFFFFFFFF  }
0xa7: {  	s28 =	simm.s32 $_size_execute0_lowered;
	s2 =	sadd.s32 s2, s4;
	[dreg:$0x0] =	wrdreg $0x0  }
0xa8: {  	s4 =	sshll.u32 s28, $0x1;
	[dreg:$0x2] =	wrdreg s2  }
0xa9: {  	[dreg:$0x3] =	wrdreg s4  }
0xaa: {  	[dreg:$0x4] =	wrdreg $0xC0  }
0xab: {  	_ =	task [dreg:s6], $0x5FFFF  }
0xac: {  	[dreg:$0x1] =	wrdreg $0xFFFFFFFF  }
0xad: {  	[dreg:$0x0] =	wrdreg $0x60  }
0xae: {  	[dreg:$0x2] =	wrdreg s24  }
0xaf: {  	[dreg:$0x3] =	wrdreg $0xA8000  }
0xb0: {  	[dreg:$0x4] =	wrdreg $0x9  }
0xb1: {  	_ =	task.clear_ibuf [dreg:s6], $0x5FFFF;
	_ =	strace $0x90000049  }
0xb2: {  	s29 =	simm.s32 $0x9;
	_ =	strace $0x8000004B  }
0xb3: {  	_ =	swait.ge [sflag:s29], $0x1  }
0xb4: {  	[sflag:s29] =	ssyncadd.s32 $0xFFFFFFFF  }
0xb5: {  	_ =	strace $0x9000004B  }
0xb6: {  	_ =	sfence  }
0xb7: {  	s30 =	sld [smem:$0x0];
	_ =	sdelay $0x2  }
0xb8: {  	s31 =	sshll.u32 s1, $0xD;
	s1 =	sshrl.u32 s1, $0x2  }
0xb9: {  	s3 =	sand.u32 $0x4000, s31;
	s1 =	sadd.s32 s1, s30  }
0xba: {  	s0 =	sor.u32 s3, s0;
	s1 =	sshll.u32 s1, $0x11  }
0xbb: {  	s0 =	sor.u32 s1, s0  }
0xbc: {  	s0 =	sadd.s32 $0x8F2B, s0  }
0xbd: {  	[sflag:s0] =	ssyncadd.remote.s32 $0x1  }
0xbe: {  	_ =	sfence.sel $0xFFFF  }
0xbf: {  	[dreg:$0x0] =	wrdreg $0xFFFFFFFF;
	(pc) =	sbr.abs _section_cstart, $3  }
0xc0: {  	[dreg:$0x1] =	wrdreg $0xFFFFFFFF  }
0xc1: {  	_ =	task.clear_ibuf [dreg:s6], $0x2FFFF;
	_ =	strace $0x9FFFFFFF  }
0xc2: {  	(tm) =	ssettm $0x7FFFFFFF  }
0xc3: {  	_ =	shalt  }
tec
execute0_lowered:
.L_overlay_start_1:
0x0: {  	(tag) =	ssettag $0x1  }
0x1: {  	s5 =	rddreg [dreg:$0x0]  }
0x2: {  	s2 =	rddreg [dreg:$0x1]  }
0x3: {  	s0 =	rddreg [dreg:$0x2];
	s3 =	simm.s32 $0x0;
	s1 =	stileid.u32  }
0x4: {  	s4 =	srdreg.scid;
	s16 =	simm.s32 $0x80;
	s17 =	simm.s32 $0x2800  }
0x5: {  	s18 =	simm.s32 $0x6800;
	s19 =	simm.s32 $0x1;
	s20 =	simm.s32 $0x2  }
0x6: {  	s21 =	simm.s32 $0x3;
	[smem:$0x7FF] =	sst s3;
	s6 =	smul.u32 $0x13C00, s1  }
0x7: {  	s7 =	sand.u32 $0x1, s4;
	s4 =	sadd.s32 $0x2B600, s5;
	s9 =	sadd.s32 $0x17600, s5  }
0x8: {  	s11 =	sadd.s32 $0x21600, s5;
	s22 =	sshll.u32 s1, $0x1;
	s12 =	smul.u32 $0x4F000, s1  }
0x9: {  	s30 =	sshll.u32 s1, $0x6;
	_ =	strace $0x8000004A;
	s8 =	smul.u32 $0x13C000, s7  }
0xa: {  	s23 =	ssub.s32 $0x2, s7;
	s24 =	sor.u32 s7, s22;
	s22 =	simm.s32 $0x4  }
0xb: {  	s10 =	sshrl.u32 s6, $0x3;
	s25 =	sshrl.u32 s23, $0x1;
	s28 =	smul.u32 $0x2800, s24  }
0xc: {  	s26 =	sshrl.u32 s12, $0x2;
	s29 =	smul.u32 $0x500, s24;
	s24 =	simm.s32 $0x2780  }
0xd: {  	s10 =	sadd.s32 s10, s5;
	s6 =	sadd.s32 s6, s8;
	s14 =	ssub.s32 s23, s25  }
0xe: {  	s15 =	sadd.s32 s26, s2;
	s23 =	simm.s32 $0x2700;
	s25 =	simm.s32 $0x0  }
0xf: {  	s6 =	sshrl.u32 s6, $0x3;
	s31 =	sshrl.u32 s28, $0x3;
	s7 =	sadd.s32 s9, s29  }
0x10: {  	s8 =	sadd.s32 s11, s29;
	s12 =	smax.u32 s14, $0x1;
	s14 =	simm.s32 $0x5  }
0x11: {  	s13 =	sadd.s32 s6, s5;
	s5 =	sadd.s32 $0x52E00, s10;
	s10 =	sadd.s32 $0x280, s31  }
0x12: {  	s6 =	sor.u32 $0x1C05, s30;
	s9 =	sadd.s32 s9, s10;
	s10 =	sadd.s32 s11, s10  }
0x13: {  	s11 =	sadd.s32 $0x7A600, s13;
	s13 =	sshrl.u32 s15, $0x3;
	s15 =	simm.s32 $0x1400  }
.LBB2_1:
0x14: {  	[spmem:s13], [sflag:s6] =	dma.local [hbm:s5], $0x2780  }
0x15: {  	_ =	swait.ge [sflag:s14], $0x2780  }
0x16: {  	[sflag:s14] =	ssyncset.done $0x0  }
0x17: {  	[sflag:s14] =	ssyncadd.s32 $0xFFFFD880  }
0x18: {  	[bflag:$0x0] =	sbarrier.arrive $0xFFFF  }
0x19: {  	[tilespmem:s3], [sflag:$0x5] =	stream.linear.gather [hbm4b:s7+s3], $0x1400, $0x38;
	[tilespmem:$0x1E400] =	vst v63  }
0x1a: {  	_ =	swait.ge [sflag:s14], $0x1400  }
0x1b: {  	[sflag:s14] =	ssyncset.done $0x0  }
0x1c: {  	[sflag:s14] =	ssyncadd.s32 $0xFFFFEC00  }
0x1d: {  	[tilespmem:s15], [sflag:$0x5] =	stream.linear.gather [hbm4b:s8+s3], $0x1400, $0x38;
	[tilespmem:$0x1E400] =	vst v63  }
0x1e: {  	_ =	swait.ge [sflag:s14], $0x1400  }
0x1f: {  	[sflag:s14] =	ssyncset.done $0x0  }
0x20: {  	[sflag:s14] =	ssyncadd.s32 $0xFFFFEC00  }
0x21: {  	[tilespmem:s17], [sflag:$0x1] =	stream.indirect.gather [hbm4b:s4+s16], $0x80, s3, s16, $0xb8;
	[tilespmem:$0x1E400] =	vst v63  }
0x22: {  	_ = 	snop  }
0x23: {  	[tilespmem:s18], [sflag:$0x2] =	stream.indirect.gather [hbm4b:s4+s16], $0x80, s16, s16, $0xb8;
	[tilespmem:$0x1E400] =	vst v63  }
0x24: {  	_ =	swait.ge [sflag:s19], $0x4000  }
0x25: {  	[sflag:s19] =	ssyncset.done $0x0  }
0x26: {  	s26 =	simm.s32 $0x1400;
	[sflag:s19] =	ssyncadd.s32 $0xFFFFC000  }
0x27: {  	[spmem:s2] =	stream.indirect.scatter.add.f32 [tilespmem:s17], [sflag:$0x3], $0x80, s26, s16, $0xb8;
	[tilespmem:$0x1E400] =	vst v63  }
0x28: {  	_ =	swait.ge [sflag:s20], $0x4000  }
0x29: {  	[sflag:s20] =	ssyncset.done $0x0  }
0x2a: {  	s30 =	simm.s32 $0x1480;
	[sflag:s20] =	ssyncadd.s32 $0xFFFFC000  }
0x2b: {  	[spmem:s2] =	stream.indirect.scatter.add.f32 [tilespmem:s18], [sflag:$0x4], $0x80, s30, s16, $0xb8;
	[tilespmem:$0x1E400] =	vst v63  }
0x2c: {  	_ =	swait.ge [sflag:s21], $0x4000  }
0x2d: {  	[sflag:s21] =	ssyncset.done $0x0  }
0x2e: {  	s31 =	simm.s32 $0x100;
	[sflag:s21] =	ssyncadd.s32 $0xFFFFC000  }
0x2f: {  	[tilespmem:s17], [sflag:$0x1] =	stream.indirect.gather [hbm4b:s4+s16], $0x80, s31, s16, $0xb8;
	[tilespmem:$0x1E400] =	vst v63  }
0x30: {  	_ =	swait.ge [sflag:s22], $0x4000  }
0x31: {  	[sflag:s22] =	ssyncset.done $0x0  }
0x32: {  	s28 =	simm.s32 $0x180;
	s26 =	simm.s32 $0x400;
	[sflag:s22] =	ssyncadd.s32 $0xFFFFC000  }
.LBB2_2:
0x33: {  	[tilespmem:s18], [sflag:$0x2] =	stream.indirect.gather [hbm4b:s4+s16], $0x80, s28, s16, $0xb8;
	[tilespmem:$0x1E400] =	vst v63  }
0x34: {  	s28 =	smov.u32 s26  }
0x35: {  	p0 =	sne.s32 s26, $0x4800;
	s26 =	sadd.s32 $0x400, s26;
	_ =	swait.ge [sflag:s19], $0x4000  }
0x36: {  	s28 =	sshra.s32 s28, $0x2;
	[sflag:s19] =	ssyncset.done $0x0  }
0x37: {  	s29 =	sadd.s32 $0x1400, s28;
	[sflag:s19] =	ssyncadd.s32 $0xFFFFC000  }
0x38: {  	[spmem:s2] =	stream.indirect.scatter.add.f32 [tilespmem:s17], [sflag:$0x3], $0x80, s29, s16, $0xb8;
	[tilespmem:$0x1E400] =	vst v63  }
0x39: {  	_ =	swait.ge [sflag:s20], $0x4000  }
0x3a: {  	[sflag:s20] =	ssyncset.done $0x0  }
0x3b: {  	s29 =	sadd.s32 $0x1480, s28;
	[sflag:s20] =	ssyncadd.s32 $0xFFFFC000  }
0x3c: {  	[spmem:s2] =	stream.indirect.scatter.add.f32 [tilespmem:s18], [sflag:$0x4], $0x80, s29, s16, $0xb8;
	[tilespmem:$0x1E400] =	vst v63  }
0x3d: {  	_ =	swait.ge [sflag:s21], $0x4000  }
0x3e: {  	[sflag:s21] =	ssyncset.done $0x0  }
.Ltmp0:
0x3f: {  	s29 =	sadd.s32 $0x100, s28;
	[sflag:s21] =	ssyncadd.s32 $0xFFFFC000;
	(pc) =	sbr.rel @p0 .LBB2_2-.Ltmp0, $4  }
0x40: {  	[tilespmem:s17], [sflag:$0x1] =	stream.indirect.gather [hbm4b:s4+s16], $0x80, s29, s16, $0xb8;
	[tilespmem:$0x1E400] =	vst v63  }
0x41: {  	_ =	swait.ge [sflag:s22], $0x4000  }
0x42: {  	[sflag:s22] =	ssyncset.done $0x0  }
0x43: {  	s28 =	sadd.s32 $0x180, s28;
	[sflag:s22] =	ssyncadd.s32 $0xFFFFC000  }
0x44: {  	[tilespmem:s18], [sflag:$0x2] =	stream.indirect.gather [hbm4b:s4+s16], $0x80, s28, s16, $0xb8;
	[tilespmem:$0x1E400] =	vst v63  }
0x45: {  	_ =	swait.ge [sflag:s19], $0x4000  }
0x46: {  	[sflag:s19] =	ssyncset.done $0x0  }
0x47: {  	[sflag:s19] =	ssyncadd.s32 $0xFFFFC000  }
0x48: {  	[spmem:s2] =	stream.indirect.scatter.add.f32 [tilespmem:s17], [sflag:$0x3], $0x80, s23, s16, $0xb8;
	[tilespmem:$0x1E400] =	vst v63  }
0x49: {  	_ =	swait.ge [sflag:s20], $0x4000  }
0x4a: {  	[sflag:s20] =	ssyncset.done $0x0  }
0x4b: {  	[sflag:s20] =	ssyncadd.s32 $0xFFFFC000  }
0x4c: {  	[spmem:s2] =	stream.indirect.scatter.add.f32 [tilespmem:s18], [sflag:$0x4], $0x80, s24, s16, $0xb8;
	[tilespmem:$0x1E400] =	vst v63  }
0x4d: {  	_ =	swait.ge [sflag:s21], $0x4000  }
0x4e: {  	[sflag:s21] =	ssyncset.done $0x0  }
0x4f: {  	[sflag:s21] =	ssyncadd.s32 $0xFFFFC000  }
0x50: {  	_ =	swait.ge [sflag:s22], $0x4000  }
0x51: {  	[sflag:s22] =	ssyncset.done $0x0  }
0x52: {  	s26 =	simm.s32 $0x0;
	[sflag:s22] =	ssyncadd.s32 $0xFFFFC000  }
0x53: {  	[tilespmem:s26], [sflag:$0x5] =	stream.linear.gather [hbm4b:s9+s26], $0x1400, $0x38;
	[tilespmem:$0x1E400] =	vst v63  }
0x54: {  	_ =	swait.ge [sflag:s14], $0x1400  }
0x55: {  	[sflag:s14] =	ssyncset.done $0x0  }
0x56: {  	[sflag:s14] =	ssyncadd.s32 $0xFFFFEC00  }
0x57: {  	[tilespmem:s15], [sflag:$0x5] =	stream.linear.gather [hbm4b:s10+s26], $0x1400, $0x38;
	[tilespmem:$0x1E400] =	vst v63  }
0x58: {  	_ =	swait.ge [sflag:s14], $0x1400  }
0x59: {  	[sflag:s14] =	ssyncset.done $0x0  }
0x5a: {  	[sflag:s14] =	ssyncadd.s32 $0xFFFFEC00  }
0x5b: {  	[tilespmem:s17], [sflag:$0x1] =	stream.indirect.gather [hbm4b:s4+s16], $0x80, s26, s16, $0xb8;
	[tilespmem:$0x1E400] =	vst v63  }
0x5c: {  	_ = 	snop  }
0x5d: {  	[tilespmem:s18], [sflag:$0x2] =	stream.indirect.gather [hbm4b:s4+s16], $0x80, s16, s16, $0xb8;
	[tilespmem:$0x1E400] =	vst v63  }
0x5e: {  	_ =	swait.ge [sflag:s19], $0x4000  }
0x5f: {  	[sflag:s19] =	ssyncset.done $0x0  }
0x60: {  	s29 =	simm.s32 $0x1400;
	[sflag:s19] =	ssyncadd.s32 $0xFFFFC000  }
0x61: {  	[spmem:s2] =	stream.indirect.scatter.add.f32 [tilespmem:s17], [sflag:$0x3], $0x80, s29, s16, $0xb8;
	[tilespmem:$0x1E400] =	vst v63  }
0x62: {  	_ =	swait.ge [sflag:s20], $0x4000  }
0x63: {  	[sflag:s20] =	ssyncset.done $0x0  }
0x64: {  	s30 =	simm.s32 $0x1480;
	[sflag:s20] =	ssyncadd.s32 $0xFFFFC000  }
0x65: {  	[spmem:s2] =	stream.indirect.scatter.add.f32 [tilespmem:s18], [sflag:$0x4], $0x80, s30, s16, $0xb8;
	[tilespmem:$0x1E400] =	vst v63  }
0x66: {  	_ =	swait.ge [sflag:s21], $0x4000  }
0x67: {  	[sflag:s21] =	ssyncset.done $0x0  }
0x68: {  	s31 =	simm.s32 $0x100;
	[sflag:s21] =	ssyncadd.s32 $0xFFFFC000  }
0x69: {  	[tilespmem:s17], [sflag:$0x1] =	stream.indirect.gather [hbm4b:s4+s16], $0x80, s31, s16, $0xb8;
	[tilespmem:$0x1E400] =	vst v63  }
0x6a: {  	_ =	swait.ge [sflag:s22], $0x4000  }
0x6b: {  	[sflag:s22] =	ssyncset.done $0x0  }
0x6c: {  	s28 =	simm.s32 $0x180;
	s26 =	simm.s32 $0x400;
	[sflag:s22] =	ssyncadd.s32 $0xFFFFC000  }
.LBB2_4:
0x6d: {  	[tilespmem:s18], [sflag:$0x2] =	stream.indirect.gather [hbm4b:s4+s16], $0x80, s28, s16, $0xb8;
	[tilespmem:$0x1E400] =	vst v63  }
0x6e: {  	s28 =	smov.u32 s26  }
0x6f: {  	p0 =	sne.s32 s26, $0x4800;
	s26 =	sadd.s32 $0x400, s26;
	_ =	swait.ge [sflag:s19], $0x4000  }
0x70: {  	s28 =	sshra.s32 s28, $0x2;
	[sflag:s19] =	ssyncset.done $0x0  }
0x71: {  	s29 =	sadd.s32 $0x1400, s28;
	[sflag:s19] =	ssyncadd.s32 $0xFFFFC000  }
0x72: {  	[spmem:s2] =	stream.indirect.scatter.add.f32 [tilespmem:s17], [sflag:$0x3], $0x80, s29, s16, $0xb8;
	[tilespmem:$0x1E400] =	vst v63  }
0x73: {  	_ =	swait.ge [sflag:s20], $0x4000  }
0x74: {  	[sflag:s20] =	ssyncset.done $0x0  }
0x75: {  	s29 =	sadd.s32 $0x1480, s28;
	[sflag:s20] =	ssyncadd.s32 $0xFFFFC000  }
0x76: {  	[spmem:s2] =	stream.indirect.scatter.add.f32 [tilespmem:s18], [sflag:$0x4], $0x80, s29, s16, $0xb8;
	[tilespmem:$0x1E400] =	vst v63  }
0x77: {  	_ =	swait.ge [sflag:s21], $0x4000  }
0x78: {  	[sflag:s21] =	ssyncset.done $0x0  }
.Ltmp1:
0x79: {  	s29 =	sadd.s32 $0x100, s28;
	[sflag:s21] =	ssyncadd.s32 $0xFFFFC000;
	(pc) =	sbr.rel @p0 .LBB2_4-.Ltmp1, $4  }
0x7a: {  	[tilespmem:s17], [sflag:$0x1] =	stream.indirect.gather [hbm4b:s4+s16], $0x80, s29, s16, $0xb8;
	[tilespmem:$0x1E400] =	vst v63  }
0x7b: {  	_ =	swait.ge [sflag:s22], $0x4000  }
0x7c: {  	[sflag:s22] =	ssyncset.done $0x0  }
0x7d: {  	s28 =	sadd.s32 $0x180, s28;
	[sflag:s22] =	ssyncadd.s32 $0xFFFFC000  }
0x7e: {  	[tilespmem:s18], [sflag:$0x2] =	stream.indirect.gather [hbm4b:s4+s16], $0x80, s28, s16, $0xb8;
	[tilespmem:$0x1E400] =	vst v63  }
0x7f: {  	_ =	swait.ge [sflag:s19], $0x4000  }
0x80: {  	[sflag:s19] =	ssyncset.done $0x0  }
0x81: {  	[sflag:s19] =	ssyncadd.s32 $0xFFFFC000  }
0x82: {  	[spmem:s2] =	stream.indirect.scatter.add.f32 [tilespmem:s17], [sflag:$0x3], $0x80, s23, s16, $0xb8;
	[tilespmem:$0x1E400] =	vst v63  }
0x83: {  	_ =	swait.ge [sflag:s20], $0x4000  }
0x84: {  	[sflag:s20] =	ssyncset.done $0x0  }
0x85: {  	[sflag:s20] =	ssyncadd.s32 $0xFFFFC000  }
0x86: {  	[spmem:s2] =	stream.indirect.scatter.add.f32 [tilespmem:s18], [sflag:$0x4], $0x80, s24, s16, $0xb8;
	[tilespmem:$0x1E400] =	vst v63  }
0x87: {  	_ =	swait.ge [sflag:s21], $0x4000  }
0x88: {  	[sflag:s21] =	ssyncset.done $0x0  }
0x89: {  	[sflag:s21] =	ssyncadd.s32 $0xFFFFC000  }
0x8a: {  	_ =	swait.ge [sflag:s22], $0x4000  }
0x8b: {  	s25 =	sadd.s32 $0x1, s25;
	[sflag:s22] =	ssyncset.done $0x0  }
0x8c: {  	p0 =	sne.s32 s25, s12;
	[sflag:s22] =	ssyncadd.s32 $0xFFFFC000  }
.Ltmp2:
0x8d: {  	[bflag:$0x0] =	sbarrier.arrive $0xFFFF;
	(pc) =	sbr.rel @p0 .LBB2_1-.Ltmp2, $4  }
0x8e: {  	[hbm:s11], [sflag:s6] =	dma.local [spmem:s13], $0x2780  }
0x8f: {  	_ =	swait.ge [sflag:s14], $0x2780  }
0x90: {  	[sflag:s14] =	ssyncset.done $0x0  }
0x91: {  	[sflag:s14] =	ssyncadd.s32 $0xFFFFD880  }
0x92: {  	_ =	sfence.sel $0x180000  }
0x93: {  	[bflag:$0x0] =	sbarrier.arrive $0xFFFF  }
0x94: {  	p0 =	sne.s32 s1, $0x0;
	_ =	strace $0x9000004A  }
0x95: {  	s0 =	sadd.s32 @!p0 $0x100000, s0;
	[bflag:$0x2] =	sbarrier.arrive $0xFFFF  }
0x96: {  	[sflag:s0] =	ssyncadd.tile.s32 @!p0 $0x1;
	_ =	shalt  }
.Lfunc_end2:
_tile_overlayer_lowered:
.L_overlay_start_2:
0x97: {  	(tag) =	ssettag $0x2  }
0x98: {  	s0 =	rddreg [dreg:$0x0];
	s2 =	stileid.u32  }
0x99: {  	s1 =	rddreg [dreg:$0x1];
	p0 =	sne.s32 s2, $0x0  }
0x9a: {  	s3 =	rddreg [dreg:$0x2];
	[bflag:$0x3] =	sbarrier.arrive $0xFFFF;
	s2 =	simm.s32 @!p0 $0x1C05  }
0x9b: {  	[timem:s3], [sflag:s2] =	dma.local @!p0 [hbm:s0], s1  }
0x9c: {  	s0 =	simm.s32 @!p0 $0x5  }
0x9d: {  	_ =	swait.ge @!p0 [sflag:s0], s1  }
0x9e: {  	s1 =	ssub.s32 @!p0 $0x0, s1;
	[sflag:s0] =	ssyncset.done @!p0 $0x0  }
0x9f: {  	[sflag:s0] =	ssyncadd.s32 @!p0 s1  }
0xa0: {  	[bflag:$0x3] =	sbarrier.arrive $0xFFFF  }
0xa1: {  	_ =	shalt  }

// kernel: kernel.16.cloned.1.call-start
scs
__scs_entry_jumppad:
0x0: {  	(pc) =	sbr.rel $0x88, $3  }
0x1: {  	(tag) =	ssettag $0x0;
	lr =	simm.s32 $0x1  }
0x2: {  	[smem:$0x3F98] =	sst lr;
	_ =	strace $0xD0000000  }
0x3: {  	_ = 	snop  }
0x4: {  	_ = 	snop  }
0x5: {  	_ = 	snop  }
0x6: {  	_ = 	snop  }
0x7: {  	_ = 	snop  }
__scs_overlays_trampoline_lowered:
0x8: {  	[smem:$0x3FA7] =	sst s0  }
0x9: {  	[smem:$0x3FA8] =	sst s1  }
0xa: {  	[smem:$0x3FA9] =	sst s2  }
0xb: {  	[smem:$0x3FAA] =	sst s3  }
0xc: {  	[smem:$0x3FAB] =	sst s4  }
0xd: {  	[smem:$0x3FAC] =	sst s5  }
0xe: {  	[smem:$0x3FAD] =	sst s6  }
0xf: {  	[smem:$0x3FAE] =	sst s7  }
0x10: {  	[smem:$0x3FAF] =	sst s8  }
0x11: {  	[smem:$0x3FB0] =	sst s9;
	s0 =	simm.s32 @!p0 $0x0  }
0x12: {  	s1 =	sld [smem:$0x3F96];
	s0 =	simm.s32 @p0 $0x1  }
0x13: {  	[smem:$0x3FB1] =	sst s0;
	s0 =	simm.s32 @!p1 $0x0  }
0x14: {  	s2 =	sld [smem:$0x3F95];
	s0 =	simm.s32 @p1 $0x1  }
0x15: {  	[smem:$0x3FB2] =	sst s0;
	s0 =	simm.s32 @!p2 $0x0  }
0x16: {  	s3 =	sld [smem:$0x3FDB];
	s0 =	simm.s32 @p2 $0x1  }
0x17: {  	s4 =	simm.s32 $0x1BF5;
	[smem:$0x3FB4] =	sst s0  }
0x18: {  	s0 =	sld [smem:$0x3F97];
	_ =	swait.ge [sflag:s4], $0x0  }
0x19: {  	s7 =	sld [smem:$0x3F98]  }
0x1a: {  	s8 =	sadd.s32 $0xFFFFE003, lr  }
0x1b: {  	s9 =	sadd.s32 $0xFFFFFEF7, lr;
	s5 =	simm.s32 $0xFFFFFFFF;
	p2 =	slt.u32 s8, $0xFFFFF086  }
0x1c: {  	p1 =	slt.u32 s9, $0xF7A;
	s5 =	simm.s32 @!p2 $0x0  }
0x1d: {  	s5 =	simm.s32 @p1 $0x1;
	p0 =	seq.s32 s7, s2  }
0x1e: {  	s7 =	smul.u32 @!p0 $0xF7A, s2;
	p2 =	seq.s32 @!p0 s5, $0x0  }
0x1f: {  	s9 =	smul.u32 $0xF7A, s1;
	s8 =	simm.s32 @!p0 $0x1BF5;
	p2 =	por !p2, p0  }
0x20: {  	[sflag:s8] =	ssyncset.s32 @!p0 $0xFFFFF086;
	s6 =	sadd.s32 @!p0 s3, s7;
	s7 =	simm.s32 @!p0 $0x108  }
0x21: {  	s3 =	sadd.s32 s3, s9;
	s6 =	sadd.s32 @!p0 $0x88, s6;
	s7 =	simm.s32 @p2 $0x1082  }
0x22: {  	[simem:s7], [sflag:s8] =	dma.local @!p0 [hbm:s6], $0xF7A  }
0x23: {  	s9 =	sor.u32 $0xD0000000, s2;
	s6 =	simm.s32 $0x108;
	_ =	swait.ge @!p0 [sflag:s8], $0x0  }
0x24: {  	s3 =	sadd.s32 $0x88, s3;
	s6 =	simm.s32 @!p1 $0x1082;
	[sflag:s4] =	ssyncset.s32 $0xFFFFF086  }
0x25: {  	[simem:s6], [sflag:s4] =	dma.local [hbm:s3], $0xF7A  }
0x26: {  	[smem:$0x3F98] =	sst s1;
	(tag) =	ssettag s2;
	_ =	strace s9  }
0x27: {  	s1 =	sld [smem:$0x3FA8]  }
0x28: {  	s2 =	sld [smem:$0x3FA9]  }
0x29: {  	s4 =	sld [smem:$0x3FAB]  }
0x2a: {  	p0 =	seq.s32 s5, $0x0;
	s5 =	sld [smem:$0x3FAC]  }
0x2b: {  	s6 =	sld [smem:$0x3FAD]  }
0x2c: {  	s7 =	sld [smem:$0x3FAE]  }
0x2d: {  	s3 =	simm.s32 $0x108;
	s8 =	sld [smem:$0x3FAF]  }
0x2e: {  	s3 =	simm.s32 @!p0 $0x1082;
	s9 =	sld [smem:$0x3FB0]  }
0x2f: {  	lr =	sadd.s32 s0, s3;
	s0 =	sld [smem:$0x3FA7]  }
0x30: {  	s3 =	sld [smem:$0x3FAA]  }
0x31: {  	[smem:$0x3FB3] =	sst s10  }
0x32: {  	s10 =	sld [smem:$0x3FB1];
	_ =	sdelay $0x3  }
0x33: {  	p0 =	seq.s32 s10, $0x1;
	s10 =	sld [smem:$0x3FB3];
	_ =	sdelay $0x3  }
0x34: {  	[smem:$0x3FB3] =	sst s10  }
0x35: {  	s10 =	sld [smem:$0x3FB2];
	_ =	sdelay $0x3  }
0x36: {  	p1 =	seq.s32 s10, $0x1;
	s10 =	sld [smem:$0x3FB3];
	_ =	sdelay $0x3  }
0x37: {  	[smem:$0x3FB3] =	sst s10  }
0x38: {  	s10 =	sld [smem:$0x3FB4]  }
0x39: {  	_ = 	snop;
	(pc) =	sbr.ind lr, $3  }
0x3a: {  	_ = 	snop  }
0x3b: {  	_ = 	snop  }
0x3c: {  	p2 =	seq.s32 s10, $0x1;
	s10 =	sld [smem:$0x3FB3]  }
0x3d: {  	_ =	shalt  }
0x3e: {  	_ =	shalt  }
0x3f: {  	_ =	shalt  }
0x40: {  	_ =	shalt  }
0x41: {  	_ =	shalt  }
0x42: {  	_ =	shalt  }
0x43: {  	_ =	shalt  }
0x44: {  	_ =	shalt  }
0x45: {  	_ =	shalt  }
0x46: {  	_ =	shalt  }
0x47: {  	_ =	shalt  }
0x48: {  	_ =	shalt  }
0x49: {  	_ =	shalt  }
0x4a: {  	_ =	shalt  }
0x4b: {  	_ =	shalt  }
0x4c: {  	_ =	shalt  }
0x4d: {  	_ =	shalt  }
0x4e: {  	_ =	shalt  }
0x4f: {  	_ =	shalt  }
0x50: {  	_ =	shalt  }
0x51: {  	_ =	shalt  }
0x52: {  	_ =	shalt  }
0x53: {  	_ =	shalt  }
0x54: {  	_ =	shalt  }
0x55: {  	_ =	shalt  }
0x56: {  	_ =	shalt  }
0x57: {  	_ =	shalt  }
0x58: {  	_ =	shalt  }
0x59: {  	_ =	shalt  }
0x5a: {  	_ =	shalt  }
0x5b: {  	_ =	shalt  }
0x5c: {  	_ =	shalt  }
0x5d: {  	_ =	shalt  }
0x5e: {  	_ =	shalt  }
0x5f: {  	_ =	shalt  }
0x60: {  	_ =	shalt  }
0x61: {  	_ =	shalt  }
0x62: {  	_ =	shalt  }
0x63: {  	_ =	shalt  }
0x64: {  	_ =	shalt  }
0x65: {  	_ =	shalt  }
0x66: {  	_ =	shalt  }
0x67: {  	_ =	shalt  }
0x68: {  	_ =	shalt  }
0x69: {  	_ =	shalt  }
0x6a: {  	_ =	shalt  }
0x6b: {  	_ =	shalt  }
0x6c: {  	_ =	shalt  }
0x6d: {  	_ =	shalt  }
0x6e: {  	_ =	shalt  }
0x6f: {  	_ =	shalt  }
0x70: {  	_ =	shalt  }
0x71: {  	_ =	shalt  }
0x72: {  	_ =	shalt  }
0x73: {  	_ =	shalt  }
0x74: {  	_ =	shalt  }
0x75: {  	_ =	shalt  }
0x76: {  	_ =	shalt  }
0x77: {  	_ =	shalt  }
0x78: {  	_ =	shalt  }
0x79: {  	_ =	shalt  }
0x7a: {  	_ =	shalt  }
0x7b: {  	_ =	shalt  }
0x7c: {  	_ =	shalt  }
0x7d: {  	_ =	shalt  }
0x7e: {  	_ =	shalt  }
0x7f: {  	_ =	shalt  }
0x80: {  	_ =	shalt  }
0x81: {  	_ =	shalt  }
0x82: {  	_ =	shalt  }
0x83: {  	_ =	shalt  }
0x84: {  	_ =	shalt  }
0x85: {  	_ =	shalt  }
0x86: {  	_ =	shalt  }
0x87: {  	_ =	shalt  }
.Lfunc_end0:
.L_simem_size_0:
called_computation.2_lowered:
.L_overlay_start_0:
0x88: {  	s2 =	sld [smem:$0x3FD9]  }
0x89: {  	s3 =	sld [smem:$0x3FFE];
	_ =	sdelay $0x1  }
0x8a: {  	s1 =	srdreg.scid  }
0x8b: {  	s0 =	sand.u32 $0x1, s1  }
0x8c: {  	s16 =	sshll.u32 s0, $0xA;
	s2 =	sadd.s32 s3, s2  }
0x8d: {  	s2 =	sadd.s32 s2, s16  }
0x8e: {  	[smem:$0x3FBF] =	sst s2  }
0x8f: {  	_ = 	snop  }
0x90: {  	(tm) =	ssettm $0x1  }
0x91: {  	s17 =	sld [smem:$0x3FFB];
	_ =	sdelay $0x3  }
0x92: {  	_ =	strace s17  }
0x93: {  	s2 =	sld [smem:$0x3FFC];
	_ =	sdelay $0x3  }
0x94: {  	_ =	strace s2  }
0x95: {  	s2 =	sld [smem:$0x3FFD];
	_ =	sdelay $0x3  }
0x96: {  	_ =	strace s2  }
0x97: {  	_ =	strace $0x8FFFFFFF  }
0x98: {  	s18 =	sld [smem:$0x3FDB];
	_ =	sdelay $0x1  }
0x99: {  	s19 =	simm.s32 $_scs_section_size  }
0x9a: {  	s4 =	simm.s32 $_size__tile_overlayer_lowered;
	s5 =	simm.s32 $_tile_overlayer_lowered  }
0x9b: {  	s22 =	simm.s32 $0x1BFF;
	s21 =	sshll.u32 s5, $0x1;
	s2 =	sadd.s32 s19, s18  }
0x9c: {  	s6 =	simm.s32 $0x0;
	s20 =	sshll.u32 s4, $0x1;
	s4 =	sadd.s32 s21, s2  }
0x9d: {  	[timem:s6], [sflag:s22] =	dma.local [hbm:s4], s20  }
0x9e: {  	_ =	swait.ge [sflag:s22], s20  }
0x9f: {  	s3 =	ssub.s32 $0x0, s20;
	[sflag:s22] =	ssyncset.done $0x0  }
0xa0: {  	[sflag:s22] =	ssyncadd.s32 s3;
	_ =	sdelay $0x1  }
0xa1: {  	s23 =	simm.s32 $0x1B8B  }
0xa2: {  	_ =	swait.ge [sflag:s23], $0x1  }
0xa3: {  	[sflag:s23] =	ssyncset.done $0x0  }
0xa4: {  	s25 =	simm.s32 $0x1B8E;
	s24 =	sld [smem:$0x3FFE];
	[sflag:s23] =	ssyncadd.s32 $0xFFFFFFFF  }
0xa5: {  	s26 =	simm.s32 $execute0_lowered;
	[smem:$0x3FD2] =	sst s25  }
0xa6: {  	s4 =	sshll.u32 s26, $0x1;
	_ =	strace $0x8000004C;
	[dreg:$0x1] =	wrdreg $0xFFFFFFFF  }
0xa7: {  	s28 =	simm.s32 $_size_execute0_lowered;
	s2 =	sadd.s32 s2, s4;
	[dreg:$0x0] =	wrdreg $0x0  }
0xa8: {  	s4 =	sshll.u32 s28, $0x1;
	[dreg:$0x2] =	wrdreg s2  }
0xa9: {  	[dreg:$0x3] =	wrdreg s4  }
0xaa: {  	[dreg:$0x4] =	wrdreg $0xC0  }
0xab: {  	_ =	task [dreg:s6], $0x5FFFF  }
0xac: {  	[dreg:$0x1] =	wrdreg $0xFFFFFFFF  }
0xad: {  	[dreg:$0x0] =	wrdreg $0x60  }
0xae: {  	[dreg:$0x2] =	wrdreg s24  }
0xaf: {  	[dreg:$0x3] =	wrdreg $0xA8000  }
0xb0: {  	[dreg:$0x4] =	wrdreg $0x9  }
0xb1: {  	_ =	task.clear_ibuf [dreg:s6], $0x5FFFF;
	_ =	strace $0x9000004C  }
0xb2: {  	s29 =	simm.s32 $0x9;
	_ =	strace $0x8000004E  }
0xb3: {  	_ =	swait.ge [sflag:s29], $0x1  }
0xb4: {  	[sflag:s29] =	ssyncadd.s32 $0xFFFFFFFF  }
0xb5: {  	_ =	strace $0x9000004E  }
0xb6: {  	_ =	sfence  }
0xb7: {  	s30 =	sld [smem:$0x0];
	_ =	sdelay $0x2  }
0xb8: {  	s31 =	sshll.u32 s1, $0xD;
	s1 =	sshrl.u32 s1, $0x2  }
0xb9: {  	s3 =	sand.u32 $0x4000, s31;
	s1 =	sadd.s32 s1, s30  }
0xba: {  	s0 =	sor.u32 s3, s0;
	s1 =	sshll.u32 s1, $0x11  }
0xbb: {  	s0 =	sor.u32 s1, s0  }
0xbc: {  	s0 =	sadd.s32 $0x8F2B, s0  }
0xbd: {  	[sflag:s0] =	ssyncadd.remote.s32 $0x1  }
0xbe: {  	_ =	sfence.sel $0xFFFF  }
0xbf: {  	[dreg:$0x0] =	wrdreg $0xFFFFFFFF;
	(pc) =	sbr.abs _section_cstart, $3  }
0xc0: {  	[dreg:$0x1] =	wrdreg $0xFFFFFFFF  }
0xc1: {  	_ =	task.clear_ibuf [dreg:s6], $0x2FFFF;
	_ =	strace $0x9FFFFFFF  }
0xc2: {  	(tm) =	ssettm $0x7FFFFFFF  }
0xc3: {  	_ =	shalt  }
tec
execute0_lowered:
.L_overlay_start_1:
0x0: {  	(tag) =	ssettag $0x1  }
0x1: {  	s5 =	rddreg [dreg:$0x0]  }
0x2: {  	s2 =	rddreg [dreg:$0x1]  }
0x3: {  	s0 =	rddreg [dreg:$0x2];
	s3 =	simm.s32 $0x0;
	s1 =	stileid.u32  }
0x4: {  	s4 =	srdreg.scid;
	s16 =	simm.s32 $0x80;
	s17 =	simm.s32 $0x2800  }
0x5: {  	s18 =	simm.s32 $0x6800;
	s19 =	simm.s32 $0x1;
	s20 =	simm.s32 $0x2  }
0x6: {  	s21 =	simm.s32 $0x3;
	[smem:$0x7FF] =	sst s3;
	s6 =	smul.u32 $0x13C00, s1  }
0x7: {  	s7 =	sand.u32 $0x1, s4;
	s4 =	sadd.s32 $0x2B600, s5;
	s9 =	sadd.s32 $0x17600, s5  }
0x8: {  	s11 =	sadd.s32 $0x21600, s5;
	s22 =	sshll.u32 s1, $0x1;
	s12 =	smul.u32 $0x4F000, s1  }
0x9: {  	s30 =	sshll.u32 s1, $0x6;
	_ =	strace $0x8000004D;
	s8 =	smul.u32 $0x13C000, s7  }
0xa: {  	s23 =	ssub.s32 $0x2, s7;
	s24 =	sor.u32 s7, s22;
	s22 =	simm.s32 $0x4  }
0xb: {  	s10 =	sshrl.u32 s6, $0x3;
	s25 =	sshrl.u32 s23, $0x1;
	s28 =	smul.u32 $0x2800, s24  }
0xc: {  	s26 =	sshrl.u32 s12, $0x2;
	s29 =	smul.u32 $0x500, s24;
	s24 =	simm.s32 $0x2780  }
0xd: {  	s10 =	sadd.s32 s10, s5;
	s6 =	sadd.s32 s6, s8;
	s14 =	ssub.s32 s23, s25  }
0xe: {  	s15 =	sadd.s32 s26, s2;
	s23 =	simm.s32 $0x2700;
	s25 =	simm.s32 $0x0  }
0xf: {  	s6 =	sshrl.u32 s6, $0x3;
	s31 =	sshrl.u32 s28, $0x3;
	s7 =	sadd.s32 s9, s29  }
0x10: {  	s8 =	sadd.s32 s11, s29;
	s12 =	smax.u32 s14, $0x1;
	s14 =	simm.s32 $0x5  }
0x11: {  	s13 =	sadd.s32 s6, s5;
	s5 =	sadd.s32 $0x52E00, s10;
	s10 =	sadd.s32 $0x280, s31  }
0x12: {  	s6 =	sor.u32 $0x1C05, s30;
	s9 =	sadd.s32 s9, s10;
	s10 =	sadd.s32 s11, s10  }
0x13: {  	s11 =	sadd.s32 $0x7A600, s13;
	s13 =	sshrl.u32 s15, $0x3;
	s15 =	simm.s32 $0x1400  }
.LBB2_1:
0x14: {  	[spmem:s13], [sflag:s6] =	dma.local [hbm:s5], $0x2780  }
0x15: {  	_ =	swait.ge [sflag:s14], $0x2780  }
0x16: {  	[sflag:s14] =	ssyncset.done $0x0  }
0x17: {  	[sflag:s14] =	ssyncadd.s32 $0xFFFFD880  }
0x18: {  	[bflag:$0x0] =	sbarrier.arrive $0xFFFF  }
0x19: {  	[tilespmem:s3], [sflag:$0x5] =	stream.linear.gather [hbm4b:s7+s3], $0x1400, $0x38;
	[tilespmem:$0x1E400] =	vst v63  }
0x1a: {  	_ =	swait.ge [sflag:s14], $0x1400  }
0x1b: {  	[sflag:s14] =	ssyncset.done $0x0  }
0x1c: {  	[sflag:s14] =	ssyncadd.s32 $0xFFFFEC00  }
0x1d: {  	[tilespmem:s15], [sflag:$0x5] =	stream.linear.gather [hbm4b:s8+s3], $0x1400, $0x38;
	[tilespmem:$0x1E400] =	vst v63  }
0x1e: {  	_ =	swait.ge [sflag:s14], $0x1400  }
0x1f: {  	[sflag:s14] =	ssyncset.done $0x0  }
0x20: {  	[sflag:s14] =	ssyncadd.s32 $0xFFFFEC00  }
0x21: {  	[tilespmem:s17], [sflag:$0x1] =	stream.indirect.gather [hbm4b:s4+s16], $0x80, s3, s16, $0xb8;
	[tilespmem:$0x1E400] =	vst v63  }
0x22: {  	_ = 	snop  }
0x23: {  	[tilespmem:s18], [sflag:$0x2] =	stream.indirect.gather [hbm4b:s4+s16], $0x80, s16, s16, $0xb8;
	[tilespmem:$0x1E400] =	vst v63  }
0x24: {  	_ =	swait.ge [sflag:s19], $0x4000  }
0x25: {  	[sflag:s19] =	ssyncset.done $0x0  }
0x26: {  	s26 =	simm.s32 $0x1400;
	[sflag:s19] =	ssyncadd.s32 $0xFFFFC000  }
0x27: {  	[spmem:s2] =	stream.indirect.scatter.add.f32 [tilespmem:s17], [sflag:$0x3], $0x80, s26, s16, $0xb8;
	[tilespmem:$0x1E400] =	vst v63  }
0x28: {  	_ =	swait.ge [sflag:s20], $0x4000  }
0x29: {  	[sflag:s20] =	ssyncset.done $0x0  }
0x2a: {  	s30 =	simm.s32 $0x1480;
	[sflag:s20] =	ssyncadd.s32 $0xFFFFC000  }
0x2b: {  	[spmem:s2] =	stream.indirect.scatter.add.f32 [tilespmem:s18], [sflag:$0x4], $0x80, s30, s16, $0xb8;
	[tilespmem:$0x1E400] =	vst v63  }
0x2c: {  	_ =	swait.ge [sflag:s21], $0x4000  }
0x2d: {  	[sflag:s21] =	ssyncset.done $0x0  }
0x2e: {  	s31 =	simm.s32 $0x100;
	[sflag:s21] =	ssyncadd.s32 $0xFFFFC000  }
0x2f: {  	[tilespmem:s17], [sflag:$0x1] =	stream.indirect.gather [hbm4b:s4+s16], $0x80, s31, s16, $0xb8;
	[tilespmem:$0x1E400] =	vst v63  }
0x30: {  	_ =	swait.ge [sflag:s22], $0x4000  }
0x31: {  	[sflag:s22] =	ssyncset.done $0x0  }
0x32: {  	s28 =	simm.s32 $0x180;
	s26 =	simm.s32 $0x400;
	[sflag:s22] =	ssyncadd.s32 $0xFFFFC000  }
.LBB2_2:
0x33: {  	[tilespmem:s18], [sflag:$0x2] =	stream.indirect.gather [hbm4b:s4+s16], $0x80, s28, s16, $0xb8;
	[tilespmem:$0x1E400] =	vst v63  }
0x34: {  	s28 =	smov.u32 s26  }
0x35: {  	p0 =	sne.s32 s26, $0x4800;
	s26 =	sadd.s32 $0x400, s26;
	_ =	swait.ge [sflag:s19], $0x4000  }
0x36: {  	s28 =	sshra.s32 s28, $0x2;
	[sflag:s19] =	ssyncset.done $0x0  }
0x37: {  	s29 =	sadd.s32 $0x1400, s28;
	[sflag:s19] =	ssyncadd.s32 $0xFFFFC000  }
0x38: {  	[spmem:s2] =	stream.indirect.scatter.add.f32 [tilespmem:s17], [sflag:$0x3], $0x80, s29, s16, $0xb8;
	[tilespmem:$0x1E400] =	vst v63  }
0x39: {  	_ =	swait.ge [sflag:s20], $0x4000  }
0x3a: {  	[sflag:s20] =	ssyncset.done $0x0  }
0x3b: {  	s29 =	sadd.s32 $0x1480, s28;
	[sflag:s20] =	ssyncadd.s32 $0xFFFFC000  }
0x3c: {  	[spmem:s2] =	stream.indirect.scatter.add.f32 [tilespmem:s18], [sflag:$0x4], $0x80, s29, s16, $0xb8;
	[tilespmem:$0x1E400] =	vst v63  }
0x3d: {  	_ =	swait.ge [sflag:s21], $0x4000  }
0x3e: {  	[sflag:s21] =	ssyncset.done $0x0  }
.Ltmp0:
0x3f: {  	s29 =	sadd.s32 $0x100, s28;
	[sflag:s21] =	ssyncadd.s32 $0xFFFFC000;
	(pc) =	sbr.rel @p0 .LBB2_2-.Ltmp0, $4  }
0x40: {  	[tilespmem:s17], [sflag:$0x1] =	stream.indirect.gather [hbm4b:s4+s16], $0x80, s29, s16, $0xb8;
	[tilespmem:$0x1E400] =	vst v63  }
0x41: {  	_ =	swait.ge [sflag:s22], $0x4000  }
0x42: {  	[sflag:s22] =	ssyncset.done $0x0  }
0x43: {  	s28 =	sadd.s32 $0x180, s28;
	[sflag:s22] =	ssyncadd.s32 $0xFFFFC000  }
0x44: {  	[tilespmem:s18], [sflag:$0x2] =	stream.indirect.gather [hbm4b:s4+s16], $0x80, s28, s16, $0xb8;
	[tilespmem:$0x1E400] =	vst v63  }
0x45: {  	_ =	swait.ge [sflag:s19], $0x4000  }
0x46: {  	[sflag:s19] =	ssyncset.done $0x0  }
0x47: {  	[sflag:s19] =	ssyncadd.s32 $0xFFFFC000  }
0x48: {  	[spmem:s2] =	stream.indirect.scatter.add.f32 [tilespmem:s17], [sflag:$0x3], $0x80, s23, s16, $0xb8;
	[tilespmem:$0x1E400] =	vst v63  }
0x49: {  	_ =	swait.ge [sflag:s20], $0x4000  }
0x4a: {  	[sflag:s20] =	ssyncset.done $0x0  }
0x4b: {  	[sflag:s20] =	ssyncadd.s32 $0xFFFFC000  }
0x4c: {  	[spmem:s2] =	stream.indirect.scatter.add.f32 [tilespmem:s18], [sflag:$0x4], $0x80, s24, s16, $0xb8;
	[tilespmem:$0x1E400] =	vst v63  }
0x4d: {  	_ =	swait.ge [sflag:s21], $0x4000  }
0x4e: {  	[sflag:s21] =	ssyncset.done $0x0  }
0x4f: {  	[sflag:s21] =	ssyncadd.s32 $0xFFFFC000  }
0x50: {  	_ =	swait.ge [sflag:s22], $0x4000  }
0x51: {  	[sflag:s22] =	ssyncset.done $0x0  }
0x52: {  	s26 =	simm.s32 $0x0;
	[sflag:s22] =	ssyncadd.s32 $0xFFFFC000  }
0x53: {  	[tilespmem:s26], [sflag:$0x5] =	stream.linear.gather [hbm4b:s9+s26], $0x1400, $0x38;
	[tilespmem:$0x1E400] =	vst v63  }
0x54: {  	_ =	swait.ge [sflag:s14], $0x1400  }
0x55: {  	[sflag:s14] =	ssyncset.done $0x0  }
0x56: {  	[sflag:s14] =	ssyncadd.s32 $0xFFFFEC00  }
0x57: {  	[tilespmem:s15], [sflag:$0x5] =	stream.linear.gather [hbm4b:s10+s26], $0x1400, $0x38;
	[tilespmem:$0x1E400] =	vst v63  }
0x58: {  	_ =	swait.ge [sflag:s14], $0x1400  }
0x59: {  	[sflag:s14] =	ssyncset.done $0x0  }
0x5a: {  	[sflag:s14] =	ssyncadd.s32 $0xFFFFEC00  }
0x5b: {  	[tilespmem:s17], [sflag:$0x1] =	stream.indirect.gather [hbm4b:s4+s16], $0x80, s26, s16, $0xb8;
	[tilespmem:$0x1E400] =	vst v63  }
0x5c: {  	_ = 	snop  }
0x5d: {  	[tilespmem:s18], [sflag:$0x2] =	stream.indirect.gather [hbm4b:s4+s16], $0x80, s16, s16, $0xb8;
	[tilespmem:$0x1E400] =	vst v63  }
0x5e: {  	_ =	swait.ge [sflag:s19], $0x4000  }
0x5f: {  	[sflag:s19] =	ssyncset.done $0x0  }
0x60: {  	s29 =	simm.s32 $0x1400;
	[sflag:s19] =	ssyncadd.s32 $0xFFFFC000  }
0x61: {  	[spmem:s2] =	stream.indirect.scatter.add.f32 [tilespmem:s17], [sflag:$0x3], $0x80, s29, s16, $0xb8;
	[tilespmem:$0x1E400] =	vst v63  }
0x62: {  	_ =	swait.ge [sflag:s20], $0x4000  }
0x63: {  	[sflag:s20] =	ssyncset.done $0x0  }
0x64: {  	s30 =	simm.s32 $0x1480;
	[sflag:s20] =	ssyncadd.s32 $0xFFFFC000  }
0x65: {  	[spmem:s2] =	stream.indirect.scatter.add.f32 [tilespmem:s18], [sflag:$0x4], $0x80, s30, s16, $0xb8;
	[tilespmem:$0x1E400] =	vst v63  }
0x66: {  	_ =	swait.ge [sflag:s21], $0x4000  }
0x67: {  	[sflag:s21] =	ssyncset.done $0x0  }
0x68: {  	s31 =	simm.s32 $0x100;
	[sflag:s21] =	ssyncadd.s32 $0xFFFFC000  }
0x69: {  	[tilespmem:s17], [sflag:$0x1] =	stream.indirect.gather [hbm4b:s4+s16], $0x80, s31, s16, $0xb8;
	[tilespmem:$0x1E400] =	vst v63  }
0x6a: {  	_ =	swait.ge [sflag:s22], $0x4000  }
0x6b: {  	[sflag:s22] =	ssyncset.done $0x0  }
0x6c: {  	s28 =	simm.s32 $0x180;
	s26 =	simm.s32 $0x400;
	[sflag:s22] =	ssyncadd.s32 $0xFFFFC000  }
.LBB2_4:
0x6d: {  	[tilespmem:s18], [sflag:$0x2] =	stream.indirect.gather [hbm4b:s4+s16], $0x80, s28, s16, $0xb8;
	[tilespmem:$0x1E400] =	vst v63  }
0x6e: {  	s28 =	smov.u32 s26  }
0x6f: {  	p0 =	sne.s32 s26, $0x4800;
	s26 =	sadd.s32 $0x400, s26;
	_ =	swait.ge [sflag:s19], $0x4000  }
0x70: {  	s28 =	sshra.s32 s28, $0x2;
	[sflag:s19] =	ssyncset.done $0x0  }
0x71: {  	s29 =	sadd.s32 $0x1400, s28;
	[sflag:s19] =	ssyncadd.s32 $0xFFFFC000  }
0x72: {  	[spmem:s2] =	stream.indirect.scatter.add.f32 [tilespmem:s17], [sflag:$0x3], $0x80, s29, s16, $0xb8;
	[tilespmem:$0x1E400] =	vst v63  }
0x73: {  	_ =	swait.ge [sflag:s20], $0x4000  }
0x74: {  	[sflag:s20] =	ssyncset.done $0x0  }
0x75: {  	s29 =	sadd.s32 $0x1480, s28;
	[sflag:s20] =	ssyncadd.s32 $0xFFFFC000  }
0x76: {  	[spmem:s2] =	stream.indirect.scatter.add.f32 [tilespmem:s18], [sflag:$0x4], $0x80, s29, s16, $0xb8;
	[tilespmem:$0x1E400] =	vst v63  }
0x77: {  	_ =	swait.ge [sflag:s21], $0x4000  }
0x78: {  	[sflag:s21] =	ssyncset.done $0x0  }
.Ltmp1:
0x79: {  	s29 =	sadd.s32 $0x100, s28;
	[sflag:s21] =	ssyncadd.s32 $0xFFFFC000;
	(pc) =	sbr.rel @p0 .LBB2_4-.Ltmp1, $4  }
0x7a: {  	[tilespmem:s17], [sflag:$0x1] =	stream.indirect.gather [hbm4b:s4+s16], $0x80, s29, s16, $0xb8;
	[tilespmem:$0x1E400] =	vst v63  }
0x7b: {  	_ =	swait.ge [sflag:s22], $0x4000  }
0x7c: {  	[sflag:s22] =	ssyncset.done $0x0  }
0x7d: {  	s28 =	sadd.s32 $0x180, s28;
	[sflag:s22] =	ssyncadd.s32 $0xFFFFC000  }
0x7e: {  	[tilespmem:s18], [sflag:$0x2] =	stream.indirect.gather [hbm4b:s4+s16], $0x80, s28, s16, $0xb8;
	[tilespmem:$0x1E400] =	vst v63  }
0x7f: {  	_ =	swait.ge [sflag:s19], $0x4000  }
0x80: {  	[sflag:s19] =	ssyncset.done $0x0  }
0x81: {  	[sflag:s19] =	ssyncadd.s32 $0xFFFFC000  }
0x82: {  	[spmem:s2] =	stream.indirect.scatter.add.f32 [tilespmem:s17], [sflag:$0x3], $0x80, s23, s16, $0xb8;
	[tilespmem:$0x1E400] =	vst v63  }
0x83: {  	_ =	swait.ge [sflag:s20], $0x4000  }
0x84: {  	[sflag:s20] =	ssyncset.done $0x0  }
0x85: {  	[sflag:s20] =	ssyncadd.s32 $0xFFFFC000  }
0x86: {  	[spmem:s2] =	stream.indirect.scatter.add.f32 [tilespmem:s18], [sflag:$0x4], $0x80, s24, s16, $0xb8;
	[tilespmem:$0x1E400] =	vst v63  }
0x87: {  	_ =	swait.ge [sflag:s21], $0x4000  }
0x88: {  	[sflag:s21] =	ssyncset.done $0x0  }
0x89: {  	[sflag:s21] =	ssyncadd.s32 $0xFFFFC000  }
0x8a: {  	_ =	swait.ge [sflag:s22], $0x4000  }
0x8b: {  	s25 =	sadd.s32 $0x1, s25;
	[sflag:s22] =	ssyncset.done $0x0  }
0x8c: {  	p0 =	sne.s32 s25, s12;
	[sflag:s22] =	ssyncadd.s32 $0xFFFFC000  }
.Ltmp2:
0x8d: {  	[bflag:$0x0] =	sbarrier.arrive $0xFFFF;
	(pc) =	sbr.rel @p0 .LBB2_1-.Ltmp2, $4  }
0x8e: {  	[hbm:s11], [sflag:s6] =	dma.local [spmem:s13], $0x2780  }
0x8f: {  	_ =	swait.ge [sflag:s14], $0x2780  }
0x90: {  	[sflag:s14] =	ssyncset.done $0x0  }
0x91: {  	[sflag:s14] =	ssyncadd.s32 $0xFFFFD880  }
0x92: {  	_ =	sfence.sel $0x180000  }
0x93: {  	[bflag:$0x0] =	sbarrier.arrive $0xFFFF  }
0x94: {  	p0 =	sne.s32 s1, $0x0;
	_ =	strace $0x9000004D  }
0x95: {  	s0 =	sadd.s32 @!p0 $0x100000, s0;
	[bflag:$0x2] =	sbarrier.arrive $0xFFFF  }
0x96: {  	[sflag:s0] =	ssyncadd.tile.s32 @!p0 $0x1;
	_ =	shalt  }
.Lfunc_end2:
_tile_overlayer_lowered:
.L_overlay_start_2:
0x97: {  	(tag) =	ssettag $0x2  }
0x98: {  	s0 =	rddreg [dreg:$0x0];
	s2 =	stileid.u32  }
0x99: {  	s1 =	rddreg [dreg:$0x1];
	p0 =	sne.s32 s2, $0x0  }
0x9a: {  	s3 =	rddreg [dreg:$0x2];
	[bflag:$0x3] =	sbarrier.arrive $0xFFFF;
	s2 =	simm.s32 @!p0 $0x1C05  }
0x9b: {  	[timem:s3], [sflag:s2] =	dma.local @!p0 [hbm:s0], s1  }
0x9c: {  	s0 =	simm.s32 @!p0 $0x5  }
0x9d: {  	_ =	swait.ge @!p0 [sflag:s0], s1  }
0x9e: {  	s1 =	ssub.s32 @!p0 $0x0, s1;
	[sflag:s0] =	ssyncset.done @!p0 $0x0  }
0x9f: {  	[sflag:s0] =	ssyncadd.s32 @!p0 s1  }
0xa0: {  	[bflag:$0x3] =	sbarrier.arrive $0xFFFF  }
0xa1: {  	_ =	shalt  }

// kernel: kernel.19.cloned.1.call-start
scs
__scs_entry_jumppad:
0x0: {  	(pc) =	sbr.rel $0x88, $3  }
0x1: {  	(tag) =	ssettag $0x0;
	lr =	simm.s32 $0x1  }
0x2: {  	[smem:$0x3F98] =	sst lr;
	_ =	strace $0xD0000000  }
0x3: {  	_ = 	snop  }
0x4: {  	_ = 	snop  }
0x5: {  	_ = 	snop  }
0x6: {  	_ = 	snop  }
0x7: {  	_ = 	snop  }
__scs_overlays_trampoline_lowered:
0x8: {  	[smem:$0x3FA7] =	sst s0  }
0x9: {  	[smem:$0x3FA8] =	sst s1  }
0xa: {  	[smem:$0x3FA9] =	sst s2  }
0xb: {  	[smem:$0x3FAA] =	sst s3  }
0xc: {  	[smem:$0x3FAB] =	sst s4  }
0xd: {  	[smem:$0x3FAC] =	sst s5  }
0xe: {  	[smem:$0x3FAD] =	sst s6  }
0xf: {  	[smem:$0x3FAE] =	sst s7  }
0x10: {  	[smem:$0x3FAF] =	sst s8  }
0x11: {  	[smem:$0x3FB0] =	sst s9;
	s0 =	simm.s32 @!p0 $0x0  }
0x12: {  	s1 =	sld [smem:$0x3F96];
	s0 =	simm.s32 @p0 $0x1  }
0x13: {  	[smem:$0x3FB1] =	sst s0;
	s0 =	simm.s32 @!p1 $0x0  }
0x14: {  	s2 =	sld [smem:$0x3F95];
	s0 =	simm.s32 @p1 $0x1  }
0x15: {  	[smem:$0x3FB2] =	sst s0;
	s0 =	simm.s32 @!p2 $0x0  }
0x16: {  	s3 =	sld [smem:$0x3FDB];
	s0 =	simm.s32 @p2 $0x1  }
0x17: {  	s4 =	simm.s32 $0x1BF5;
	[smem:$0x3FB4] =	sst s0  }
0x18: {  	s0 =	sld [smem:$0x3F97];
	_ =	swait.ge [sflag:s4], $0x0  }
0x19: {  	s7 =	sld [smem:$0x3F98]  }
0x1a: {  	s8 =	sadd.s32 $0xFFFFE003, lr  }
0x1b: {  	s9 =	sadd.s32 $0xFFFFFEF7, lr;
	s5 =	simm.s32 $0xFFFFFFFF;
	p2 =	slt.u32 s8, $0xFFFFF086  }
0x1c: {  	p1 =	slt.u32 s9, $0xF7A;
	s5 =	simm.s32 @!p2 $0x0  }
0x1d: {  	s5 =	simm.s32 @p1 $0x1;
	p0 =	seq.s32 s7, s2  }
0x1e: {  	s7 =	smul.u32 @!p0 $0xF7A, s2;
	p2 =	seq.s32 @!p0 s5, $0x0  }
0x1f: {  	s9 =	smul.u32 $0xF7A, s1;
	s8 =	simm.s32 @!p0 $0x1BF5;
	p2 =	por !p2, p0  }
0x20: {  	[sflag:s8] =	ssyncset.s32 @!p0 $0xFFFFF086;
	s6 =	sadd.s32 @!p0 s3, s7;
	s7 =	simm.s32 @!p0 $0x108  }
0x21: {  	s3 =	sadd.s32 s3, s9;
	s6 =	sadd.s32 @!p0 $0x88, s6;
	s7 =	simm.s32 @p2 $0x1082  }
0x22: {  	[simem:s7], [sflag:s8] =	dma.local @!p0 [hbm:s6], $0xF7A  }
0x23: {  	s9 =	sor.u32 $0xD0000000, s2;
	s6 =	simm.s32 $0x108;
	_ =	swait.ge @!p0 [sflag:s8], $0x0  }
0x24: {  	s3 =	sadd.s32 $0x88, s3;
	s6 =	simm.s32 @!p1 $0x1082;
	[sflag:s4] =	ssyncset.s32 $0xFFFFF086  }
0x25: {  	[simem:s6], [sflag:s4] =	dma.local [hbm:s3], $0xF7A  }
0x26: {  	[smem:$0x3F98] =	sst s1;
	(tag) =	ssettag s2;
	_ =	strace s9  }
0x27: {  	s1 =	sld [smem:$0x3FA8]  }
0x28: {  	s2 =	sld [smem:$0x3FA9]  }
0x29: {  	s4 =	sld [smem:$0x3FAB]  }
0x2a: {  	p0 =	seq.s32 s5, $0x0;
	s5 =	sld [smem:$0x3FAC]  }
0x2b: {  	s6 =	sld [smem:$0x3FAD]  }
0x2c: {  	s7 =	sld [smem:$0x3FAE]  }
0x2d: {  	s3 =	simm.s32 $0x108;
	s8 =	sld [smem:$0x3FAF]  }
0x2e: {  	s3 =	simm.s32 @!p0 $0x1082;
	s9 =	sld [smem:$0x3FB0]  }
0x2f: {  	lr =	sadd.s32 s0, s3;
	s0 =	sld [smem:$0x3FA7]  }
0x30: {  	s3 =	sld [smem:$0x3FAA]  }
0x31: {  	[smem:$0x3FB3] =	sst s10  }
0x32: {  	s10 =	sld [smem:$0x3FB1];
	_ =	sdelay $0x3  }
0x33: {  	p0 =	seq.s32 s10, $0x1;
	s10 =	sld [smem:$0x3FB3];
	_ =	sdelay $0x3  }
0x34: {  	[smem:$0x3FB3] =	sst s10  }
0x35: {  	s10 =	sld [smem:$0x3FB2];
	_ =	sdelay $0x3  }
0x36: {  	p1 =	seq.s32 s10, $0x1;
	s10 =	sld [smem:$0x3FB3];
	_ =	sdelay $0x3  }
0x37: {  	[smem:$0x3FB3] =	sst s10  }
0x38: {  	s10 =	sld [smem:$0x3FB4]  }
0x39: {  	_ = 	snop;
	(pc) =	sbr.ind lr, $3  }
0x3a: {  	_ = 	snop  }
0x3b: {  	_ = 	snop  }
0x3c: {  	p2 =	seq.s32 s10, $0x1;
	s10 =	sld [smem:$0x3FB3]  }
0x3d: {  	_ =	shalt  }
0x3e: {  	_ =	shalt  }
0x3f: {  	_ =	shalt  }
0x40: {  	_ =	shalt  }
0x41: {  	_ =	shalt  }
0x42: {  	_ =	shalt  }
0x43: {  	_ =	shalt  }
0x44: {  	_ =	shalt  }
0x45: {  	_ =	shalt  }
0x46: {  	_ =	shalt  }
0x47: {  	_ =	shalt  }
0x48: {  	_ =	shalt  }
0x49: {  	_ =	shalt  }
0x4a: {  	_ =	shalt  }
0x4b: {  	_ =	shalt  }
0x4c: {  	_ =	shalt  }
0x4d: {  	_ =	shalt  }
0x4e: {  	_ =	shalt  }
0x4f: {  	_ =	shalt  }
0x50: {  	_ =	shalt  }
0x51: {  	_ =	shalt  }
0x52: {  	_ =	shalt  }
0x53: {  	_ =	shalt  }
0x54: {  	_ =	shalt  }
0x55: {  	_ =	shalt  }
0x56: {  	_ =	shalt  }
0x57: {  	_ =	shalt  }
0x58: {  	_ =	shalt  }
0x59: {  	_ =	shalt  }
0x5a: {  	_ =	shalt  }
0x5b: {  	_ =	shalt  }
0x5c: {  	_ =	shalt  }
0x5d: {  	_ =	shalt  }
0x5e: {  	_ =	shalt  }
0x5f: {  	_ =	shalt  }
0x60: {  	_ =	shalt  }
0x61: {  	_ =	shalt  }
0x62: {  	_ =	shalt  }
0x63: {  	_ =	shalt  }
0x64: {  	_ =	shalt  }
0x65: {  	_ =	shalt  }
0x66: {  	_ =	shalt  }
0x67: {  	_ =	shalt  }
0x68: {  	_ =	shalt  }
0x69: {  	_ =	shalt  }
0x6a: {  	_ =	shalt  }
0x6b: {  	_ =	shalt  }
0x6c: {  	_ =	shalt  }
0x6d: {  	_ =	shalt  }
0x6e: {  	_ =	shalt  }
0x6f: {  	_ =	shalt  }
0x70: {  	_ =	shalt  }
0x71: {  	_ =	shalt  }
0x72: {  	_ =	shalt  }
0x73: {  	_ =	shalt  }
0x74: {  	_ =	shalt  }
0x75: {  	_ =	shalt  }
0x76: {  	_ =	shalt  }
0x77: {  	_ =	shalt  }
0x78: {  	_ =	shalt  }
0x79: {  	_ =	shalt  }
0x7a: {  	_ =	shalt  }
0x7b: {  	_ =	shalt  }
0x7c: {  	_ =	shalt  }
0x7d: {  	_ =	shalt  }
0x7e: {  	_ =	shalt  }
0x7f: {  	_ =	shalt  }
0x80: {  	_ =	shalt  }
0x81: {  	_ =	shalt  }
0x82: {  	_ =	shalt  }
0x83: {  	_ =	shalt  }
0x84: {  	_ =	shalt  }
0x85: {  	_ =	shalt  }
0x86: {  	_ =	shalt  }
0x87: {  	_ =	shalt  }
.Lfunc_end0:
.L_simem_size_0:
called_computation.3_lowered:
.L_overlay_start_0:
0x88: {  	s2 =	sld [smem:$0x3FD9]  }
0x89: {  	s3 =	sld [smem:$0x3FFE];
	_ =	sdelay $0x1  }
0x8a: {  	s1 =	srdreg.scid  }
0x8b: {  	s0 =	sand.u32 $0x1, s1  }
0x8c: {  	s17 =	sshll.u32 s0, $0xA;
	s2 =	sadd.s32 s3, s2  }
0x8d: {  	s2 =	sadd.s32 s2, s17  }
0x8e: {  	[smem:$0x3FBF] =	sst s2  }
0x8f: {  	_ = 	snop  }
0x90: {  	s2 =	sld [smem:$0x3FC7];
	(tm) =	ssettm $0x1  }
0x91: {  	s18 =	sld [smem:$0x3FFB];
	_ =	sdelay $0x3  }
0x92: {  	_ =	strace s18  }
0x93: {  	s3 =	sld [smem:$0x3FFC];
	_ =	sdelay $0x3  }
0x94: {  	_ =	strace s3  }
0x95: {  	s3 =	sld [smem:$0x3FFD];
	_ =	sdelay $0x3  }
0x96: {  	_ =	strace s3  }
0x97: {  	_ =	strace $0x8FFFFFFF  }
0x98: {  	s19 =	sld [smem:$0x3FDB];
	_ =	sdelay $0x1  }
0x99: {  	s4 =	simm.s32 $_scs_section_size  }
0x9a: {  	s5 =	simm.s32 $_size__tile_overlayer_lowered;
	s6 =	simm.s32 $_tile_overlayer_lowered  }
0x9b: {  	s22 =	simm.s32 $0x1BFF;
	s21 =	sshll.u32 s6, $0x1;
	s3 =	sadd.s32 s4, s19  }
0x9c: {  	s7 =	simm.s32 $0x0;
	s20 =	sshll.u32 s5, $0x1;
	s5 =	sadd.s32 s21, s3  }
0x9d: {  	[timem:s7], [sflag:s22] =	dma.local [hbm:s5], s20  }
0x9e: {  	_ =	swait.ge [sflag:s22], s20  }
0x9f: {  	s4 =	ssub.s32 $0x0, s20;
	[sflag:s22] =	ssyncset.done $0x0  }
0xa0: {  	[sflag:s22] =	ssyncadd.s32 s4;
	_ =	sdelay $0x1  }
0xa1: {  	s23 =	simm.s32 $0x1B8B  }
0xa2: {  	_ =	swait.ge [sflag:s23], $0x1  }
0xa3: {  	[sflag:s23] =	ssyncset.done $0x0  }
0xa4: {  	s25 =	simm.s32 $0x1B8E;
	s24 =	sld [smem:$0x3FFE];
	[sflag:s23] =	ssyncadd.s32 $0xFFFFFFFF  }
0xa5: {  	s26 =	simm.s32 $execute0_lowered;
	[smem:$0x3FD2] =	sst s25  }
0xa6: {  	s5 =	sshll.u32 s26, $0x1;
	_ =	strace $0x8000004F;
	[dreg:$0x1] =	wrdreg $0xFFFFFFFF  }
0xa7: {  	s28 =	simm.s32 $_size_execute0_lowered;
	s3 =	sadd.s32 s3, s5;
	[dreg:$0x0] =	wrdreg $0x0  }
0xa8: {  	s5 =	sshll.u32 s28, $0x1;
	[dreg:$0x2] =	wrdreg s3  }
0xa9: {  	[dreg:$0x3] =	wrdreg s5  }
0xaa: {  	[dreg:$0x4] =	wrdreg $0xC0  }
0xab: {  	_ =	task [dreg:s7], $0x5FFFF  }
0xac: {  	[dreg:$0x1] =	wrdreg $0xFFFFFFFF  }
0xad: {  	[dreg:$0x0] =	wrdreg $0x60  }
0xae: {  	[dreg:$0x2] =	wrdreg s24  }
0xaf: {  	[dreg:$0x3] =	wrdreg s2  }
0xb0: {  	[dreg:$0x4] =	wrdreg $0x88000  }
0xb1: {  	[dreg:$0x5] =	wrdreg $0x9  }
0xb2: {  	_ =	task.clear_ibuf [dreg:s7], $0x6FFFF;
	_ =	strace $0x9000004F  }
0xb3: {  	s29 =	simm.s32 $0x9;
	_ =	strace $0x80000051  }
0xb4: {  	_ =	swait.ge [sflag:s29], $0x1  }
0xb5: {  	[sflag:s29] =	ssyncadd.s32 $0xFFFFFFFF  }
0xb6: {  	_ =	strace $0x90000051  }
0xb7: {  	_ =	sfence  }
0xb8: {  	s30 =	sld [smem:$0x0];
	_ =	sdelay $0x2  }
0xb9: {  	s31 =	sshll.u32 s1, $0xD;
	s1 =	sshrl.u32 s1, $0x2  }
0xba: {  	s3 =	sand.u32 $0x4000, s31;
	s1 =	sadd.s32 s1, s30  }
0xbb: {  	s0 =	sor.u32 s3, s0;
	s1 =	sshll.u32 s1, $0x11  }
0xbc: {  	s0 =	sor.u32 s1, s0  }
0xbd: {  	s0 =	sadd.s32 $0x8F2B, s0  }
0xbe: {  	[sflag:s0] =	ssyncadd.remote.s32 $0x1  }
0xbf: {  	_ =	sfence.sel $0xFFFF  }
0xc0: {  	[dreg:$0x0] =	wrdreg $0xFFFFFFFF;
	(pc) =	sbr.abs _section_cstart, $3  }
0xc1: {  	[dreg:$0x1] =	wrdreg $0xFFFFFFFF  }
0xc2: {  	_ =	task.clear_ibuf [dreg:s7], $0x2FFFF;
	_ =	strace $0x9FFFFFFF  }
0xc3: {  	(tm) =	ssettm $0x7FFFFFFF  }
tec
execute0_lowered:
.L_overlay_start_1:
0x0: {  	(tag) =	ssettag $0x1  }
0x1: {  	s8 =	rddreg [dreg:$0x0]  }
0x2: {  	s5 =	rddreg [dreg:$0x1]  }
0x3: {  	s2 =	rddreg [dreg:$0x2];
	s3 =	simm.s32 $0x0;
	s9 =	stileid.u32  }
0x4: {  	s0 =	srdreg.scid;
	[smem:$0x7FF] =	sst s3  }
0x5: {  	s1 =	sshll.u32 s9, $0x9;
	s31 =	sand.u32 $0x1, s0;
	s30 =	sadd.s32 $0x2AC00, s8  }
0x6: {  	_ =	strace $0x80000050;
	s19 =	sadd.s32 s1, s8;
	s4 =	sshll.u32 s31, $0x8  }
0x7: {  	[dreg:$0x8] =	wrdreg s19;
	s6 =	sadd.s32 $0x52E00, s19;
	s1 =	sor.u32 s4, s1  }
0x8: {  	s20 =	sshll.u32 s9, $0xC;
	[dreg:$0x4] =	wrdreg s6;
	s21 =	sadd.s32 s5, s1  }
0x9: {  	s22 =	sshll.u32 s9, $0x6;
	s7 =	sadd.s32 s20, s2;
	[dreg:$0x5] =	wrdreg s21  }
0xa: {  	s23 =	sadd.s32 s30, s1;
	s1 =	sor.u32 $0x80, s1;
	s24 =	rddreg [dreg:$0x4]  }
0xb: {  	s4 =	sor.u32 $0x1C05, s22;
	[dreg:$0x6] =	wrdreg s23;
	s5 =	sadd.s32 s5, s1  }
0xc: {  	s6 =	sshrl.u32 s7, $0x3;
	[dreg:$0x7] =	wrdreg s5;
	s5 =	simm.s32 $0x5  }
0xd: {  	[spmem:s6], [sflag:s4] =	dma.local [hbm:s24], $0x200  }
0xe: {  	_ =	swait.ge [sflag:s5], $0x200  }
0xf: {  	[sflag:s5] =	ssyncset.done $0x0  }
0x10: {  	[sflag:s5] =	ssyncadd.s32 $0xFFFFFE00  }
0x11: {  	[bflag:$0x0] =	sbarrier.arrive $0xFFFF  }
0x12: {  	s25 =	rddreg [dreg:$0x5]  }
0x13: {  	[tilespmem:s3], [sflag:$0x5] =	stream.linear.gather [hbm4b:s25+s3], $0x400, $0x38;
	[tilespmem:$0x9800] =	vst v63  }
0x14: {  	_ =	swait.ge [sflag:s5], $0x400  }
0x15: {  	[sflag:s5] =	ssyncset.done $0x0  }
0x16: {  	s7 =	simm.s32 $0x400;
	s26 =	rddreg [dreg:$0x6];
	[sflag:s5] =	ssyncadd.s32 $0xFFFFFC00  }
0x17: {  	[tilespmem:s7], [sflag:$0x5] =	stream.linear.gather [hbm4b:s26+s3], $0x400, $0x38;
	[tilespmem:$0x9800] =	vst v63  }
0x18: {  	_ =	swait.ge [sflag:s5], $0x400  }
0x19: {  	s10 =	simm.s32 $0x800;
	[sflag:s5] =	ssyncset.done $0x0  }
0x1a: {  	s9 =	simm.s32 $0x80;
	s8 =	sadd.s32 $0x3400, s8;
	[sflag:s5] =	ssyncadd.s32 $0xFFFFFC00  }
0x1b: {  	[tilespmem:s10], [sflag:$0x1] =	stream.indirect.gather [hbm4b:s8+s9], $0x80, s3, s9, $0xb8;
	[tilespmem:$0x9800] =	vst v63  }
0x1c: {  	s11 =	simm.s32 $0x4800;
	s12 =	simm.s32 $0x1  }
0x1d: {  	[tilespmem:s11], [sflag:$0x2] =	stream.indirect.gather [hbm4b:s8+s9], $0x80, s9, s9, $0xb8;
	[tilespmem:$0x9800] =	vst v63  }
0x1e: {  	_ =	swait.ge [sflag:s12], $0x4000  }
0x1f: {  	[sflag:s12] =	ssyncset.done $0x0  }
0x20: {  	s13 =	simm.s32 $0x2;
	[sflag:s12] =	ssyncadd.s32 $0xFFFFC000  }
0x21: {  	[spmem:s2] =	stream.indirect.scatter.add.f32 [tilespmem:s10], [sflag:$0x3], $0x80, s7, s9, $0xb8;
	[tilespmem:$0x9800] =	vst v63  }
0x22: {  	_ =	swait.ge [sflag:s13], $0x4000  }
0x23: {  	[sflag:s13] =	ssyncset.done $0x0  }
0x24: {  	s14 =	simm.s32 $0x480;
	s15 =	simm.s32 $0x3;
	[sflag:s13] =	ssyncadd.s32 $0xFFFFC000  }
0x25: {  	[spmem:s2] =	stream.indirect.scatter.add.f32 [tilespmem:s11], [sflag:$0x4], $0x80, s14, s9, $0xb8;
	[tilespmem:$0x9800] =	vst v63  }
0x26: {  	_ =	swait.ge [sflag:s15], $0x4000  }
0x27: {  	[sflag:s15] =	ssyncset.done $0x0  }
0x28: {  	s16 =	simm.s32 $0x100;
	s17 =	simm.s32 $0x4;
	[sflag:s15] =	ssyncadd.s32 $0xFFFFC000  }
0x29: {  	[tilespmem:s10], [sflag:$0x1] =	stream.indirect.gather [hbm4b:s8+s9], $0x80, s16, s9, $0xb8;
	[tilespmem:$0x9800] =	vst v63  }
0x2a: {  	_ =	swait.ge [sflag:s17], $0x4000  }
0x2b: {  	[sflag:s17] =	ssyncset.done $0x0  }
0x2c: {  	s18 =	simm.s32 $0x180;
	[sflag:s17] =	ssyncadd.s32 $0xFFFFC000  }
0x2d: {  	[tilespmem:s11], [sflag:$0x2] =	stream.indirect.gather [hbm4b:s8+s9], $0x80, s18, s9, $0xb8;
	[tilespmem:$0x9800] =	vst v63  }
0x2e: {  	_ =	swait.ge [sflag:s12], $0x4000  }
0x2f: {  	[sflag:s12] =	ssyncset.done $0x0  }
0x30: {  	s19 =	simm.s32 $0x500;
	[sflag:s12] =	ssyncadd.s32 $0xFFFFC000  }
0x31: {  	[spmem:s2] =	stream.indirect.scatter.add.f32 [tilespmem:s10], [sflag:$0x3], $0x80, s19, s9, $0xb8;
	[tilespmem:$0x9800] =	vst v63  }
0x32: {  	_ =	swait.ge [sflag:s13], $0x4000  }
0x33: {  	[sflag:s13] =	ssyncset.done $0x0  }
0x34: {  	s20 =	simm.s32 $0x580;
	[sflag:s13] =	ssyncadd.s32 $0xFFFFC000  }
0x35: {  	[spmem:s2] =	stream.indirect.scatter.add.f32 [tilespmem:s11], [sflag:$0x4], $0x80, s20, s9, $0xb8;
	[tilespmem:$0x9800] =	vst v63  }
0x36: {  	_ =	swait.ge [sflag:s15], $0x4000  }
0x37: {  	[sflag:s15] =	ssyncset.done $0x0  }
0x38: {  	s21 =	simm.s32 $0x200;
	[sflag:s15] =	ssyncadd.s32 $0xFFFFC000  }
0x39: {  	[tilespmem:s10], [sflag:$0x1] =	stream.indirect.gather [hbm4b:s8+s9], $0x80, s21, s9, $0xb8;
	[tilespmem:$0x9800] =	vst v63  }
0x3a: {  	_ =	swait.ge [sflag:s17], $0x4000  }
0x3b: {  	[sflag:s17] =	ssyncset.done $0x0  }
0x3c: {  	s22 =	simm.s32 $0x280;
	[sflag:s17] =	ssyncadd.s32 $0xFFFFC000  }
0x3d: {  	[tilespmem:s11], [sflag:$0x2] =	stream.indirect.gather [hbm4b:s8+s9], $0x80, s22, s9, $0xb8;
	[tilespmem:$0x9800] =	vst v63  }
0x3e: {  	_ =	swait.ge [sflag:s12], $0x4000  }
0x3f: {  	[sflag:s12] =	ssyncset.done $0x0  }
0x40: {  	s23 =	simm.s32 $0x600;
	[sflag:s12] =	ssyncadd.s32 $0xFFFFC000  }
0x41: {  	[spmem:s2] =	stream.indirect.scatter.add.f32 [tilespmem:s10], [sflag:$0x3], $0x80, s23, s9, $0xb8;
	[tilespmem:$0x9800] =	vst v63  }
0x42: {  	_ =	swait.ge [sflag:s13], $0x4000  }
0x43: {  	[sflag:s13] =	ssyncset.done $0x0  }
0x44: {  	s24 =	simm.s32 $0x680;
	[sflag:s13] =	ssyncadd.s32 $0xFFFFC000  }
0x45: {  	[spmem:s2] =	stream.indirect.scatter.add.f32 [tilespmem:s11], [sflag:$0x4], $0x80, s24, s9, $0xb8;
	[tilespmem:$0x9800] =	vst v63  }
0x46: {  	_ =	swait.ge [sflag:s15], $0x4000  }
0x47: {  	[sflag:s15] =	ssyncset.done $0x0  }
0x48: {  	s25 =	simm.s32 $0x300;
	[sflag:s15] =	ssyncadd.s32 $0xFFFFC000  }
0x49: {  	[tilespmem:s10], [sflag:$0x1] =	stream.indirect.gather [hbm4b:s8+s9], $0x80, s25, s9, $0xb8;
	[tilespmem:$0x9800] =	vst v63  }
0x4a: {  	_ =	swait.ge [sflag:s17], $0x4000  }
0x4b: {  	[sflag:s17] =	ssyncset.done $0x0  }
0x4c: {  	s26 =	simm.s32 $0x380;
	[sflag:s17] =	ssyncadd.s32 $0xFFFFC000  }
0x4d: {  	[tilespmem:s11], [sflag:$0x2] =	stream.indirect.gather [hbm4b:s8+s9], $0x80, s26, s9, $0xb8;
	[tilespmem:$0x9800] =	vst v63  }
0x4e: {  	_ =	swait.ge [sflag:s12], $0x4000  }
0x4f: {  	[sflag:s12] =	ssyncset.done $0x0  }
0x50: {  	s28 =	simm.s32 $0x700;
	[sflag:s12] =	ssyncadd.s32 $0xFFFFC000  }
0x51: {  	[spmem:s2] =	stream.indirect.scatter.add.f32 [tilespmem:s10], [sflag:$0x3], $0x80, s28, s9, $0xb8;
	[tilespmem:$0x9800] =	vst v63  }
0x52: {  	_ =	swait.ge [sflag:s13], $0x4000  }
0x53: {  	[sflag:s13] =	ssyncset.done $0x0  }
0x54: {  	s29 =	simm.s32 $0x780;
	[sflag:s13] =	ssyncadd.s32 $0xFFFFC000  }
0x55: {  	[spmem:s2] =	stream.indirect.scatter.add.f32 [tilespmem:s11], [sflag:$0x4], $0x80, s29, s9, $0xb8;
	[tilespmem:$0x9800] =	vst v63  }
0x56: {  	_ =	swait.ge [sflag:s15], $0x4000  }
0x57: {  	[sflag:s15] =	ssyncset.done $0x0  }
0x58: {  	[sflag:s15] =	ssyncadd.s32 $0xFFFFC000  }
0x59: {  	_ =	swait.ge [sflag:s17], $0x4000  }
0x5a: {  	[sflag:s17] =	ssyncset.done $0x0  }
0x5b: {  	s0 =	rddreg [dreg:$0x7];
	[sflag:s17] =	ssyncadd.s32 $0xFFFFC000  }
0x5c: {  	[tilespmem:s3], [sflag:$0x5] =	stream.linear.gather [hbm4b:s0+s3], $0x400, $0x38;
	[tilespmem:$0x9800] =	vst v63  }
0x5d: {  	_ =	swait.ge [sflag:s5], $0x400  }
0x5e: {  	[sflag:s5] =	ssyncset.done $0x0  }
0x5f: {  	s30 =	sadd.s32 s30, s1;
	[sflag:s5] =	ssyncadd.s32 $0xFFFFFC00  }
0x60: {  	[tilespmem:s7], [sflag:$0x5] =	stream.linear.gather [hbm4b:s30+s3], $0x400, $0x38;
	[tilespmem:$0x9800] =	vst v63  }
0x61: {  	_ =	swait.ge [sflag:s5], $0x400  }
0x62: {  	[sflag:s5] =	ssyncset.done $0x0  }
0x63: {  	[sflag:s5] =	ssyncadd.s32 $0xFFFFFC00  }
0x64: {  	[tilespmem:s10], [sflag:$0x1] =	stream.indirect.gather [hbm4b:s8+s9], $0x80, s3, s9, $0xb8;
	[tilespmem:$0x9800] =	vst v63  }
0x65: {  	_ = 	snop  }
0x66: {  	[tilespmem:s11], [sflag:$0x2] =	stream.indirect.gather [hbm4b:s8+s9], $0x80, s9, s9, $0xb8;
	[tilespmem:$0x9800] =	vst v63  }
0x67: {  	_ =	swait.ge [sflag:s12], $0x4000  }
0x68: {  	[sflag:s12] =	ssyncset.done $0x0  }
0x69: {  	[sflag:s12] =	ssyncadd.s32 $0xFFFFC000  }
0x6a: {  	[spmem:s2] =	stream.indirect.scatter.add.f32 [tilespmem:s10], [sflag:$0x3], $0x80, s7, s9, $0xb8;
	[tilespmem:$0x9800] =	vst v63  }
0x6b: {  	_ =	swait.ge [sflag:s13], $0x4000  }
0x6c: {  	[sflag:s13] =	ssyncset.done $0x0  }
0x6d: {  	[sflag:s13] =	ssyncadd.s32 $0xFFFFC000  }
0x6e: {  	[spmem:s2] =	stream.indirect.scatter.add.f32 [tilespmem:s11], [sflag:$0x4], $0x80, s14, s9, $0xb8;
	[tilespmem:$0x9800] =	vst v63  }
0x6f: {  	_ =	swait.ge [sflag:s15], $0x4000  }
0x70: {  	[sflag:s15] =	ssyncset.done $0x0  }
0x71: {  	[sflag:s15] =	ssyncadd.s32 $0xFFFFC000  }
0x72: {  	[tilespmem:s10], [sflag:$0x1] =	stream.indirect.gather [hbm4b:s8+s9], $0x80, s16, s9, $0xb8;
	[tilespmem:$0x9800] =	vst v63  }
0x73: {  	_ =	swait.ge [sflag:s17], $0x4000  }
0x74: {  	[sflag:s17] =	ssyncset.done $0x0  }
0x75: {  	[sflag:s17] =	ssyncadd.s32 $0xFFFFC000  }
0x76: {  	[tilespmem:s11], [sflag:$0x2] =	stream.indirect.gather [hbm4b:s8+s9], $0x80, s18, s9, $0xb8;
	[tilespmem:$0x9800] =	vst v63  }
0x77: {  	_ =	swait.ge [sflag:s12], $0x4000  }
0x78: {  	[sflag:s12] =	ssyncset.done $0x0  }
0x79: {  	[sflag:s12] =	ssyncadd.s32 $0xFFFFC000  }
0x7a: {  	[spmem:s2] =	stream.indirect.scatter.add.f32 [tilespmem:s10], [sflag:$0x3], $0x80, s19, s9, $0xb8;
	[tilespmem:$0x9800] =	vst v63  }
0x7b: {  	_ =	swait.ge [sflag:s13], $0x4000  }
0x7c: {  	[sflag:s13] =	ssyncset.done $0x0  }
0x7d: {  	[sflag:s13] =	ssyncadd.s32 $0xFFFFC000  }
0x7e: {  	[spmem:s2] =	stream.indirect.scatter.add.f32 [tilespmem:s11], [sflag:$0x4], $0x80, s20, s9, $0xb8;
	[tilespmem:$0x9800] =	vst v63  }
0x7f: {  	_ =	swait.ge [sflag:s15], $0x4000  }
0x80: {  	[sflag:s15] =	ssyncset.done $0x0  }
0x81: {  	[sflag:s15] =	ssyncadd.s32 $0xFFFFC000  }
0x82: {  	[tilespmem:s10], [sflag:$0x1] =	stream.indirect.gather [hbm4b:s8+s9], $0x80, s21, s9, $0xb8;
	[tilespmem:$0x9800] =	vst v63  }
0x83: {  	_ =	swait.ge [sflag:s17], $0x4000  }
0x84: {  	[sflag:s17] =	ssyncset.done $0x0  }
0x85: {  	[sflag:s17] =	ssyncadd.s32 $0xFFFFC000  }
0x86: {  	[tilespmem:s11], [sflag:$0x2] =	stream.indirect.gather [hbm4b:s8+s9], $0x80, s22, s9, $0xb8;
	[tilespmem:$0x9800] =	vst v63  }
0x87: {  	_ =	swait.ge [sflag:s12], $0x4000  }
0x88: {  	[sflag:s12] =	ssyncset.done $0x0  }
0x89: {  	[sflag:s12] =	ssyncadd.s32 $0xFFFFC000  }
0x8a: {  	[spmem:s2] =	stream.indirect.scatter.add.f32 [tilespmem:s10], [sflag:$0x3], $0x80, s23, s9, $0xb8;
	[tilespmem:$0x9800] =	vst v63  }
0x8b: {  	_ =	swait.ge [sflag:s13], $0x4000  }
0x8c: {  	[sflag:s13] =	ssyncset.done $0x0  }
0x8d: {  	[sflag:s13] =	ssyncadd.s32 $0xFFFFC000  }
0x8e: {  	[spmem:s2] =	stream.indirect.scatter.add.f32 [tilespmem:s11], [sflag:$0x4], $0x80, s24, s9, $0xb8;
	[tilespmem:$0x9800] =	vst v63  }
0x8f: {  	_ =	swait.ge [sflag:s15], $0x4000  }
0x90: {  	[sflag:s15] =	ssyncset.done $0x0  }
0x91: {  	[sflag:s15] =	ssyncadd.s32 $0xFFFFC000  }
0x92: {  	[tilespmem:s10], [sflag:$0x1] =	stream.indirect.gather [hbm4b:s8+s9], $0x80, s25, s9, $0xb8;
	[tilespmem:$0x9800] =	vst v63  }
0x93: {  	_ =	swait.ge [sflag:s17], $0x4000  }
0x94: {  	[sflag:s17] =	ssyncset.done $0x0  }
0x95: {  	[sflag:s17] =	ssyncadd.s32 $0xFFFFC000  }
0x96: {  	[tilespmem:s11], [sflag:$0x2] =	stream.indirect.gather [hbm4b:s8+s9], $0x80, s26, s9, $0xb8;
	[tilespmem:$0x9800] =	vst v63  }
0x97: {  	_ =	swait.ge [sflag:s12], $0x4000  }
0x98: {  	[sflag:s12] =	ssyncset.done $0x0  }
0x99: {  	[sflag:s12] =	ssyncadd.s32 $0xFFFFC000  }
0x9a: {  	[spmem:s2] =	stream.indirect.scatter.add.f32 [tilespmem:s10], [sflag:$0x3], $0x80, s28, s9, $0xb8;
	[tilespmem:$0x9800] =	vst v63  }
0x9b: {  	_ =	swait.ge [sflag:s13], $0x4000  }
0x9c: {  	[sflag:s13] =	ssyncset.done $0x0  }
0x9d: {  	s0 =	ssub.s32 $0x2, s31;
	[sflag:s13] =	ssyncadd.s32 $0xFFFFC000  }
0x9e: {  	[spmem:s2] =	stream.indirect.scatter.add.f32 [tilespmem:s11], [sflag:$0x4], $0x80, s29, s9, $0xb8;
	[tilespmem:$0x9800] =	vst v63  }
0x9f: {  	s1 =	sshll.u32 s31, $0xD;
	s31 =	sshrl.u32 s0, $0x1;
	_ =	swait.ge [sflag:s15], $0x4000  }
0xa0: {  	s0 =	ssub.s32 s0, s31;
	[sflag:s15] =	ssyncset.done $0x0  }
0xa1: {  	s0 =	smax.u32 s0, $0x1;
	[sflag:s15] =	ssyncadd.s32 $0xFFFFC000  }
0xa2: {  	p0 =	sne.s32 s0, $0x1;
	_ =	swait.ge [sflag:s17], $0x4000  }
.Ltmp0:
0xa3: {  	[sflag:s17] =	ssyncset.done $0x0;
	s31 =	rddreg [dreg:$0x8];
	(pc) =	sbr.rel @!p0 .LBB2_2-.Ltmp0, $4  }
0xa4: {  	s1 =	sadd.s32 s1, s31;
	[sflag:s17] =	ssyncadd.s32 $0xFFFFC000  }
0xa5: {  	s31 =	sadd.s32 $0x2CC00, s1;
	[bflag:$0x0] =	sbarrier.arrive $0xFFFF  }
0xa6: {  	[hbm:s31], [sflag:s4] =	dma.local [spmem:s6], $0x200  }
0xa7: {  	s0 =	sadd.s32 $0xFFFFFFFF, s0;
	_ =	swait.ge [sflag:s5], $0x200  }
.LBB2_1:
0xa8: {  	[sflag:s5] =	ssyncset.done $0x0  }
0xa9: {  	s1 =	rddreg [dreg:$0x4];
	[sflag:s5] =	ssyncadd.s32 $0xFFFFFE00  }
0xaa: {  	[spmem:s6], [sflag:s4] =	dma.local [hbm:s1], $0x200  }
0xab: {  	_ =	swait.ge [sflag:s5], $0x200  }
0xac: {  	[sflag:s5] =	ssyncset.done $0x0  }
0xad: {  	[sflag:s5] =	ssyncadd.s32 $0xFFFFFE00  }
0xae: {  	[bflag:$0x0] =	sbarrier.arrive $0xFFFF  }
0xaf: {  	s1 =	rddreg [dreg:$0x5]  }
0xb0: {  	[tilespmem:s3], [sflag:$0x5] =	stream.linear.gather [hbm4b:s1+s3], $0x400, $0x38;
	[tilespmem:$0x9800] =	vst v63  }
0xb1: {  	_ =	swait.ge [sflag:s5], $0x400  }
0xb2: {  	[sflag:s5] =	ssyncset.done $0x0  }
0xb3: {  	s1 =	rddreg [dreg:$0x6];
	[sflag:s5] =	ssyncadd.s32 $0xFFFFFC00  }
0xb4: {  	[tilespmem:s7], [sflag:$0x5] =	stream.linear.gather [hbm4b:s1+s3], $0x400, $0x38;
	[tilespmem:$0x9800] =	vst v63  }
0xb5: {  	_ =	swait.ge [sflag:s5], $0x400  }
0xb6: {  	[sflag:s5] =	ssyncset.done $0x0  }
0xb7: {  	[sflag:s5] =	ssyncadd.s32 $0xFFFFFC00  }
0xb8: {  	[tilespmem:s10], [sflag:$0x1] =	stream.indirect.gather [hbm4b:s8+s9], $0x80, s3, s9, $0xb8;
	[tilespmem:$0x9800] =	vst v63  }
0xb9: {  	_ = 	snop  }
0xba: {  	[tilespmem:s11], [sflag:$0x2] =	stream.indirect.gather [hbm4b:s8+s9], $0x80, s9, s9, $0xb8;
	[tilespmem:$0x9800] =	vst v63  }
0xbb: {  	_ =	swait.ge [sflag:s12], $0x4000  }
0xbc: {  	[sflag:s12] =	ssyncset.done $0x0  }
0xbd: {  	[sflag:s12] =	ssyncadd.s32 $0xFFFFC000  }
0xbe: {  	[spmem:s2] =	stream.indirect.scatter.add.f32 [tilespmem:s10], [sflag:$0x3], $0x80, s7, s9, $0xb8;
	[tilespmem:$0x9800] =	vst v63  }
0xbf: {  	_ =	swait.ge [sflag:s13], $0x4000  }
0xc0: {  	[sflag:s13] =	ssyncset.done $0x0  }
0xc1: {  	[sflag:s13] =	ssyncadd.s32 $0xFFFFC000  }
0xc2: {  	[spmem:s2] =	stream.indirect.scatter.add.f32 [tilespmem:s11], [sflag:$0x4], $0x80, s14, s9, $0xb8;
	[tilespmem:$0x9800] =	vst v63  }
0xc3: {  	_ =	swait.ge [sflag:s15], $0x4000  }
0xc4: {  	[sflag:s15] =	ssyncset.done $0x0  }
0xc5: {  	[sflag:s15] =	ssyncadd.s32 $0xFFFFC000  }
0xc6: {  	[tilespmem:s10], [sflag:$0x1] =	stream.indirect.gather [hbm4b:s8+s9], $0x80, s16, s9, $0xb8;
	[tilespmem:$0x9800] =	vst v63  }
0xc7: {  	_ =	swait.ge [sflag:s17], $0x4000  }
0xc8: {  	[sflag:s17] =	ssyncset.done $0x0  }
0xc9: {  	[sflag:s17] =	ssyncadd.s32 $0xFFFFC000  }
0xca: {  	[tilespmem:s11], [sflag:$0x2] =	stream.indirect.gather [hbm4b:s8+s9], $0x80, s18, s9, $0xb8;
	[tilespmem:$0x9800] =	vst v63  }
0xcb: {  	_ =	swait.ge [sflag:s12], $0x4000  }
0xcc: {  	[sflag:s12] =	ssyncset.done $0x0  }
0xcd: {  	[sflag:s12] =	ssyncadd.s32 $0xFFFFC000  }
0xce: {  	[spmem:s2] =	stream.indirect.scatter.add.f32 [tilespmem:s10], [sflag:$0x3], $0x80, s19, s9, $0xb8;
	[tilespmem:$0x9800] =	vst v63  }
0xcf: {  	_ =	swait.ge [sflag:s13], $0x4000  }
0xd0: {  	[sflag:s13] =	ssyncset.done $0x0  }
0xd1: {  	[sflag:s13] =	ssyncadd.s32 $0xFFFFC000  }
0xd2: {  	[spmem:s2] =	stream.indirect.scatter.add.f32 [tilespmem:s11], [sflag:$0x4], $0x80, s20, s9, $0xb8;
	[tilespmem:$0x9800] =	vst v63  }
0xd3: {  	_ =	swait.ge [sflag:s15], $0x4000  }
0xd4: {  	[sflag:s15] =	ssyncset.done $0x0  }
0xd5: {  	[sflag:s15] =	ssyncadd.s32 $0xFFFFC000  }
0xd6: {  	[tilespmem:s10], [sflag:$0x1] =	stream.indirect.gather [hbm4b:s8+s9], $0x80, s21, s9, $0xb8;
	[tilespmem:$0x9800] =	vst v63  }
0xd7: {  	_ =	swait.ge [sflag:s17], $0x4000  }
0xd8: {  	[sflag:s17] =	ssyncset.done $0x0  }
0xd9: {  	[sflag:s17] =	ssyncadd.s32 $0xFFFFC000  }
0xda: {  	[tilespmem:s11], [sflag:$0x2] =	stream.indirect.gather [hbm4b:s8+s9], $0x80, s22, s9, $0xb8;
	[tilespmem:$0x9800] =	vst v63  }
0xdb: {  	_ =	swait.ge [sflag:s12], $0x4000  }
0xdc: {  	[sflag:s12] =	ssyncset.done $0x0  }
0xdd: {  	[sflag:s12] =	ssyncadd.s32 $0xFFFFC000  }
0xde: {  	[spmem:s2] =	stream.indirect.scatter.add.f32 [tilespmem:s10], [sflag:$0x3], $0x80, s23, s9, $0xb8;
	[tilespmem:$0x9800] =	vst v63  }
0xdf: {  	_ =	swait.ge [sflag:s13], $0x4000  }
0xe0: {  	[sflag:s13] =	ssyncset.done $0x0  }
0xe1: {  	[sflag:s13] =	ssyncadd.s32 $0xFFFFC000  }
0xe2: {  	[spmem:s2] =	stream.indirect.scatter.add.f32 [tilespmem:s11], [sflag:$0x4], $0x80, s24, s9, $0xb8;
	[tilespmem:$0x9800] =	vst v63  }
0xe3: {  	_ =	swait.ge [sflag:s15], $0x4000  }
0xe4: {  	[sflag:s15] =	ssyncset.done $0x0  }
0xe5: {  	[sflag:s15] =	ssyncadd.s32 $0xFFFFC000  }
0xe6: {  	[tilespmem:s10], [sflag:$0x1] =	stream.indirect.gather [hbm4b:s8+s9], $0x80, s25, s9, $0xb8;
	[tilespmem:$0x9800] =	vst v63  }
0xe7: {  	_ =	swait.ge [sflag:s17], $0x4000  }
0xe8: {  	[sflag:s17] =	ssyncset.done $0x0  }
0xe9: {  	[sflag:s17] =	ssyncadd.s32 $0xFFFFC000  }
0xea: {  	[tilespmem:s11], [sflag:$0x2] =	stream.indirect.gather [hbm4b:s8+s9], $0x80, s26, s9, $0xb8;
	[tilespmem:$0x9800] =	vst v63  }
0xeb: {  	_ =	swait.ge [sflag:s12], $0x4000  }
0xec: {  	[sflag:s12] =	ssyncset.done $0x0  }
0xed: {  	[sflag:s12] =	ssyncadd.s32 $0xFFFFC000  }
0xee: {  	[spmem:s2] =	stream.indirect.scatter.add.f32 [tilespmem:s10], [sflag:$0x3], $0x80, s28, s9, $0xb8;
	[tilespmem:$0x9800] =	vst v63  }
0xef: {  	_ =	swait.ge [sflag:s13], $0x4000  }
0xf0: {  	[sflag:s13] =	ssyncset.done $0x0  }
0xf1: {  	[sflag:s13] =	ssyncadd.s32 $0xFFFFC000  }
0xf2: {  	[spmem:s2] =	stream.indirect.scatter.add.f32 [tilespmem:s11], [sflag:$0x4], $0x80, s29, s9, $0xb8;
	[tilespmem:$0x9800] =	vst v63  }
0xf3: {  	_ =	swait.ge [sflag:s15], $0x4000  }
0xf4: {  	[sflag:s15] =	ssyncset.done $0x0  }
0xf5: {  	[sflag:s15] =	ssyncadd.s32 $0xFFFFC000  }
0xf6: {  	_ =	swait.ge [sflag:s17], $0x4000  }
0xf7: {  	[sflag:s17] =	ssyncset.done $0x0  }
0xf8: {  	s1 =	rddreg [dreg:$0x7];
	[sflag:s17] =	ssyncadd.s32 $0xFFFFC000  }
0xf9: {  	[tilespmem:s3], [sflag:$0x5] =	stream.linear.gather [hbm4b:s1+s3], $0x400, $0x38;
	[tilespmem:$0x9800] =	vst v63  }
0xfa: {  	_ =	swait.ge [sflag:s5], $0x400  }
0xfb: {  	[sflag:s5] =	ssyncset.done $0x0  }
0xfc: {  	[sflag:s5] =	ssyncadd.s32 $0xFFFFFC00  }
0xfd: {  	[tilespmem:s7], [sflag:$0x5] =	stream.linear.gather [hbm4b:s30+s3], $0x400, $0x38;
	[tilespmem:$0x9800] =	vst v63  }
0xfe: {  	_ =	swait.ge [sflag:s5], $0x400  }
0xff: {  	[sflag:s5] =	ssyncset.done $0x0  }
0x100: {  	[sflag:s5] =	ssyncadd.s32 $0xFFFFFC00  }
0x101: {  	[tilespmem:s10], [sflag:$0x1] =	stream.indirect.gather [hbm4b:s8+s9], $0x80, s3, s9, $0xb8;
	[tilespmem:$0x9800] =	vst v63  }
0x102: {  	_ = 	snop  }
0x103: {  	[tilespmem:s11], [sflag:$0x2] =	stream.indirect.gather [hbm4b:s8+s9], $0x80, s9, s9, $0xb8;
	[tilespmem:$0x9800] =	vst v63  }
0x104: {  	_ =	swait.ge [sflag:s12], $0x4000  }
0x105: {  	[sflag:s12] =	ssyncset.done $0x0  }
0x106: {  	[sflag:s12] =	ssyncadd.s32 $0xFFFFC000  }
0x107: {  	[spmem:s2] =	stream.indirect.scatter.add.f32 [tilespmem:s10], [sflag:$0x3], $0x80, s7, s9, $0xb8;
	[tilespmem:$0x9800] =	vst v63  }
0x108: {  	_ =	swait.ge [sflag:s13], $0x4000  }
0x109: {  	[sflag:s13] =	ssyncset.done $0x0  }
0x10a: {  	[sflag:s13] =	ssyncadd.s32 $0xFFFFC000  }
0x10b: {  	[spmem:s2] =	stream.indirect.scatter.add.f32 [tilespmem:s11], [sflag:$0x4], $0x80, s14, s9, $0xb8;
	[tilespmem:$0x9800] =	vst v63  }
0x10c: {  	_ =	swait.ge [sflag:s15], $0x4000  }
0x10d: {  	[sflag:s15] =	ssyncset.done $0x0  }
0x10e: {  	[sflag:s15] =	ssyncadd.s32 $0xFFFFC000  }
0x10f: {  	[tilespmem:s10], [sflag:$0x1] =	stream.indirect.gather [hbm4b:s8+s9], $0x80, s16, s9, $0xb8;
	[tilespmem:$0x9800] =	vst v63  }
0x110: {  	_ =	swait.ge [sflag:s17], $0x4000  }
0x111: {  	[sflag:s17] =	ssyncset.done $0x0  }
0x112: {  	[sflag:s17] =	ssyncadd.s32 $0xFFFFC000  }
0x113: {  	[tilespmem:s11], [sflag:$0x2] =	stream.indirect.gather [hbm4b:s8+s9], $0x80, s18, s9, $0xb8;
	[tilespmem:$0x9800] =	vst v63  }
0x114: {  	_ =	swait.ge [sflag:s12], $0x4000  }
0x115: {  	[sflag:s12] =	ssyncset.done $0x0  }
0x116: {  	[sflag:s12] =	ssyncadd.s32 $0xFFFFC000  }
0x117: {  	[spmem:s2] =	stream.indirect.scatter.add.f32 [tilespmem:s10], [sflag:$0x3], $0x80, s19, s9, $0xb8;
	[tilespmem:$0x9800] =	vst v63  }
0x118: {  	_ =	swait.ge [sflag:s13], $0x4000  }
0x119: {  	[sflag:s13] =	ssyncset.done $0x0  }
0x11a: {  	[sflag:s13] =	ssyncadd.s32 $0xFFFFC000  }
0x11b: {  	[spmem:s2] =	stream.indirect.scatter.add.f32 [tilespmem:s11], [sflag:$0x4], $0x80, s20, s9, $0xb8;
	[tilespmem:$0x9800] =	vst v63  }
0x11c: {  	_ =	swait.ge [sflag:s15], $0x4000  }
0x11d: {  	[sflag:s15] =	ssyncset.done $0x0  }
0x11e: {  	[sflag:s15] =	ssyncadd.s32 $0xFFFFC000  }
0x11f: {  	[tilespmem:s10], [sflag:$0x1] =	stream.indirect.gather [hbm4b:s8+s9], $0x80, s21, s9, $0xb8;
	[tilespmem:$0x9800] =	vst v63  }
0x120: {  	_ =	swait.ge [sflag:s17], $0x4000  }
0x121: {  	[sflag:s17] =	ssyncset.done $0x0  }
0x122: {  	[sflag:s17] =	ssyncadd.s32 $0xFFFFC000  }
0x123: {  	[tilespmem:s11], [sflag:$0x2] =	stream.indirect.gather [hbm4b:s8+s9], $0x80, s22, s9, $0xb8;
	[tilespmem:$0x9800] =	vst v63  }
0x124: {  	_ =	swait.ge [sflag:s12], $0x4000  }
0x125: {  	[sflag:s12] =	ssyncset.done $0x0  }
0x126: {  	[sflag:s12] =	ssyncadd.s32 $0xFFFFC000  }
0x127: {  	[spmem:s2] =	stream.indirect.scatter.add.f32 [tilespmem:s10], [sflag:$0x3], $0x80, s23, s9, $0xb8;
	[tilespmem:$0x9800] =	vst v63  }
0x128: {  	_ =	swait.ge [sflag:s13], $0x4000  }
0x129: {  	[sflag:s13] =	ssyncset.done $0x0  }
0x12a: {  	[sflag:s13] =	ssyncadd.s32 $0xFFFFC000  }
0x12b: {  	[spmem:s2] =	stream.indirect.scatter.add.f32 [tilespmem:s11], [sflag:$0x4], $0x80, s24, s9, $0xb8;
	[tilespmem:$0x9800] =	vst v63  }
0x12c: {  	_ =	swait.ge [sflag:s15], $0x4000  }
0x12d: {  	[sflag:s15] =	ssyncset.done $0x0  }
0x12e: {  	[sflag:s15] =	ssyncadd.s32 $0xFFFFC000  }
0x12f: {  	[tilespmem:s10], [sflag:$0x1] =	stream.indirect.gather [hbm4b:s8+s9], $0x80, s25, s9, $0xb8;
	[tilespmem:$0x9800] =	vst v63  }
0x130: {  	_ =	swait.ge [sflag:s17], $0x4000  }
0x131: {  	[sflag:s17] =	ssyncset.done $0x0  }
0x132: {  	[sflag:s17] =	ssyncadd.s32 $0xFFFFC000  }
0x133: {  	[tilespmem:s11], [sflag:$0x2] =	stream.indirect.gather [hbm4b:s8+s9], $0x80, s26, s9, $0xb8;
	[tilespmem:$0x9800] =	vst v63  }
0x134: {  	_ =	swait.ge [sflag:s12], $0x4000  }
0x135: {  	[sflag:s12] =	ssyncset.done $0x0  }
0x136: {  	[sflag:s12] =	ssyncadd.s32 $0xFFFFC000  }
0x137: {  	[spmem:s2] =	stream.indirect.scatter.add.f32 [tilespmem:s10], [sflag:$0x3], $0x80, s28, s9, $0xb8;
	[tilespmem:$0x9800] =	vst v63  }
0x138: {  	_ =	swait.ge [sflag:s13], $0x4000  }
0x139: {  	[sflag:s13] =	ssyncset.done $0x0  }
0x13a: {  	[sflag:s13] =	ssyncadd.s32 $0xFFFFC000  }
0x13b: {  	[spmem:s2] =	stream.indirect.scatter.add.f32 [tilespmem:s11], [sflag:$0x4], $0x80, s29, s9, $0xb8;
	[tilespmem:$0x9800] =	vst v63  }
0x13c: {  	_ =	swait.ge [sflag:s15], $0x4000  }
0x13d: {  	[sflag:s15] =	ssyncset.done $0x0  }
0x13e: {  	[sflag:s15] =	ssyncadd.s32 $0xFFFFC000  }
0x13f: {  	p0 =	sne.s32 s0, $0x1;
	_ =	swait.ge [sflag:s17], $0x4000  }
.Ltmp1:
0x140: {  	[sflag:s17] =	ssyncset.done $0x0;
	(pc) =	sbr.rel @p0 .LBB2_1-.Ltmp1, $4  }
0x141: {  	[sflag:s17] =	ssyncadd.s32 $0xFFFFC000  }
0x142: {  	[bflag:$0x0] =	sbarrier.arrive $0xFFFF  }
0x143: {  	[hbm:s31], [sflag:s4] =	dma.local [spmem:s6], $0x200  }
0x144: {  	s0 =	sadd.s32 $0xFFFFFFFF, s0;
	_ =	swait.ge [sflag:s5], $0x200  }
.LBB2_2:
0x145: {  	[sflag:s5] =	ssyncset.done $0x0  }
0x146: {  	[sflag:s5] =	ssyncadd.s32 $0xFFFFFE00  }
0x147: {  	_ =	sfence.sel $0x180000  }
0x148: {  	[bflag:$0x0] =	sbarrier.arrive $0xFFFF  }
0x149: {  	_ =	strace $0x90000050  }
0x14a: {  	s0 =	stileid.u32;
	[bflag:$0x2] =	sbarrier.arrive $0xFFFF  }
0x14b: {  	p0 =	sne.s32 s0, $0x0;
	s0 =	rddreg [dreg:$0x3]  }
0x14c: {  	s0 =	sadd.s32 @!p0 $0x100000, s0  }
0x14d: {  	[sflag:s0] =	ssyncadd.tile.s32 @!p0 $0x1;
	_ =	shalt  }
.Lfunc_end2:
_tile_overlayer_lowered:
.L_overlay_start_2:
0x14e: {  	(tag) =	ssettag $0x2  }
0x14f: {  	s0 =	rddreg [dreg:$0x0];
	s2 =	stileid.u32  }
0x150: {  	s1 =	rddreg [dreg:$0x1];
	p0 =	sne.s32 s2, $0x0  }
0x151: {  	s3 =	rddreg [dreg:$0x2];
	[bflag:$0x3] =	sbarrier.arrive $0xFFFF;
	s2 =	simm.s32 @!p0 $0x1C05  }
0x152: {  	[timem:s3], [sflag:s2] =	dma.local @!p0 [hbm:s0], s1  }
0x153: {  	s0 =	simm.s32 @!p0 $0x5  }
0x154: {  	_ =	swait.ge @!p0 [sflag:s0], s1  }
0x155: {  	s1 =	ssub.s32 @!p0 $0x0, s1;
	[sflag:s0] =	ssyncset.done @!p0 $0x0  }
0x156: {  	[sflag:s0] =	ssyncadd.s32 @!p0 s1  }
0x157: {  	[bflag:$0x3] =	sbarrier.arrive $0xFFFF  }
0x158: {  	_ =	shalt  }

</sc_bundles>
